<compile_context>
chip_gen: v7x
topology: tpu7x:2x2x1
jax: 0.10.2.dev20260603
libtpu: 0.0.44.dev20260713+nightly
codegen_flags: <defaults>
</compile_context>

<pallas_src>
import functools

import jax
import jax.numpy as jnp
from jax import lax
from jax.experimental import pallas as pl
from jax.experimental.pallas import tpu as pltpu
from jax.experimental.pallas import tpu_sc as plsc

N = 10000
NP = 10240
E = 320000
NG = 64
D_IN = 128
H1 = 16
H2 = 32

NC = 2
NS = 16
NW = NC * NS
EPW = E // NW
CE = 128
NCHUNK = 80
EPWP = NCHUNK * CE
NR = NP // NS

RB = 1024
NBLK = NP // RB

def _sc_mesh():
  return plsc.VectorSubcoreMesh(
      core_axis_name="c", subcore_axis_name="s", num_cores=NC,
      num_subcores=NS)


@functools.cache
def _make_deg_kernel():
  @functools.partial(
      pl.kernel,
      out_type=jax.ShapeDtypeStruct((NC, NP), jnp.float32),
      mesh=_sc_mesh(),
      scratch_types=[
          pltpu.VMEM((NCHUNK, CE), jnp.int32),
          pltpu.VMEM((CE,), jnp.float32),
          pltpu.VMEM_SHARED((NP,), jnp.float32),
          pltpu.SemaphoreType.DMA,
          pltpu.SemaphoreType.DMA,
      ],
      compiler_params=pltpu.CompilerParams(use_tc_tiling_on_sc=False),
  )
  def deg_k(dst_hbm, z_hbm, out_hbm, didx, ones_v, acc, sm0, sm1):
    c = lax.axis_index("c")
    s = lax.axis_index("s")
    wid = s * NC + c
    pltpu.sync_copy(z_hbm.at[pl.ds(s * NR, NR)], acc.at[pl.ds(s * NR, NR)])
    pltpu.sync_copy(dst_hbm.at[wid], didx)
    for k in range(CE // 16):
      ones_v[pl.ds(k * 16, 16)] = jnp.ones((16,), jnp.float32)
    plsc.subcore_barrier()

    pltpu.async_copy(ones_v, acc.at[didx.at[0]], sm0, add=True)
    pltpu.async_copy(ones_v, acc.at[didx.at[1]], sm1, add=True)

    def chunk(q, carry):
      j = 2 * q
      pltpu.make_async_copy(ones_v, acc.at[didx.at[0]], sm0).wait()
      pltpu.async_copy(ones_v, acc.at[didx.at[j + 2]], sm0, add=True)
      pltpu.make_async_copy(ones_v, acc.at[didx.at[0]], sm1).wait()
      pltpu.async_copy(ones_v, acc.at[didx.at[j + 3]], sm1, add=True)
      return carry

    lax.fori_loop(0, (NCHUNK - 2) // 2, chunk, 0)
    pltpu.make_async_copy(ones_v, acc.at[didx.at[0]], sm0).wait()
    pltpu.make_async_copy(ones_v, acc.at[didx.at[0]], sm1).wait()
    plsc.subcore_barrier()
    pltpu.sync_copy(acc.at[pl.ds(s * NR, NR)],
                    out_hbm.at[c].at[pl.ds(s * NR, NR)])

  return deg_k


@functools.cache
def _make_edge_kernel(h, ce):
  nchunk = EPWP // ce
  assert nchunk % 4 == 0 and nchunk >= 8

  @functools.partial(
      pl.kernel,
      out_type=jax.ShapeDtypeStruct((NC, NP, h), jnp.float32),
      mesh=_sc_mesh(),
      scratch_types=[
          pltpu.VMEM((nchunk, ce), jnp.int32),
          pltpu.VMEM((nchunk, ce), jnp.int32),
          pltpu.VMEM((ce, h), jnp.float32),
          pltpu.VMEM((ce, h), jnp.float32),
          pltpu.VMEM((ce, h), jnp.float32),
          pltpu.VMEM((ce, h), jnp.float32),
          pltpu.SemaphoreType.DMA,
          pltpu.SemaphoreType.DMA,
          pltpu.SemaphoreType.DMA,
          pltpu.SemaphoreType.DMA,
          pltpu.SemaphoreType.DMA,
          pltpu.SemaphoreType.DMA,
          pltpu.SemaphoreType.DMA,
          pltpu.SemaphoreType.DMA,
          pltpu.VMEM_SHARED((NP, h), jnp.float32),
      ],
      compiler_params=pltpu.CompilerParams(use_tc_tiling_on_sc=False),
  )
  def edge_k(src_hbm, dst_hbm, g_hbm, z_hbm, out_hbm, sidx, didx, r0, r1, r2,
             r3, g0, g1_, g2_, g3, s0, s1, s2, s3, acc):
    c = lax.axis_index("c")
    s = lax.axis_index("s")
    wid = s * NC + c
    pltpu.sync_copy(z_hbm.at[pl.ds(s * NR, NR)], acc.at[pl.ds(s * NR, NR)])
    pltpu.sync_copy(src_hbm.at[wid], sidx)
    pltpu.sync_copy(dst_hbm.at[wid], didx)
    plsc.subcore_barrier()

    bufs = (r0, r1, r2, r3)
    gsems = (g0, g1_, g2_, g3)
    ssems = (s0, s1, s2, s3)

    def gather(j, b):
      pltpu.async_copy(g_hbm.at[sidx.at[j]], bufs[b], gsems[b])

    def gather_wait(j, b):
      pltpu.make_async_copy(g_hbm.at[sidx.at[j]], bufs[b], gsems[b]).wait()

    def scatter(j, b):
      pltpu.async_copy(bufs[b], acc.at[didx.at[j]], ssems[b], add=True)

    def scatter_wait(b):
      pltpu.make_async_copy(bufs[b], acc.at[didx.at[0]], ssems[b]).wait()

    for b in range(3):
      gather(b, b)
    for b in range(4):
      gather_wait(b, b)
      scatter(b, b)
      bn = (b + 3) % 4
      if b > 0:
        scatter_wait(bn)
      gather(b + 3, bn)

    def outer(q, carry):
      j0 = 4 * q
      for b in range(4):
        j = j0 + b
        gather_wait(j, b)
        scatter(j, b)
        bn = (b + 3) % 4

        @pl.when(j + 3 < nchunk)
        def _():
          scatter_wait(bn)
          gather(j + 3, bn)
      return carry

    lax.fori_loop(1, nchunk // 4, outer, 0)
    for b in range(4):
      scatter_wait(b)
    plsc.subcore_barrier()
    pltpu.sync_copy(acc.at[pl.ds(s * NR, NR)],
                    out_hbm.at[c].at[pl.ds(s * NR, NR)])

  return edge_k


def _deg_kernel(dst, z1):
  return _make_deg_kernel()(dst.reshape(NW, NCHUNK, CE), z1)


CE1 = 128
CE2 = 128


def _edge_kernel_h1(src, dst, g, z):
  return _make_edge_kernel(H1, CE1)(
      src.reshape(NW, EPWP // CE1, CE1), dst.reshape(NW, EPWP // CE1, CE1),
      g, z)


def _edge_kernel_h2(src, dst, g, z):
  return _make_edge_kernel(H2, CE2)(
      src.reshape(NW, EPWP // CE2, CE2), dst.reshape(NW, EPWP // CE2, CE2),
      g, z)


def _mm1s(xp, W1, deg0, deg1):
  def body(x_ref, w_ref, d0_ref, d1_ref, g_ref, dinv_ref):
    dinv = lax.rsqrt(d0_ref[...] + d1_ref[...] + 1.0)
    dinv_ref[...] = dinv
    g_ref[...] = dinv * jnp.dot(x_ref[...], w_ref[...],
                                preferred_element_type=jnp.float32)

  return pl.pallas_call(
      body,
      grid=(NBLK,),
      in_specs=[
          pl.BlockSpec((RB, D_IN), lambda i: (i, 0)),
          pl.BlockSpec((D_IN, H1), lambda i: (0, 0)),
          pl.BlockSpec((RB, 1), lambda i: (i, 0)),
          pl.BlockSpec((RB, 1), lambda i: (i, 0)),
      ],
      out_specs=[
          pl.BlockSpec((RB, H1), lambda i: (i, 0)),
          pl.BlockSpec((RB, 1), lambda i: (i, 0)),
      ],
      out_shape=[
          jax.ShapeDtypeStruct((NP, H1), jnp.float32),
          jax.ShapeDtypeStruct((NP, 1), jnp.float32),
      ],
  )(xp, W1, deg0, deg1)


def _mid(acc_a, acc_b, g1, dinv, b1, W2):
  def body(aa_ref, ab_ref, g_ref, d_ref, b_ref, w_ref, o_ref):
    a1 = jnp.maximum(
        d_ref[...] * (aa_ref[...] + ab_ref[...] + g_ref[...]) + b_ref[...],
        0.0)
    o_ref[...] = d_ref[...] * jnp.dot(a1, w_ref[...],
                                      preferred_element_type=jnp.float32)

  return pl.pallas_call(
      body,
      grid=(NBLK,),
      in_specs=[
          pl.BlockSpec((RB, H1), lambda i: (i, 0)),
          pl.BlockSpec((RB, H1), lambda i: (i, 0)),
          pl.BlockSpec((RB, H1), lambda i: (i, 0)),
          pl.BlockSpec((RB, 1), lambda i: (i, 0)),
          pl.BlockSpec((1, H1), lambda i: (0, 0)),
          pl.BlockSpec((H1, H2), lambda i: (0, 0)),
      ],
      out_specs=pl.BlockSpec((RB, H2), lambda i: (i, 0)),
      out_shape=jax.ShapeDtypeStruct((NP, H2), jnp.float32),
  )(acc_a, acc_b, g1, dinv, b1, W2)


def _final(acc_a, acc_b, g2, dinv, b2, bm, Wl, bl):
  def body(aa_ref, ab_ref, g_ref, d_ref, b_ref, bm_ref, wl_ref, bl_ref,
           o_ref, s_scr, c_scr):
    i = pl.program_id(0)

    @pl.when(i == 0)
    def _():
      s_scr[...] = jnp.zeros_like(s_scr)
      c_scr[...] = jnp.zeros_like(c_scr)

    a2 = jnp.maximum(
        d_ref[...] * (aa_ref[...] + ab_ref[...] + g_ref[...]) + b_ref[...],
        0.0)
    oh = (lax.broadcasted_iota(jnp.int32, (NG, RB), 0) ==
          bm_ref[...]).astype(jnp.float32)
    s_scr[...] += jnp.dot(oh, a2, preferred_element_type=jnp.float32)
    c_scr[...] += jnp.sum(oh, axis=1, keepdims=True)

    @pl.when(i == NBLK - 1)
    def _():
      pooled = s_scr[...] / jnp.maximum(c_scr[...], 1.0)
      o_ref[...] = jnp.maximum(
          jnp.dot(pooled, wl_ref[...], preferred_element_type=jnp.float32) +
          bl_ref[...], 0.0)

  return pl.pallas_call(
      body,
      grid=(NBLK,),
      in_specs=[
          pl.BlockSpec((RB, H2), lambda i: (i, 0)),
          pl.BlockSpec((RB, H2), lambda i: (i, 0)),
          pl.BlockSpec((RB, H2), lambda i: (i, 0)),
          pl.BlockSpec((RB, 1), lambda i: (i, 0)),
          pl.BlockSpec((1, H2), lambda i: (0, 0)),
          pl.BlockSpec((1, RB), lambda i: (0, i)),
          pl.BlockSpec((H2, H2), lambda i: (0, 0)),
          pl.BlockSpec((1, H2), lambda i: (0, 0)),
      ],
      out_specs=pl.BlockSpec((NG, H2), lambda i: (0, 0)),
      out_shape=jax.ShapeDtypeStruct((NG, H2), jnp.float32),
      scratch_shapes=[
          pltpu.VMEM((NG, H2), jnp.float32),
          pltpu.VMEM((NG, 1), jnp.float32),
      ],
      compiler_params=pltpu.CompilerParams(
          dimension_semantics=("arbitrary",)),
  )(acc_a, acc_b, g2, dinv, b2, bm, Wl, bl)


def kernel(x, edge_index, edge_attr, batch_mask, W1, b1, W2, b2, Wl, bl):
  del edge_attr
  f32 = jnp.float32

  xp = jnp.zeros((NP, D_IN), f32).at[:N].set(x)
  pad_ids = N + (jnp.arange(EPWP - EPW, dtype=jnp.int32) % (NP - N))
  pad_blk = jnp.broadcast_to(pad_ids, (NW, EPWP - EPW))
  src = jnp.concatenate(
      [edge_index[0].reshape(NW, EPW), pad_blk], axis=1)
  dst = jnp.concatenate(
      [edge_index[1].reshape(NW, EPW), pad_blk], axis=1)
  bm = jnp.full((1, NP), NG, jnp.int32).at[0, :N].set(batch_mask)
  z1 = jnp.zeros((NP,), f32)
  z16 = jnp.zeros((NP, H1), f32)
  z32 = jnp.zeros((NP, H2), f32)

  deg = _deg_kernel(dst, z1)
  g1, dinv = _mm1s(xp, W1, deg[0].reshape(NP, 1), deg[1].reshape(NP, 1))
  acc1 = _edge_kernel_h1(src, dst, g1, z16)
  g2 = _mid(acc1[0], acc1[1], g1, dinv, b1.reshape(1, H1), W2)
  acc2 = _edge_kernel_h2(src, dst, g2, z32)
  out = _final(acc2[0], acc2[1], g2, dinv, b2.reshape(1, H2), bm, Wl,
               bl.reshape(1, H2))
  return out

# --- scband reference (transcript-rebuilt; emitter-appended) ---
"""Pipeline reference for scband-encoder-17600775979896 (READ-ONLY COPY).

The authoritative reference and input builder live on the scoring server;
editing this copy changes nothing except your own understanding.
"""

import jax, jax.numpy as jnp
import numpy as np

N = 10000
E = 320000
NG = 64
D_IN = 128
D_EDGE = 16
H1 = 16
H2 = 32


def setup_inputs(seed: int = 0) -> dict:
    key = jax.random.key(seed)
    ks = jax.random.split(key, 10)
    x = jax.random.normal(ks[0], (N, D_IN), dtype=jnp.float32)
    edge_index = jax.random.randint(ks[1], (2, E), 0, N, dtype=jnp.int32)
    edge_attr = jax.random.normal(ks[2], (E, D_EDGE), dtype=jnp.float32)
    batch_mask = jnp.sort(jax.random.randint(ks[3], (N,), 0, NG, dtype=jnp.int32))
    W1 = jax.random.normal(ks[4], (D_IN, H1), dtype=jnp.float32) * (1.0 / np.sqrt(D_IN))
    b1 = jnp.zeros((H1,), dtype=jnp.float32)
    W2 = jax.random.normal(ks[5], (H1, H2), dtype=jnp.float32) * (1.0 / np.sqrt(H1))
    b2 = jnp.zeros((H2,), dtype=jnp.float32)
    Wl = jax.random.normal(ks[6], (H2, H2), dtype=jnp.float32) * (1.0 / np.sqrt(H2))
    bl = jnp.zeros((H2,), dtype=jnp.float32)
    return {"x": x, "edge_index": edge_index, "edge_attr": edge_attr,
            "batch_mask": batch_mask, "W1": W1, "b1": b1, "W2": W2, "b2": b2,
            "Wl": Wl, "bl": bl}


def _gcn_conv(x, edge_index, W, b):
    # GCNConv: add self-loops, symmetric normalization D^{-1/2}(A+I)D^{-1/2} X W + b
    loop = jnp.arange(N, dtype=edge_index.dtype)
    src = jnp.concatenate([edge_index[0], loop])
    dst = jnp.concatenate([edge_index[1], loop])
    deg = jnp.zeros((N,), x.dtype).at[dst].add(1.0)
    dinv = jnp.where(deg > 0, jax.lax.rsqrt(deg), 0.0)
    norm = dinv[src] * dinv[dst]
    h = x @ W
    msg = h[src] * norm[:, None]
    out = jnp.zeros((N, W.shape[1]), x.dtype).at[dst].add(msg)
    return out + b


def reference(x, edge_index, edge_attr, batch_mask, W1, b1, W2, b2, Wl, bl):
    # edge_attr is accepted by the original forward but unused by GCNConv
    h = jax.nn.relu(_gcn_conv(x, edge_index, W1, b1))
    h = jax.nn.relu(_gcn_conv(h, edge_index, W2, b2))
    # global_mean_pool over batch_mask segments
    s = jax.ops.segment_sum(h, batch_mask, num_segments=NG)
    cnt = jax.ops.segment_sum(jnp.ones((N, 1), h.dtype), batch_mask, num_segments=NG)
    pooled = s / jnp.maximum(cnt, 1.0)
    embeddings = jax.nn.relu(pooled @ Wl + bl)
    return embeddings

if __name__ == "__main__":
    import jax
    _d = setup_inputs()
    print(jax.jit(kernel)(*tuple(_d.values())))

</pallas_src>

<mosaic_0001>
#map = affine_map<(d0, d1) -> (0, 0, 0)>
#map1 = affine_map<(d0, d1) -> (0, 0)>
module attributes {stable_mosaic.version = 14 : i64} {
  func.func @edge_k(%arg0: i32, %arg1: i32, %arg2: memref<32x80x128xi32, #tpu.memory_space<hbm>>, %arg3: memref<32x80x128xi32, #tpu.memory_space<hbm>>, %arg4: memref<10240x16xf32, #tpu.memory_space<hbm>>, %arg5: memref<10240x16xf32, #tpu.memory_space<hbm>>, %arg6: memref<2x10240x16xf32, #tpu.memory_space<hbm>>, %arg7: memref<80x128xi32, #tpu.memory_space<vmem>>, %arg8: memref<80x128xi32, #tpu.memory_space<vmem>>, %arg9: memref<128x16xf32, #tpu.memory_space<vmem>>, %arg10: memref<128x16xf32, #tpu.memory_space<vmem>>, %arg11: memref<128x16xf32, #tpu.memory_space<vmem>>, %arg12: memref<128x16xf32, #tpu.memory_space<vmem>>, %arg13: memref<!tpu.dma_semaphore, #tpu.memory_space<semaphore_mem>>, %arg14: memref<!tpu.dma_semaphore, #tpu.memory_space<semaphore_mem>>, %arg15: memref<!tpu.dma_semaphore, #tpu.memory_space<semaphore_mem>>, %arg16: memref<!tpu.dma_semaphore, #tpu.memory_space<semaphore_mem>>, %arg17: memref<!tpu.dma_semaphore, #tpu.memory_space<semaphore_mem>>, %arg18: memref<!tpu.dma_semaphore, #tpu.memory_space<semaphore_mem>>, %arg19: memref<!tpu.dma_semaphore, #tpu.memory_space<semaphore_mem>>, %arg20: memref<!tpu.dma_semaphore, #tpu.memory_space<semaphore_mem>>, %arg21: memref<10240x16xf32, #tpu.memory_space<vmem_shared>>) attributes {dimension_semantics = [#tpu.dimension_semantics<core_parallel>, #tpu.dimension_semantics<subcore_parallel>], iteration_bounds = array<i64: 2, 16>, scalar_prefetch = 0 : i64, scratch_operands = 15 : i64, tpu.core_type = #tpu.core_type<sc_vector_subcore>, window_params = [{transform_indices = #map}, {transform_indices = #map}, {transform_indices = #map1}, {transform_indices = #map1}, {transform_indices = #map}]} {
    %mul3A = arith.constant 2 : i32
    %mul3A_0 = arith.muli %arg1, %mul3A : i32
    %add3A = arith.addi %mul3A_0, %arg0 : i32
    %mul3A_1 = arith.constant 640 : i32
    %mul3A_2 = arith.muli %arg1, %mul3A_1 : i32
    %mul3A_3 = arith.constant 640 : i32
    %mul3A_4 = arith.muli %arg1, %mul3A_3 : i32
    "tpu.region"() ({
      %run_scoped3A = tpu.sem_alloc : memref<!tpu.dma_semaphore, #tpu.memory_space<semaphore_mem>>
      %dma_start3A_167 = arith.constant 0 : i32
      %dma_start3A_168 = tpu.memref_slice %arg21[%mul3A_4, %dma_start3A_167] : memref<10240x16xf32, #tpu.memory_space<vmem_shared>> -> memref<640x16xf32, #tpu.memory_space<vmem_shared>>
      %dma_start3A_169 = arith.constant 0 : i32
      %dma_start3A_170 = tpu.memref_slice %arg5[%mul3A_2, %dma_start3A_169] : memref<10240x16xf32, #tpu.memory_space<hbm>> -> memref<640x16xf32, #tpu.memory_space<hbm>>
      tpu.enqueue_dma source(%dma_start3A_170 : memref<640x16xf32, #tpu.memory_space<hbm>>) target(%dma_start3A_168 : memref<640x16xf32, #tpu.memory_space<vmem_shared>>) target_semaphore(%run_scoped3A : memref<!tpu.dma_semaphore, #tpu.memory_space<semaphore_mem>>)
      %dma_wait3A_171 = arith.constant 0 : i32
      %dma_wait3A_172 = tpu.memref_slice %arg21[%mul3A_4, %dma_wait3A_171] : memref<10240x16xf32, #tpu.memory_space<vmem_shared>> -> memref<640x16xf32, #tpu.memory_space<vmem_shared>>
      %dma_wait3A_173 = arith.constant 0 : i32
      %dma_wait3A_174 = tpu.memref_slice %arg5[%mul3A_2, %dma_wait3A_173] : memref<10240x16xf32, #tpu.memory_space<hbm>> -> memref<640x16xf32, #tpu.memory_space<hbm>>
      tpu.wait_dma2 semaphore(%run_scoped3A : memref<!tpu.dma_semaphore, #tpu.memory_space<semaphore_mem>>) src(%dma_wait3A_174 : memref<640x16xf32, #tpu.memory_space<hbm>>) dst(%dma_wait3A_172 : memref<640x16xf32, #tpu.memory_space<vmem_shared>>)
      tpu.yield
    }) : () -> ()
    "tpu.region"() ({
      %run_scoped3A = tpu.sem_alloc : memref<!tpu.dma_semaphore, #tpu.memory_space<semaphore_mem>>
      %dma_start3A_167 = arith.constant 0 : i32
      %dma_start3A_168 = arith.constant 0 : i32
      %dma_start3A_169 = tpu.memref_slice %arg2[%add3A, %dma_start3A_167, %dma_start3A_168] : memref<32x80x128xi32, #tpu.memory_space<hbm>> -> memref<1x80x128xi32, #tpu.memory_space<hbm>>
      %dma_start3A_170 = tpu.memref_squeeze %dma_start3A_169 : memref<1x80x128xi32, #tpu.memory_space<hbm>> -> memref<80x128xi32, #tpu.memory_space<hbm>>
      %dma_start3A_171 = arith.constant 0 : i32
      %dma_start3A_172 = arith.constant 0 : i32
      %dma_start3A_173 = tpu.memref_slice %arg2[%add3A, %dma_start3A_171, %dma_start3A_172] : memref<32x80x128xi32, #tpu.memory_space<hbm>> -> memref<1x80x128xi32, #tpu.memory_space<hbm>>
      %dma_start3A_174 = tpu.memref_squeeze %dma_start3A_173 : memref<1x80x128xi32, #tpu.memory_space<hbm>> -> memref<80x128xi32, #tpu.memory_space<hbm>>
      tpu.enqueue_dma source(%dma_start3A_174 : memref<80x128xi32, #tpu.memory_space<hbm>>) target(%arg7 : memref<80x128xi32, #tpu.memory_space<vmem>>) target_semaphore(%run_scoped3A : memref<!tpu.dma_semaphore, #tpu.memory_space<semaphore_mem>>)
      %dma_wait3A_175 = arith.constant 0 : i32
      %dma_wait3A_176 = arith.constant 0 : i32
      %dma_wait3A_177 = tpu.memref_slice %arg2[%add3A, %dma_wait3A_175, %dma_wait3A_176] : memref<32x80x128xi32, #tpu.memory_space<hbm>> -> memref<1x80x128xi32, #tpu.memory_space<hbm>>
      %dma_wait3A_178 = tpu.memref_squeeze %dma_wait3A_177 : memref<1x80x128xi32, #tpu.memory_space<hbm>> -> memref<80x128xi32, #tpu.memory_space<hbm>>
      %dma_wait3A_179 = arith.constant 0 : i32
      %dma_wait3A_180 = arith.constant 0 : i32
      %dma_wait3A_181 = tpu.memref_slice %arg2[%add3A, %dma_wait3A_179, %dma_wait3A_180] : memref<32x80x128xi32, #tpu.memory_space<hbm>> -> memref<1x80x128xi32, #tpu.memory_space<hbm>>
      %dma_wait3A_182 = tpu.memref_squeeze %dma_wait3A_181 : memref<1x80x128xi32, #tpu.memory_space<hbm>> -> memref<80x128xi32, #tpu.memory_space<hbm>>
      tpu.wait_dma2 semaphore(%run_scoped3A : memref<!tpu.dma_semaphore, #tpu.memory_space<semaphore_mem>>) src(%dma_wait3A_182 : memref<80x128xi32, #tpu.memory_space<hbm>>) dst(%arg7 : memref<80x128xi32, #tpu.memory_space<vmem>>)
      tpu.yield
    }) : () -> ()
    "tpu.region"() ({
      %run_scoped3A = tpu.sem_alloc : memref<!tpu.dma_semaphore, #tpu.memory_space<semaphore_mem>>
      %dma_start3A_167 = arith.constant 0 : i32
      %dma_start3A_168 = arith.constant 0 : i32
      %dma_start3A_169 = tpu.memref_slice %arg3[%add3A, %dma_start3A_167, %dma_start3A_168] : memref<32x80x128xi32, #tpu.memory_space<hbm>> -> memref<1x80x128xi32, #tpu.memory_space<hbm>>
      %dma_start3A_170 = tpu.memref_squeeze %dma_start3A_169 : memref<1x80x128xi32, #tpu.memory_space<hbm>> -> memref<80x128xi32, #tpu.memory_space<hbm>>
      %dma_start3A_171 = arith.constant 0 : i32
      %dma_start3A_172 = arith.constant 0 : i32
      %dma_start3A_173 = tpu.memref_slice %arg3[%add3A, %dma_start3A_171, %dma_start3A_172] : memref<32x80x128xi32, #tpu.memory_space<hbm>> -> memref<1x80x128xi32, #tpu.memory_space<hbm>>
      %dma_start3A_174 = tpu.memref_squeeze %dma_start3A_173 : memref<1x80x128xi32, #tpu.memory_space<hbm>> -> memref<80x128xi32, #tpu.memory_space<hbm>>
      tpu.enqueue_dma source(%dma_start3A_174 : memref<80x128xi32, #tpu.memory_space<hbm>>) target(%arg8 : memref<80x128xi32, #tpu.memory_space<vmem>>) target_semaphore(%run_scoped3A : memref<!tpu.dma_semaphore, #tpu.memory_space<semaphore_mem>>)
      %dma_wait3A_175 = arith.constant 0 : i32
      %dma_wait3A_176 = arith.constant 0 : i32
      %dma_wait3A_177 = tpu.memref_slice %arg3[%add3A, %dma_wait3A_175, %dma_wait3A_176] : memref<32x80x128xi32, #tpu.memory_space<hbm>> -> memref<1x80x128xi32, #tpu.memory_space<hbm>>
      %dma_wait3A_178 = tpu.memref_squeeze %dma_wait3A_177 : memref<1x80x128xi32, #tpu.memory_space<hbm>> -> memref<80x128xi32, #tpu.memory_space<hbm>>
      %dma_wait3A_179 = arith.constant 0 : i32
      %dma_wait3A_180 = arith.constant 0 : i32
      %dma_wait3A_181 = tpu.memref_slice %arg3[%add3A, %dma_wait3A_179, %dma_wait3A_180] : memref<32x80x128xi32, #tpu.memory_space<hbm>> -> memref<1x80x128xi32, #tpu.memory_space<hbm>>
      %dma_wait3A_182 = tpu.memref_squeeze %dma_wait3A_181 : memref<1x80x128xi32, #tpu.memory_space<hbm>> -> memref<80x128xi32, #tpu.memory_space<hbm>>
      tpu.wait_dma2 semaphore(%run_scoped3A : memref<!tpu.dma_semaphore, #tpu.memory_space<semaphore_mem>>) src(%dma_wait3A_182 : memref<80x128xi32, #tpu.memory_space<hbm>>) dst(%arg8 : memref<80x128xi32, #tpu.memory_space<vmem>>)
      tpu.yield
    }) : () -> ()
    %barrier3A = arith.constant 0 : index
    tpu.barrier barrier_id(%barrier3A)
    %dma_start3A = arith.constant 0 : i32
    %dma_start3A_5 = arith.constant 0 : i32
    %dma_start3A_6 = tpu.memref_slice %arg7[%dma_start3A, %dma_start3A_5] : memref<80x128xi32, #tpu.memory_space<vmem>> -> memref<1x128xi32, #tpu.memory_space<vmem>>
    %dma_start3A_7 = tpu.memref_squeeze %dma_start3A_6 : memref<1x128xi32, #tpu.memory_space<vmem>> -> memref<128xi32, #tpu.memory_space<vmem>>
    %dma_start3A_8 = arith.constant 0 : i32
    %dma_start3A_9 = arith.constant 0 : i32
    %dma_start3A_10 = tpu.memref_slice %arg4[%dma_start3A_8, %dma_start3A_9] : memref<10240x16xf32, #tpu.memory_space<hbm>> -> memref<10240x16xf32, #tpu.memory_space<hbm>>
    tpu.enqueue_indirect_dma source(%dma_start3A_10 : memref<10240x16xf32, #tpu.memory_space<hbm>>) target(%arg9 : memref<128x16xf32, #tpu.memory_space<vmem>>) offsets(%dma_start3A_7 : memref<128xi32, #tpu.memory_space<vmem>>) semaphore(%arg13 : memref<!tpu.dma_semaphore, #tpu.memory_space<semaphore_mem>>)
    %dma_start3A_11 = arith.constant 1 : i32
    %dma_start3A_12 = arith.constant 0 : i32
    %dma_start3A_13 = tpu.memref_slice %arg7[%dma_start3A_11, %dma_start3A_12] : memref<80x128xi32, #tpu.memory_space<vmem>> -> memref<1x128xi32, #tpu.memory_space<vmem>>
    %dma_start3A_14 = tpu.memref_squeeze %dma_start3A_13 : memref<1x128xi32, #tpu.memory_space<vmem>> -> memref<128xi32, #tpu.memory_space<vmem>>
    %dma_start3A_15 = arith.constant 0 : i32
    %dma_start3A_16 = arith.constant 0 : i32
    %dma_start3A_17 = tpu.memref_slice %arg4[%dma_start3A_15, %dma_start3A_16] : memref<10240x16xf32, #tpu.memory_space<hbm>> -> memref<10240x16xf32, #tpu.memory_space<hbm>>
    tpu.enqueue_indirect_dma source(%dma_start3A_17 : memref<10240x16xf32, #tpu.memory_space<hbm>>) target(%arg10 : memref<128x16xf32, #tpu.memory_space<vmem>>) offsets(%dma_start3A_14 : memref<128xi32, #tpu.memory_space<vmem>>) semaphore(%arg14 : memref<!tpu.dma_semaphore, #tpu.memory_space<semaphore_mem>>)
    %dma_start3A_18 = arith.constant 2 : i32
    %dma_start3A_19 = arith.constant 0 : i32
    %dma_start3A_20 = tpu.memref_slice %arg7[%dma_start3A_18, %dma_start3A_19] : memref<80x128xi32, #tpu.memory_space<vmem>> -> memref<1x128xi32, #tpu.memory_space<vmem>>
    %dma_start3A_21 = tpu.memref_squeeze %dma_start3A_20 : memref<1x128xi32, #tpu.memory_space<vmem>> -> memref<128xi32, #tpu.memory_space<vmem>>
    %dma_start3A_22 = arith.constant 0 : i32
    %dma_start3A_23 = arith.constant 0 : i32
    %dma_start3A_24 = tpu.memref_slice %arg4[%dma_start3A_22, %dma_start3A_23] : memref<10240x16xf32, #tpu.memory_space<hbm>> -> memref<10240x16xf32, #tpu.memory_space<hbm>>
    tpu.enqueue_indirect_dma source(%dma_start3A_24 : memref<10240x16xf32, #tpu.memory_space<hbm>>) target(%arg11 : memref<128x16xf32, #tpu.memory_space<vmem>>) offsets(%dma_start3A_21 : memref<128xi32, #tpu.memory_space<vmem>>) semaphore(%arg15 : memref<!tpu.dma_semaphore, #tpu.memory_space<semaphore_mem>>)
    %dma_wait3A = arith.constant 0 : i32
    %dma_wait3A_25 = arith.constant 0 : i32
    %dma_wait3A_26 = tpu.memref_slice %arg7[%dma_wait3A, %dma_wait3A_25] : memref<80x128xi32, #tpu.memory_space<vmem>> -> memref<1x128xi32, #tpu.memory_space<vmem>>
    %dma_wait3A_27 = tpu.memref_squeeze %dma_wait3A_26 : memref<1x128xi32, #tpu.memory_space<vmem>> -> memref<128xi32, #tpu.memory_space<vmem>>
    %dma_wait3A_28 = arith.constant 0 : i32
    %dma_wait3A_29 = arith.constant 0 : i32
    %dma_wait3A_30 = tpu.memref_slice %arg4[%dma_wait3A_28, %dma_wait3A_29] : memref<10240x16xf32, #tpu.memory_space<hbm>> -> memref<10240x16xf32, #tpu.memory_space<hbm>>
    tpu.wait_indirect_dma semaphore(%arg13 : memref<!tpu.dma_semaphore, #tpu.memory_space<semaphore_mem>>) src(%dma_wait3A_30 : memref<10240x16xf32, #tpu.memory_space<hbm>>) dst(%arg9 : memref<128x16xf32, #tpu.memory_space<vmem>>)
    %dma_start3A_31 = arith.constant 0 : i32
    %dma_start3A_32 = arith.constant 0 : i32
    %dma_start3A_33 = tpu.memref_slice %arg8[%dma_start3A_31, %dma_start3A_32] : memref<80x128xi32, #tpu.memory_space<vmem>> -> memref<1x128xi32, #tpu.memory_space<vmem>>
    %dma_start3A_34 = tpu.memref_squeeze %dma_start3A_33 : memref<1x128xi32, #tpu.memory_space<vmem>> -> memref<128xi32, #tpu.memory_space<vmem>>
    %dma_start3A_35 = arith.constant 0 : i32
    %dma_start3A_36 = arith.constant 0 : i32
    %dma_start3A_37 = tpu.memref_slice %arg21[%dma_start3A_35, %dma_start3A_36] : memref<10240x16xf32, #tpu.memory_space<vmem_shared>> -> memref<10240x16xf32, #tpu.memory_space<vmem_shared>>
    tpu.enqueue_indirect_dma source(%arg9 : memref<128x16xf32, #tpu.memory_space<vmem>>) target(%dma_start3A_37 : memref<10240x16xf32, #tpu.memory_space<vmem_shared>>) offsets(%dma_start3A_34 : memref<128xi32, #tpu.memory_space<vmem>>) semaphore(%arg17 : memref<!tpu.dma_semaphore, #tpu.memory_space<semaphore_mem>>) {add = true}
    %dma_start3A_38 = arith.constant 3 : i32
    %dma_start3A_39 = arith.constant 0 : i32
    %dma_start3A_40 = tpu.memref_slice %arg7[%dma_start3A_38, %dma_start3A_39] : memref<80x128xi32, #tpu.memory_space<vmem>> -> memref<1x128xi32, #tpu.memory_space<vmem>>
    %dma_start3A_41 = tpu.memref_squeeze %dma_start3A_40 : memref<1x128xi32, #tpu.memory_space<vmem>> -> memref<128xi32, #tpu.memory_space<vmem>>
    %dma_start3A_42 = arith.constant 0 : i32
    %dma_start3A_43 = arith.constant 0 : i32
    %dma_start3A_44 = tpu.memref_slice %arg4[%dma_start3A_42, %dma_start3A_43] : memref<10240x16xf32, #tpu.memory_space<hbm>> -> memref<10240x16xf32, #tpu.memory_space<hbm>>
    tpu.enqueue_indirect_dma source(%dma_start3A_44 : memref<10240x16xf32, #tpu.memory_space<hbm>>) target(%arg12 : memref<128x16xf32, #tpu.memory_space<vmem>>) offsets(%dma_start3A_41 : memref<128xi32, #tpu.memory_space<vmem>>) semaphore(%arg16 : memref<!tpu.dma_semaphore, #tpu.memory_space<semaphore_mem>>)
    %dma_wait3A_45 = arith.constant 1 : i32
    %dma_wait3A_46 = arith.constant 0 : i32
    %dma_wait3A_47 = tpu.memref_slice %arg7[%dma_wait3A_45, %dma_wait3A_46] : memref<80x128xi32, #tpu.memory_space<vmem>> -> memref<1x128xi32, #tpu.memory_space<vmem>>
    %dma_wait3A_48 = tpu.memref_squeeze %dma_wait3A_47 : memref<1x128xi32, #tpu.memory_space<vmem>> -> memref<128xi32, #tpu.memory_space<vmem>>
    %dma_wait3A_49 = arith.constant 0 : i32
    %dma_wait3A_50 = arith.constant 0 : i32
    %dma_wait3A_51 = tpu.memref_slice %arg4[%dma_wait3A_49, %dma_wait3A_50] : memref<10240x16xf32, #tpu.memory_space<hbm>> -> memref<10240x16xf32, #tpu.memory_space<hbm>>
    tpu.wait_indirect_dma semaphore(%arg14 : memref<!tpu.dma_semaphore, #tpu.memory_space<semaphore_mem>>) src(%dma_wait3A_51 : memref<10240x16xf32, #tpu.memory_space<hbm>>) dst(%arg10 : memref<128x16xf32, #tpu.memory_space<vmem>>)
    %dma_start3A_52 = arith.constant 1 : i32
    %dma_start3A_53 = arith.constant 0 : i32
    %dma_start3A_54 = tpu.memref_slice %arg8[%dma_start3A_52, %dma_start3A_53] : memref<80x128xi32, #tpu.memory_space<vmem>> -> memref<1x128xi32, #tpu.memory_space<vmem>>
    %dma_start3A_55 = tpu.memref_squeeze %dma_start3A_54 : memref<1x128xi32, #tpu.memory_space<vmem>> -> memref<128xi32, #tpu.memory_space<vmem>>
    %dma_start3A_56 = arith.constant 0 : i32
    %dma_start3A_57 = arith.constant 0 : i32
    %dma_start3A_58 = tpu.memref_slice %arg21[%dma_start3A_56, %dma_start3A_57] : memref<10240x16xf32, #tpu.memory_space<vmem_shared>> -> memref<10240x16xf32, #tpu.memory_space<vmem_shared>>
    tpu.enqueue_indirect_dma source(%arg10 : memref<128x16xf32, #tpu.memory_space<vmem>>) target(%dma_start3A_58 : memref<10240x16xf32, #tpu.memory_space<vmem_shared>>) offsets(%dma_start3A_55 : memref<128xi32, #tpu.memory_space<vmem>>) semaphore(%arg18 : memref<!tpu.dma_semaphore, #tpu.memory_space<semaphore_mem>>) {add = true}
    %dma_wait3A_59 = arith.constant 0 : i32
    %dma_wait3A_60 = arith.constant 0 : i32
    %dma_wait3A_61 = tpu.memref_slice %arg8[%dma_wait3A_59, %dma_wait3A_60] : memref<80x128xi32, #tpu.memory_space<vmem>> -> memref<1x128xi32, #tpu.memory_space<vmem>>
    %dma_wait3A_62 = tpu.memref_squeeze %dma_wait3A_61 : memref<1x128xi32, #tpu.memory_space<vmem>> -> memref<128xi32, #tpu.memory_space<vmem>>
    %dma_wait3A_63 = arith.constant 0 : i32
    %dma_wait3A_64 = arith.constant 0 : i32
    %dma_wait3A_65 = tpu.memref_slice %arg21[%dma_wait3A_63, %dma_wait3A_64] : memref<10240x16xf32, #tpu.memory_space<vmem_shared>> -> memref<10240x16xf32, #tpu.memory_space<vmem_shared>>
    tpu.wait_indirect_dma semaphore(%arg17 : memref<!tpu.dma_semaphore, #tpu.memory_space<semaphore_mem>>) src(%arg9 : memref<128x16xf32, #tpu.memory_space<vmem>>) dst(%dma_wait3A_65 : memref<10240x16xf32, #tpu.memory_space<vmem_shared>>)
    %dma_start3A_66 = arith.constant 4 : i32
    %dma_start3A_67 = arith.constant 0 : i32
    %dma_start3A_68 = tpu.memref_slice %arg7[%dma_start3A_66, %dma_start3A_67] : memref<80x128xi32, #tpu.memory_space<vmem>> -> memref<1x128xi32, #tpu.memory_space<vmem>>
    %dma_start3A_69 = tpu.memref_squeeze %dma_start3A_68 : memref<1x128xi32, #tpu.memory_space<vmem>> -> memref<128xi32, #tpu.memory_space<vmem>>
    %dma_start3A_70 = arith.constant 0 : i32
    %dma_start3A_71 = arith.constant 0 : i32
    %dma_start3A_72 = tpu.memref_slice %arg4[%dma_start3A_70, %dma_start3A_71] : memref<10240x16xf32, #tpu.memory_space<hbm>> -> memref<10240x16xf32, #tpu.memory_space<hbm>>
    tpu.enqueue_indirect_dma source(%dma_start3A_72 : memref<10240x16xf32, #tpu.memory_space<hbm>>) target(%arg9 : memref<128x16xf32, #tpu.memory_space<vmem>>) offsets(%dma_start3A_69 : memref<128xi32, #tpu.memory_space<vmem>>) semaphore(%arg13 : memref<!tpu.dma_semaphore, #tpu.memory_space<semaphore_mem>>)
    %dma_wait3A_73 = arith.constant 2 : i32
    %dma_wait3A_74 = arith.constant 0 : i32
    %dma_wait3A_75 = tpu.memref_slice %arg7[%dma_wait3A_73, %dma_wait3A_74] : memref<80x128xi32, #tpu.memory_space<vmem>> -> memref<1x128xi32, #tpu.memory_space<vmem>>
    %dma_wait3A_76 = tpu.memref_squeeze %dma_wait3A_75 : memref<1x128xi32, #tpu.memory_space<vmem>> -> memref<128xi32, #tpu.memory_space<vmem>>
    %dma_wait3A_77 = arith.constant 0 : i32
    %dma_wait3A_78 = arith.constant 0 : i32
    %dma_wait3A_79 = tpu.memref_slice %arg4[%dma_wait3A_77, %dma_wait3A_78] : memref<10240x16xf32, #tpu.memory_space<hbm>> -> memref<10240x16xf32, #tpu.memory_space<hbm>>
    tpu.wait_indirect_dma semaphore(%arg15 : memref<!tpu.dma_semaphore, #tpu.memory_space<semaphore_mem>>) src(%dma_wait3A_79 : memref<10240x16xf32, #tpu.memory_space<hbm>>) dst(%arg11 : memref<128x16xf32, #tpu.memory_space<vmem>>)
    %dma_start3A_80 = arith.constant 2 : i32
    %dma_start3A_81 = arith.constant 0 : i32
    %dma_start3A_82 = tpu.memref_slice %arg8[%dma_start3A_80, %dma_start3A_81] : memref<80x128xi32, #tpu.memory_space<vmem>> -> memref<1x128xi32, #tpu.memory_space<vmem>>
    %dma_start3A_83 = tpu.memref_squeeze %dma_start3A_82 : memref<1x128xi32, #tpu.memory_space<vmem>> -> memref<128xi32, #tpu.memory_space<vmem>>
    %dma_start3A_84 = arith.constant 0 : i32
    %dma_start3A_85 = arith.constant 0 : i32
    %dma_start3A_86 = tpu.memref_slice %arg21[%dma_start3A_84, %dma_start3A_85] : memref<10240x16xf32, #tpu.memory_space<vmem_shared>> -> memref<10240x16xf32, #tpu.memory_space<vmem_shared>>
    tpu.enqueue_indirect_dma source(%arg11 : memref<128x16xf32, #tpu.memory_space<vmem>>) target(%dma_start3A_86 : memref<10240x16xf32, #tpu.memory_space<vmem_shared>>) offsets(%dma_start3A_83 : memref<128xi32, #tpu.memory_space<vmem>>) semaphore(%arg19 : memref<!tpu.dma_semaphore, #tpu.memory_space<semaphore_mem>>) {add = true}
    %dma_wait3A_87 = arith.constant 0 : i32
    %dma_wait3A_88 = arith.constant 0 : i32
    %dma_wait3A_89 = tpu.memref_slice %arg8[%dma_wait3A_87, %dma_wait3A_88] : memref<80x128xi32, #tpu.memory_space<vmem>> -> memref<1x128xi32, #tpu.memory_space<vmem>>
    %dma_wait3A_90 = tpu.memref_squeeze %dma_wait3A_89 : memref<1x128xi32, #tpu.memory_space<vmem>> -> memref<128xi32, #tpu.memory_space<vmem>>
    %dma_wait3A_91 = arith.constant 0 : i32
    %dma_wait3A_92 = arith.constant 0 : i32
    %dma_wait3A_93 = tpu.memref_slice %arg21[%dma_wait3A_91, %dma_wait3A_92] : memref<10240x16xf32, #tpu.memory_space<vmem_shared>> -> memref<10240x16xf32, #tpu.memory_space<vmem_shared>>
    tpu.wait_indirect_dma semaphore(%arg18 : memref<!tpu.dma_semaphore, #tpu.memory_space<semaphore_mem>>) src(%arg10 : memref<128x16xf32, #tpu.memory_space<vmem>>) dst(%dma_wait3A_93 : memref<10240x16xf32, #tpu.memory_space<vmem_shared>>)
    %dma_start3A_94 = arith.constant 5 : i32
    %dma_start3A_95 = arith.constant 0 : i32
    %dma_start3A_96 = tpu.memref_slice %arg7[%dma_start3A_94, %dma_start3A_95] : memref<80x128xi32, #tpu.memory_space<vmem>> -> memref<1x128xi32, #tpu.memory_space<vmem>>
    %dma_start3A_97 = tpu.memref_squeeze %dma_start3A_96 : memref<1x128xi32, #tpu.memory_space<vmem>> -> memref<128xi32, #tpu.memory_space<vmem>>
    %dma_start3A_98 = arith.constant 0 : i32
    %dma_start3A_99 = arith.constant 0 : i32
    %dma_start3A_100 = tpu.memref_slice %arg4[%dma_start3A_98, %dma_start3A_99] : memref<10240x16xf32, #tpu.memory_space<hbm>> -> memref<10240x16xf32, #tpu.memory_space<hbm>>
    tpu.enqueue_indirect_dma source(%dma_start3A_100 : memref<10240x16xf32, #tpu.memory_space<hbm>>) target(%arg10 : memref<128x16xf32, #tpu.memory_space<vmem>>) offsets(%dma_start3A_97 : memref<128xi32, #tpu.memory_space<vmem>>) semaphore(%arg14 : memref<!tpu.dma_semaphore, #tpu.memory_space<semaphore_mem>>)
    %dma_wait3A_101 = arith.constant 3 : i32
    %dma_wait3A_102 = arith.constant 0 : i32
    %dma_wait3A_103 = tpu.memref_slice %arg7[%dma_wait3A_101, %dma_wait3A_102] : memref<80x128xi32, #tpu.memory_space<vmem>> -> memref<1x128xi32, #tpu.memory_space<vmem>>
    %dma_wait3A_104 = tpu.memref_squeeze %dma_wait3A_103 : memref<1x128xi32, #tpu.memory_space<vmem>> -> memref<128xi32, #tpu.memory_space<vmem>>
    %dma_wait3A_105 = arith.constant 0 : i32
    %dma_wait3A_106 = arith.constant 0 : i32
    %dma_wait3A_107 = tpu.memref_slice %arg4[%dma_wait3A_105, %dma_wait3A_106] : memref<10240x16xf32, #tpu.memory_space<hbm>> -> memref<10240x16xf32, #tpu.memory_space<hbm>>
    tpu.wait_indirect_dma semaphore(%arg16 : memref<!tpu.dma_semaphore, #tpu.memory_space<semaphore_mem>>) src(%dma_wait3A_107 : memref<10240x16xf32, #tpu.memory_space<hbm>>) dst(%arg12 : memref<128x16xf32, #tpu.memory_space<vmem>>)
    %dma_start3A_108 = arith.constant 3 : i32
    %dma_start3A_109 = arith.constant 0 : i32
    %dma_start3A_110 = tpu.memref_slice %arg8[%dma_start3A_108, %dma_start3A_109] : memref<80x128xi32, #tpu.memory_space<vmem>> -> memref<1x128xi32, #tpu.memory_space<vmem>>
    %dma_start3A_111 = tpu.memref_squeeze %dma_start3A_110 : memref<1x128xi32, #tpu.memory_space<vmem>> -> memref<128xi32, #tpu.memory_space<vmem>>
    %dma_start3A_112 = arith.constant 0 : i32
    %dma_start3A_113 = arith.constant 0 : i32
    %dma_start3A_114 = tpu.memref_slice %arg21[%dma_start3A_112, %dma_start3A_113] : memref<10240x16xf32, #tpu.memory_space<vmem_shared>> -> memref<10240x16xf32, #tpu.memory_space<vmem_shared>>
    tpu.enqueue_indirect_dma source(%arg12 : memref<128x16xf32, #tpu.memory_space<vmem>>) target(%dma_start3A_114 : memref<10240x16xf32, #tpu.memory_space<vmem_shared>>) offsets(%dma_start3A_111 : memref<128xi32, #tpu.memory_space<vmem>>) semaphore(%arg20 : memref<!tpu.dma_semaphore, #tpu.memory_space<semaphore_mem>>) {add = true}
    %dma_wait3A_115 = arith.constant 0 : i32
    %dma_wait3A_116 = arith.constant 0 : i32
    %dma_wait3A_117 = tpu.memref_slice %arg8[%dma_wait3A_115, %dma_wait3A_116] : memref<80x128xi32, #tpu.memory_space<vmem>> -> memref<1x128xi32, #tpu.memory_space<vmem>>
    %dma_wait3A_118 = tpu.memref_squeeze %dma_wait3A_117 : memref<1x128xi32, #tpu.memory_space<vmem>> -> memref<128xi32, #tpu.memory_space<vmem>>
    %dma_wait3A_119 = arith.constant 0 : i32
    %dma_wait3A_120 = arith.constant 0 : i32
    %dma_wait3A_121 = tpu.memref_slice %arg21[%dma_wait3A_119, %dma_wait3A_120] : memref<10240x16xf32, #tpu.memory_space<vmem_shared>> -> memref<10240x16xf32, #tpu.memory_space<vmem_shared>>
    tpu.wait_indirect_dma semaphore(%arg19 : memref<!tpu.dma_semaphore, #tpu.memory_space<semaphore_mem>>) src(%arg11 : memref<128x16xf32, #tpu.memory_space<vmem>>) dst(%dma_wait3A_121 : memref<10240x16xf32, #tpu.memory_space<vmem_shared>>)
    %dma_start3A_122 = arith.constant 6 : i32
    %dma_start3A_123 = arith.constant 0 : i32
    %dma_start3A_124 = tpu.memref_slice %arg7[%dma_start3A_122, %dma_start3A_123] : memref<80x128xi32, #tpu.memory_space<vmem>> -> memref<1x128xi32, #tpu.memory_space<vmem>>
    %dma_start3A_125 = tpu.memref_squeeze %dma_start3A_124 : memref<1x128xi32, #tpu.memory_space<vmem>> -> memref<128xi32, #tpu.memory_space<vmem>>
    %dma_start3A_126 = arith.constant 0 : i32
    %dma_start3A_127 = arith.constant 0 : i32
    %dma_start3A_128 = tpu.memref_slice %arg4[%dma_start3A_126, %dma_start3A_127] : memref<10240x16xf32, #tpu.memory_space<hbm>> -> memref<10240x16xf32, #tpu.memory_space<hbm>>
    tpu.enqueue_indirect_dma source(%dma_start3A_128 : memref<10240x16xf32, #tpu.memory_space<hbm>>) target(%arg11 : memref<128x16xf32, #tpu.memory_space<vmem>>) offsets(%dma_start3A_125 : memref<128xi32, #tpu.memory_space<vmem>>) semaphore(%arg15 : memref<!tpu.dma_semaphore, #tpu.memory_space<semaphore_mem>>)
    %scan3A = arith.constant 0 : i32
    %scan3A_129 = arith.constant 1 : i32
    %scan3A_130 = arith.constant 19 : i32
    %scan3A_131 = arith.addi %scan3A_129, %scan3A_130 : i32
    %scan3A_132 = arith.constant 1 : i32
    scf.for %scan3A_167 = %scan3A_129 to %scan3A_131 step %scan3A_132  : i32 {
      %mul3A_168 = arith.constant 4 : i32
      %mul3A_169 = arith.muli %mul3A_168, %scan3A_167 : i32
      %add3A_170 = arith.constant 0 : i32
      %add3A_171 = arith.addi %mul3A_169, %add3A_170 : i32
      %dma_wait3A_172 = arith.constant 0 : i32
      %dma_wait3A_173 = tpu.memref_slice %arg7[%add3A_171, %dma_wait3A_172] : memref<80x128xi32, #tpu.memory_space<vmem>> -> memref<1x128xi32, #tpu.memory_space<vmem>>
      %dma_wait3A_174 = tpu.memref_squeeze %dma_wait3A_173 : memref<1x128xi32, #tpu.memory_space<vmem>> -> memref<128xi32, #tpu.memory_space<vmem>>
      %dma_wait3A_175 = arith.constant 0 : i32
      %dma_wait3A_176 = arith.constant 0 : i32
      %dma_wait3A_177 = tpu.memref_slice %arg4[%dma_wait3A_175, %dma_wait3A_176] : memref<10240x16xf32, #tpu.memory_space<hbm>> -> memref<10240x16xf32, #tpu.memory_space<hbm>>
      tpu.wait_indirect_dma semaphore(%arg13 : memref<!tpu.dma_semaphore, #tpu.memory_space<semaphore_mem>>) src(%dma_wait3A_177 : memref<10240x16xf32, #tpu.memory_space<hbm>>) dst(%arg9 : memref<128x16xf32, #tpu.memory_space<vmem>>)
      %dma_start3A_178 = arith.constant 0 : i32
      %dma_start3A_179 = tpu.memref_slice %arg8[%add3A_171, %dma_start3A_178] : memref<80x128xi32, #tpu.memory_space<vmem>> -> memref<1x128xi32, #tpu.memory_space<vmem>>
      %dma_start3A_180 = tpu.memref_squeeze %dma_start3A_179 : memref<1x128xi32, #tpu.memory_space<vmem>> -> memref<128xi32, #tpu.memory_space<vmem>>
      %dma_start3A_181 = arith.constant 0 : i32
      %dma_start3A_182 = arith.constant 0 : i32
      %dma_start3A_183 = tpu.memref_slice %arg21[%dma_start3A_181, %dma_start3A_182] : memref<10240x16xf32, #tpu.memory_space<vmem_shared>> -> memref<10240x16xf32, #tpu.memory_space<vmem_shared>>
      tpu.enqueue_indirect_dma source(%arg9 : memref<128x16xf32, #tpu.memory_space<vmem>>) target(%dma_start3A_183 : memref<10240x16xf32, #tpu.memory_space<vmem_shared>>) offsets(%dma_start3A_180 : memref<128xi32, #tpu.memory_space<vmem>>) semaphore(%arg17 : memref<!tpu.dma_semaphore, #tpu.memory_space<semaphore_mem>>) {add = true}
      %add3A_184 = arith.constant 3 : i32
      %add3A_185 = arith.addi %add3A_171, %add3A_184 : i32
      %lt3A = arith.constant 80 : i32
      %lt3A_186 = arith.cmpi slt, %add3A_185, %lt3A : i32
      %convert_element_type3A = arith.extui %lt3A_186 : i1 to i32
      %cond3A = arith.constant 0 : i32
      %cond3A_187 = arith.cmpi ne, %convert_element_type3A, %cond3A : i32
      scf.if %cond3A_187 {
        %dma_wait3A_251 = arith.constant 0 : i32
        %dma_wait3A_252 = arith.constant 0 : i32
        %dma_wait3A_253 = tpu.memref_slice %arg8[%dma_wait3A_251, %dma_wait3A_252] : memref<80x128xi32, #tpu.memory_space<vmem>> -> memref<1x128xi32, #tpu.memory_space<vmem>>
        %dma_wait3A_254 = tpu.memref_squeeze %dma_wait3A_253 : memref<1x128xi32, #tpu.memory_space<vmem>> -> memref<128xi32, #tpu.memory_space<vmem>>
        %dma_wait3A_255 = arith.constant 0 : i32
        %dma_wait3A_256 = arith.constant 0 : i32
        %dma_wait3A_257 = tpu.memref_slice %arg21[%dma_wait3A_255, %dma_wait3A_256] : memref<10240x16xf32, #tpu.memory_space<vmem_shared>> -> memref<10240x16xf32, #tpu.memory_space<vmem_shared>>
        tpu.wait_indirect_dma semaphore(%arg20 : memref<!tpu.dma_semaphore, #tpu.memory_space<semaphore_mem>>) src(%arg12 : memref<128x16xf32, #tpu.memory_space<vmem>>) dst(%dma_wait3A_257 : memref<10240x16xf32, #tpu.memory_space<vmem_shared>>)
        %add3A_258 = arith.constant 3 : i32
        %add3A_259 = arith.addi %add3A_171, %add3A_258 : i32
        %dma_start3A_260 = arith.constant 0 : i32
        %dma_start3A_261 = tpu.memref_slice %arg7[%add3A_259, %dma_start3A_260] : memref<80x128xi32, #tpu.memory_space<vmem>> -> memref<1x128xi32, #tpu.memory_space<vmem>>
        %dma_start3A_262 = tpu.memref_squeeze %dma_start3A_261 : memref<1x128xi32, #tpu.memory_space<vmem>> -> memref<128xi32, #tpu.memory_space<vmem>>
        %dma_start3A_263 = arith.constant 0 : i32
        %dma_start3A_264 = arith.constant 0 : i32
        %dma_start3A_265 = tpu.memref_slice %arg4[%dma_start3A_263, %dma_start3A_264] : memref<10240x16xf32, #tpu.memory_space<hbm>> -> memref<10240x16xf32, #tpu.memory_space<hbm>>
        tpu.enqueue_indirect_dma source(%dma_start3A_265 : memref<10240x16xf32, #tpu.memory_space<hbm>>) target(%arg12 : memref<128x16xf32, #tpu.memory_space<vmem>>) offsets(%dma_start3A_262 : memref<128xi32, #tpu.memory_space<vmem>>) semaphore(%arg16 : memref<!tpu.dma_semaphore, #tpu.memory_space<semaphore_mem>>)
      } else {
      }
      %add3A_188 = arith.constant 1 : i32
      %add3A_189 = arith.addi %mul3A_169, %add3A_188 : i32
      %dma_wait3A_190 = arith.constant 0 : i32
      %dma_wait3A_191 = tpu.memref_slice %arg7[%add3A_189, %dma_wait3A_190] : memref<80x128xi32, #tpu.memory_space<vmem>> -> memref<1x128xi32, #tpu.memory_space<vmem>>
      %dma_wait3A_192 = tpu.memref_squeeze %dma_wait3A_191 : memref<1x128xi32, #tpu.memory_space<vmem>> -> memref<128xi32, #tpu.memory_space<vmem>>
      %dma_wait3A_193 = arith.constant 0 : i32
      %dma_wait3A_194 = arith.constant 0 : i32
      %dma_wait3A_195 = tpu.memref_slice %arg4[%dma_wait3A_193, %dma_wait3A_194] : memref<10240x16xf32, #tpu.memory_space<hbm>> -> memref<10240x16xf32, #tpu.memory_space<hbm>>
      tpu.wait_indirect_dma semaphore(%arg14 : memref<!tpu.dma_semaphore, #tpu.memory_space<semaphore_mem>>) src(%dma_wait3A_195 : memref<10240x16xf32, #tpu.memory_space<hbm>>) dst(%arg10 : memref<128x16xf32, #tpu.memory_space<vmem>>)
      %dma_start3A_196 = arith.constant 0 : i32
      %dma_start3A_197 = tpu.memref_slice %arg8[%add3A_189, %dma_start3A_196] : memref<80x128xi32, #tpu.memory_space<vmem>> -> memref<1x128xi32, #tpu.memory_space<vmem>>
      %dma_start3A_198 = tpu.memref_squeeze %dma_start3A_197 : memref<1x128xi32, #tpu.memory_space<vmem>> -> memref<128xi32, #tpu.memory_space<vmem>>
      %dma_start3A_199 = arith.constant 0 : i32
      %dma_start3A_200 = arith.constant 0 : i32
      %dma_start3A_201 = tpu.memref_slice %arg21[%dma_start3A_199, %dma_start3A_200] : memref<10240x16xf32, #tpu.memory_space<vmem_shared>> -> memref<10240x16xf32, #tpu.memory_space<vmem_shared>>
      tpu.enqueue_indirect_dma source(%arg10 : memref<128x16xf32, #tpu.memory_space<vmem>>) target(%dma_start3A_201 : memref<10240x16xf32, #tpu.memory_space<vmem_shared>>) offsets(%dma_start3A_198 : memref<128xi32, #tpu.memory_space<vmem>>) semaphore(%arg18 : memref<!tpu.dma_semaphore, #tpu.memory_space<semaphore_mem>>) {add = true}
      %add3A_202 = arith.constant 3 : i32
      %add3A_203 = arith.addi %add3A_189, %add3A_202 : i32
      %lt3A_204 = arith.constant 80 : i32
      %lt3A_205 = arith.cmpi slt, %add3A_203, %lt3A_204 : i32
      %convert_element_type3A_206 = arith.extui %lt3A_205 : i1 to i32
      %cond3A_207 = arith.constant 0 : i32
      %cond3A_208 = arith.cmpi ne, %convert_element_type3A_206, %cond3A_207 : i32
      scf.if %cond3A_208 {
        %dma_wait3A_251 = arith.constant 0 : i32
        %dma_wait3A_252 = arith.constant 0 : i32
        %dma_wait3A_253 = tpu.memref_slice %arg8[%dma_wait3A_251, %dma_wait3A_252] : memref<80x128xi32, #tpu.memory_space<vmem>> -> memref<1x128xi32, #tpu.memory_space<vmem>>
        %dma_wait3A_254 = tpu.memref_squeeze %dma_wait3A_253 : memref<1x128xi32, #tpu.memory_space<vmem>> -> memref<128xi32, #tpu.memory_space<vmem>>
        %dma_wait3A_255 = arith.constant 0 : i32
        %dma_wait3A_256 = arith.constant 0 : i32
        %dma_wait3A_257 = tpu.memref_slice %arg21[%dma_wait3A_255, %dma_wait3A_256] : memref<10240x16xf32, #tpu.memory_space<vmem_shared>> -> memref<10240x16xf32, #tpu.memory_space<vmem_shared>>
        tpu.wait_indirect_dma semaphore(%arg17 : memref<!tpu.dma_semaphore, #tpu.memory_space<semaphore_mem>>) src(%arg9 : memref<128x16xf32, #tpu.memory_space<vmem>>) dst(%dma_wait3A_257 : memref<10240x16xf32, #tpu.memory_space<vmem_shared>>)
        %add3A_258 = arith.constant 3 : i32
        %add3A_259 = arith.addi %add3A_189, %add3A_258 : i32
        %dma_start3A_260 = arith.constant 0 : i32
        %dma_start3A_261 = tpu.memref_slice %arg7[%add3A_259, %dma_start3A_260] : memref<80x128xi32, #tpu.memory_space<vmem>> -> memref<1x128xi32, #tpu.memory_space<vmem>>
        %dma_start3A_262 = tpu.memref_squeeze %dma_start3A_261 : memref<1x128xi32, #tpu.memory_space<vmem>> -> memref<128xi32, #tpu.memory_space<vmem>>
        %dma_start3A_263 = arith.constant 0 : i32
        %dma_start3A_264 = arith.constant 0 : i32
        %dma_start3A_265 = tpu.memref_slice %arg4[%dma_start3A_263, %dma_start3A_264] : memref<10240x16xf32, #tpu.memory_space<hbm>> -> memref<10240x16xf32, #tpu.memory_space<hbm>>
        tpu.enqueue_indirect_dma source(%dma_start3A_265 : memref<10240x16xf32, #tpu.memory_space<hbm>>) target(%arg9 : memref<128x16xf32, #tpu.memory_space<vmem>>) offsets(%dma_start3A_262 : memref<128xi32, #tpu.memory_space<vmem>>) semaphore(%arg13 : memref<!tpu.dma_semaphore, #tpu.memory_space<semaphore_mem>>)
      } else {
      }
      %add3A_209 = arith.constant 2 : i32
      %add3A_210 = arith.addi %mul3A_169, %add3A_209 : i32
      %dma_wait3A_211 = arith.constant 0 : i32
      %dma_wait3A_212 = tpu.memref_slice %arg7[%add3A_210, %dma_wait3A_211] : memref<80x128xi32, #tpu.memory_space<vmem>> -> memref<1x128xi32, #tpu.memory_space<vmem>>
      %dma_wait3A_213 = tpu.memref_squeeze %dma_wait3A_212 : memref<1x128xi32, #tpu.memory_space<vmem>> -> memref<128xi32, #tpu.memory_space<vmem>>
      %dma_wait3A_214 = arith.constant 0 : i32
      %dma_wait3A_215 = arith.constant 0 : i32
      %dma_wait3A_216 = tpu.memref_slice %arg4[%dma_wait3A_214, %dma_wait3A_215] : memref<10240x16xf32, #tpu.memory_space<hbm>> -> memref<10240x16xf32, #tpu.memory_space<hbm>>
      tpu.wait_indirect_dma semaphore(%arg15 : memref<!tpu.dma_semaphore, #tpu.memory_space<semaphore_mem>>) src(%dma_wait3A_216 : memref<10240x16xf32, #tpu.memory_space<hbm>>) dst(%arg11 : memref<128x16xf32, #tpu.memory_space<vmem>>)
      %dma_start3A_217 = arith.constant 0 : i32
      %dma_start3A_218 = tpu.memref_slice %arg8[%add3A_210, %dma_start3A_217] : memref<80x128xi32, #tpu.memory_space<vmem>> -> memref<1x128xi32, #tpu.memory_space<vmem>>
      %dma_start3A_219 = tpu.memref_squeeze %dma_start3A_218 : memref<1x128xi32, #tpu.memory_space<vmem>> -> memref<128xi32, #tpu.memory_space<vmem>>
      %dma_start3A_220 = arith.constant 0 : i32
      %dma_start3A_221 = arith.constant 0 : i32
      %dma_start3A_222 = tpu.memref_slice %arg21[%dma_start3A_220, %dma_start3A_221] : memref<10240x16xf32, #tpu.memory_space<vmem_shared>> -> memref<10240x16xf32, #tpu.memory_space<vmem_shared>>
      tpu.enqueue_indirect_dma source(%arg11 : memref<128x16xf32, #tpu.memory_space<vmem>>) target(%dma_start3A_222 : memref<10240x16xf32, #tpu.memory_space<vmem_shared>>) offsets(%dma_start3A_219 : memref<128xi32, #tpu.memory_space<vmem>>) semaphore(%arg19 : memref<!tpu.dma_semaphore, #tpu.memory_space<semaphore_mem>>) {add = true}
      %add3A_223 = arith.constant 3 : i32
      %add3A_224 = arith.addi %add3A_210, %add3A_223 : i32
      %lt3A_225 = arith.constant 80 : i32
      %lt3A_226 = arith.cmpi slt, %add3A_224, %lt3A_225 : i32
      %convert_element_type3A_227 = arith.extui %lt3A_226 : i1 to i32
      %cond3A_228 = arith.constant 0 : i32
      %cond3A_229 = arith.cmpi ne, %convert_element_type3A_227, %cond3A_228 : i32
      scf.if %cond3A_229 {
        %dma_wait3A_251 = arith.constant 0 : i32
        %dma_wait3A_252 = arith.constant 0 : i32
        %dma_wait3A_253 = tpu.memref_slice %arg8[%dma_wait3A_251, %dma_wait3A_252] : memref<80x128xi32, #tpu.memory_space<vmem>> -> memref<1x128xi32, #tpu.memory_space<vmem>>
        %dma_wait3A_254 = tpu.memref_squeeze %dma_wait3A_253 : memref<1x128xi32, #tpu.memory_space<vmem>> -> memref<128xi32, #tpu.memory_space<vmem>>
        %dma_wait3A_255 = arith.constant 0 : i32
        %dma_wait3A_256 = arith.constant 0 : i32
        %dma_wait3A_257 = tpu.memref_slice %arg21[%dma_wait3A_255, %dma_wait3A_256] : memref<10240x16xf32, #tpu.memory_space<vmem_shared>> -> memref<10240x16xf32, #tpu.memory_space<vmem_shared>>
        tpu.wait_indirect_dma semaphore(%arg18 : memref<!tpu.dma_semaphore, #tpu.memory_space<semaphore_mem>>) src(%arg10 : memref<128x16xf32, #tpu.memory_space<vmem>>) dst(%dma_wait3A_257 : memref<10240x16xf32, #tpu.memory_space<vmem_shared>>)
        %add3A_258 = arith.constant 3 : i32
        %add3A_259 = arith.addi %add3A_210, %add3A_258 : i32
        %dma_start3A_260 = arith.constant 0 : i32
        %dma_start3A_261 = tpu.memref_slice %arg7[%add3A_259, %dma_start3A_260] : memref<80x128xi32, #tpu.memory_space<vmem>> -> memref<1x128xi32, #tpu.memory_space<vmem>>
        %dma_start3A_262 = tpu.memref_squeeze %dma_start3A_261 : memref<1x128xi32, #tpu.memory_space<vmem>> -> memref<128xi32, #tpu.memory_space<vmem>>
        %dma_start3A_263 = arith.constant 0 : i32
        %dma_start3A_264 = arith.constant 0 : i32
        %dma_start3A_265 = tpu.memref_slice %arg4[%dma_start3A_263, %dma_start3A_264] : memref<10240x16xf32, #tpu.memory_space<hbm>> -> memref<10240x16xf32, #tpu.memory_space<hbm>>
        tpu.enqueue_indirect_dma source(%dma_start3A_265 : memref<10240x16xf32, #tpu.memory_space<hbm>>) target(%arg10 : memref<128x16xf32, #tpu.memory_space<vmem>>) offsets(%dma_start3A_262 : memref<128xi32, #tpu.memory_space<vmem>>) semaphore(%arg14 : memref<!tpu.dma_semaphore, #tpu.memory_space<semaphore_mem>>)
      } else {
      }
      %add3A_230 = arith.constant 3 : i32
      %add3A_231 = arith.addi %mul3A_169, %add3A_230 : i32
      %dma_wait3A_232 = arith.constant 0 : i32
      %dma_wait3A_233 = tpu.memref_slice %arg7[%add3A_231, %dma_wait3A_232] : memref<80x128xi32, #tpu.memory_space<vmem>> -> memref<1x128xi32, #tpu.memory_space<vmem>>
      %dma_wait3A_234 = tpu.memref_squeeze %dma_wait3A_233 : memref<1x128xi32, #tpu.memory_space<vmem>> -> memref<128xi32, #tpu.memory_space<vmem>>
      %dma_wait3A_235 = arith.constant 0 : i32
      %dma_wait3A_236 = arith.constant 0 : i32
      %dma_wait3A_237 = tpu.memref_slice %arg4[%dma_wait3A_235, %dma_wait3A_236] : memref<10240x16xf32, #tpu.memory_space<hbm>> -> memref<10240x16xf32, #tpu.memory_space<hbm>>
      tpu.wait_indirect_dma semaphore(%arg16 : memref<!tpu.dma_semaphore, #tpu.memory_space<semaphore_mem>>) src(%dma_wait3A_237 : memref<10240x16xf32, #tpu.memory_space<hbm>>) dst(%arg12 : memref<128x16xf32, #tpu.memory_space<vmem>>)
      %dma_start3A_238 = arith.constant 0 : i32
      %dma_start3A_239 = tpu.memref_slice %arg8[%add3A_231, %dma_start3A_238] : memref<80x128xi32, #tpu.memory_space<vmem>> -> memref<1x128xi32, #tpu.memory_space<vmem>>
      %dma_start3A_240 = tpu.memref_squeeze %dma_start3A_239 : memref<1x128xi32, #tpu.memory_space<vmem>> -> memref<128xi32, #tpu.memory_space<vmem>>
      %dma_start3A_241 = arith.constant 0 : i32
      %dma_start3A_242 = arith.constant 0 : i32
      %dma_start3A_243 = tpu.memref_slice %arg21[%dma_start3A_241, %dma_start3A_242] : memref<10240x16xf32, #tpu.memory_space<vmem_shared>> -> memref<10240x16xf32, #tpu.memory_space<vmem_shared>>
      tpu.enqueue_indirect_dma source(%arg12 : memref<128x16xf32, #tpu.memory_space<vmem>>) target(%dma_start3A_243 : memref<10240x16xf32, #tpu.memory_space<vmem_shared>>) offsets(%dma_start3A_240 : memref<128xi32, #tpu.memory_space<vmem>>) semaphore(%arg20 : memref<!tpu.dma_semaphore, #tpu.memory_space<semaphore_mem>>) {add = true}
      %add3A_244 = arith.constant 3 : i32
      %add3A_245 = arith.addi %add3A_231, %add3A_244 : i32
      %lt3A_246 = arith.constant 80 : i32
      %lt3A_247 = arith.cmpi slt, %add3A_245, %lt3A_246 : i32
      %convert_element_type3A_248 = arith.extui %lt3A_247 : i1 to i32
      %cond3A_249 = arith.constant 0 : i32
      %cond3A_250 = arith.cmpi ne, %convert_element_type3A_248, %cond3A_249 : i32
      scf.if %cond3A_250 {
        %dma_wait3A_251 = arith.constant 0 : i32
        %dma_wait3A_252 = arith.constant 0 : i32
        %dma_wait3A_253 = tpu.memref_slice %arg8[%dma_wait3A_251, %dma_wait3A_252] : memref<80x128xi32, #tpu.memory_space<vmem>> -> memref<1x128xi32, #tpu.memory_space<vmem>>
        %dma_wait3A_254 = tpu.memref_squeeze %dma_wait3A_253 : memref<1x128xi32, #tpu.memory_space<vmem>> -> memref<128xi32, #tpu.memory_space<vmem>>
        %dma_wait3A_255 = arith.constant 0 : i32
        %dma_wait3A_256 = arith.constant 0 : i32
        %dma_wait3A_257 = tpu.memref_slice %arg21[%dma_wait3A_255, %dma_wait3A_256] : memref<10240x16xf32, #tpu.memory_space<vmem_shared>> -> memref<10240x16xf32, #tpu.memory_space<vmem_shared>>
        tpu.wait_indirect_dma semaphore(%arg19 : memref<!tpu.dma_semaphore, #tpu.memory_space<semaphore_mem>>) src(%arg11 : memref<128x16xf32, #tpu.memory_space<vmem>>) dst(%dma_wait3A_257 : memref<10240x16xf32, #tpu.memory_space<vmem_shared>>)
        %add3A_258 = arith.constant 3 : i32
        %add3A_259 = arith.addi %add3A_231, %add3A_258 : i32
        %dma_start3A_260 = arith.constant 0 : i32
        %dma_start3A_261 = tpu.memref_slice %arg7[%add3A_259, %dma_start3A_260] : memref<80x128xi32, #tpu.memory_space<vmem>> -> memref<1x128xi32, #tpu.memory_space<vmem>>
        %dma_start3A_262 = tpu.memref_squeeze %dma_start3A_261 : memref<1x128xi32, #tpu.memory_space<vmem>> -> memref<128xi32, #tpu.memory_space<vmem>>
        %dma_start3A_263 = arith.constant 0 : i32
        %dma_start3A_264 = arith.constant 0 : i32
        %dma_start3A_265 = tpu.memref_slice %arg4[%dma_start3A_263, %dma_start3A_264] : memref<10240x16xf32, #tpu.memory_space<hbm>> -> memref<10240x16xf32, #tpu.memory_space<hbm>>
        tpu.enqueue_indirect_dma source(%dma_start3A_265 : memref<10240x16xf32, #tpu.memory_space<hbm>>) target(%arg11 : memref<128x16xf32, #tpu.memory_space<vmem>>) offsets(%dma_start3A_262 : memref<128xi32, #tpu.memory_space<vmem>>) semaphore(%arg15 : memref<!tpu.dma_semaphore, #tpu.memory_space<semaphore_mem>>)
      } else {
      }
    }
    %scan3A_133 = arith.constant 19 : i32
    %dma_wait3A_134 = arith.constant 0 : i32
    %dma_wait3A_135 = arith.constant 0 : i32
    %dma_wait3A_136 = tpu.memref_slice %arg8[%dma_wait3A_134, %dma_wait3A_135] : memref<80x128xi32, #tpu.memory_space<vmem>> -> memref<1x128xi32, #tpu.memory_space<vmem>>
    %dma_wait3A_137 = tpu.memref_squeeze %dma_wait3A_136 : memref<1x128xi32, #tpu.memory_space<vmem>> -> memref<128xi32, #tpu.memory_space<vmem>>
    %dma_wait3A_138 = arith.constant 0 : i32
    %dma_wait3A_139 = arith.constant 0 : i32
    %dma_wait3A_140 = tpu.memref_slice %arg21[%dma_wait3A_138, %dma_wait3A_139] : memref<10240x16xf32, #tpu.memory_space<vmem_shared>> -> memref<10240x16xf32, #tpu.memory_space<vmem_shared>>
    tpu.wait_indirect_dma semaphore(%arg17 : memref<!tpu.dma_semaphore, #tpu.memory_space<semaphore_mem>>) src(%arg9 : memref<128x16xf32, #tpu.memory_space<vmem>>) dst(%dma_wait3A_140 : memref<10240x16xf32, #tpu.memory_space<vmem_shared>>)
    %dma_wait3A_141 = arith.constant 0 : i32
    %dma_wait3A_142 = arith.constant 0 : i32
    %dma_wait3A_143 = tpu.memref_slice %arg8[%dma_wait3A_141, %dma_wait3A_142] : memref<80x128xi32, #tpu.memory_space<vmem>> -> memref<1x128xi32, #tpu.memory_space<vmem>>
    %dma_wait3A_144 = tpu.memref_squeeze %dma_wait3A_143 : memref<1x128xi32, #tpu.memory_space<vmem>> -> memref<128xi32, #tpu.memory_space<vmem>>
    %dma_wait3A_145 = arith.constant 0 : i32
    %dma_wait3A_146 = arith.constant 0 : i32
    %dma_wait3A_147 = tpu.memref_slice %arg21[%dma_wait3A_145, %dma_wait3A_146] : memref<10240x16xf32, #tpu.memory_space<vmem_shared>> -> memref<10240x16xf32, #tpu.memory_space<vmem_shared>>
    tpu.wait_indirect_dma semaphore(%arg18 : memref<!tpu.dma_semaphore, #tpu.memory_space<semaphore_mem>>) src(%arg10 : memref<128x16xf32, #tpu.memory_space<vmem>>) dst(%dma_wait3A_147 : memref<10240x16xf32, #tpu.memory_space<vmem_shared>>)
    %dma_wait3A_148 = arith.constant 0 : i32
    %dma_wait3A_149 = arith.constant 0 : i32
    %dma_wait3A_150 = tpu.memref_slice %arg8[%dma_wait3A_148, %dma_wait3A_149] : memref<80x128xi32, #tpu.memory_space<vmem>> -> memref<1x128xi32, #tpu.memory_space<vmem>>
    %dma_wait3A_151 = tpu.memref_squeeze %dma_wait3A_150 : memref<1x128xi32, #tpu.memory_space<vmem>> -> memref<128xi32, #tpu.memory_space<vmem>>
    %dma_wait3A_152 = arith.constant 0 : i32
    %dma_wait3A_153 = arith.constant 0 : i32
    %dma_wait3A_154 = tpu.memref_slice %arg21[%dma_wait3A_152, %dma_wait3A_153] : memref<10240x16xf32, #tpu.memory_space<vmem_shared>> -> memref<10240x16xf32, #tpu.memory_space<vmem_shared>>
    tpu.wait_indirect_dma semaphore(%arg19 : memref<!tpu.dma_semaphore, #tpu.memory_space<semaphore_mem>>) src(%arg11 : memref<128x16xf32, #tpu.memory_space<vmem>>) dst(%dma_wait3A_154 : memref<10240x16xf32, #tpu.memory_space<vmem_shared>>)
    %dma_wait3A_155 = arith.constant 0 : i32
    %dma_wait3A_156 = arith.constant 0 : i32
    %dma_wait3A_157 = tpu.memref_slice %arg8[%dma_wait3A_155, %dma_wait3A_156] : memref<80x128xi32, #tpu.memory_space<vmem>> -> memref<1x128xi32, #tpu.memory_space<vmem>>
    %dma_wait3A_158 = tpu.memref_squeeze %dma_wait3A_157 : memref<1x128xi32, #tpu.memory_space<vmem>> -> memref<128xi32, #tpu.memory_space<vmem>>
    %dma_wait3A_159 = arith.constant 0 : i32
    %dma_wait3A_160 = arith.constant 0 : i32
    %dma_wait3A_161 = tpu.memref_slice %arg21[%dma_wait3A_159, %dma_wait3A_160] : memref<10240x16xf32, #tpu.memory_space<vmem_shared>> -> memref<10240x16xf32, #tpu.memory_space<vmem_shared>>
    tpu.wait_indirect_dma semaphore(%arg20 : memref<!tpu.dma_semaphore, #tpu.memory_space<semaphore_mem>>) src(%arg12 : memref<128x16xf32, #tpu.memory_space<vmem>>) dst(%dma_wait3A_161 : memref<10240x16xf32, #tpu.memory_space<vmem_shared>>)
    %barrier3A_162 = arith.constant 0 : index
    tpu.barrier barrier_id(%barrier3A_162)
    %mul3A_163 = arith.constant 640 : i32
    %mul3A_164 = arith.muli %arg1, %mul3A_163 : i32
    %mul3A_165 = arith.constant 640 : i32
    %mul3A_166 = arith.muli %arg1, %mul3A_165 : i32
    "tpu.region"() ({
      %run_scoped3A = tpu.sem_alloc : memref<!tpu.dma_semaphore, #tpu.memory_space<semaphore_mem>>
      %dma_start3A_167 = arith.constant 0 : i32
      %dma_start3A_168 = arith.constant 0 : i32
      %dma_start3A_169 = tpu.memref_slice %arg6[%arg0, %dma_start3A_167, %dma_start3A_168] : memref<2x10240x16xf32, #tpu.memory_space<hbm>> -> memref<1x10240x16xf32, #tpu.memory_space<hbm>>
      %dma_start3A_170 = tpu.memref_squeeze %dma_start3A_169 : memref<1x10240x16xf32, #tpu.memory_space<hbm>> -> memref<10240x16xf32, #tpu.memory_space<hbm>>
      %dma_start3A_171 = arith.constant 0 : i32
      %dma_start3A_172 = tpu.memref_slice %dma_start3A_170[%mul3A_166, %dma_start3A_171] : memref<10240x16xf32, #tpu.memory_space<hbm>> -> memref<640x16xf32, #tpu.memory_space<hbm>>
      %dma_start3A_173 = arith.constant 0 : i32
      %dma_start3A_174 = tpu.memref_slice %arg21[%mul3A_164, %dma_start3A_173] : memref<10240x16xf32, #tpu.memory_space<vmem_shared>> -> memref<640x16xf32, #tpu.memory_space<vmem_shared>>
      tpu.enqueue_dma source(%dma_start3A_174 : memref<640x16xf32, #tpu.memory_space<vmem_shared>>) target(%dma_start3A_172 : memref<640x16xf32, #tpu.memory_space<hbm>>) target_semaphore(%run_scoped3A : memref<!tpu.dma_semaphore, #tpu.memory_space<semaphore_mem>>)
      %dma_wait3A_175 = arith.constant 0 : i32
      %dma_wait3A_176 = arith.constant 0 : i32
      %dma_wait3A_177 = tpu.memref_slice %arg6[%arg0, %dma_wait3A_175, %dma_wait3A_176] : memref<2x10240x16xf32, #tpu.memory_space<hbm>> -> memref<1x10240x16xf32, #tpu.memory_space<hbm>>
      %dma_wait3A_178 = tpu.memref_squeeze %dma_wait3A_177 : memref<1x10240x16xf32, #tpu.memory_space<hbm>> -> memref<10240x16xf32, #tpu.memory_space<hbm>>
      %dma_wait3A_179 = arith.constant 0 : i32
      %dma_wait3A_180 = tpu.memref_slice %dma_wait3A_178[%mul3A_166, %dma_wait3A_179] : memref<10240x16xf32, #tpu.memory_space<hbm>> -> memref<640x16xf32, #tpu.memory_space<hbm>>
      %dma_wait3A_181 = arith.constant 0 : i32
      %dma_wait3A_182 = tpu.memref_slice %arg21[%mul3A_164, %dma_wait3A_181] : memref<10240x16xf32, #tpu.memory_space<vmem_shared>> -> memref<640x16xf32, #tpu.memory_space<vmem_shared>>
      tpu.wait_dma2 semaphore(%run_scoped3A : memref<!tpu.dma_semaphore, #tpu.memory_space<semaphore_mem>>) src(%dma_wait3A_182 : memref<640x16xf32, #tpu.memory_space<vmem_shared>>) dst(%dma_wait3A_180 : memref<640x16xf32, #tpu.memory_space<hbm>>)
      tpu.yield
    }) : () -> ()
    return
  }
}

#map = affine_map<(d0, d1) -> (0, 0, 0)>
#map1 = affine_map<(d0, d1) -> (0)>
#map2 = affine_map<(d0, d1) -> (0, 0)>
module attributes {stable_mosaic.version = 14 : i64} {
  func.func @deg_k(%arg0: i32, %arg1: i32, %arg2: memref<32x80x128xi32, #tpu.memory_space<hbm>>, %arg3: memref<10240xf32, #tpu.memory_space<hbm>>, %arg4: memref<2x10240xf32, #tpu.memory_space<hbm>>, %arg5: memref<80x128xi32, #tpu.memory_space<vmem>>, %arg6: memref<128xf32, #tpu.memory_space<vmem>>, %arg7: memref<10240xf32, #tpu.memory_space<vmem_shared>>, %arg8: memref<!tpu.dma_semaphore, #tpu.memory_space<semaphore_mem>>, %arg9: memref<!tpu.dma_semaphore, #tpu.memory_space<semaphore_mem>>) attributes {dimension_semantics = [#tpu.dimension_semantics<core_parallel>, #tpu.dimension_semantics<subcore_parallel>], iteration_bounds = array<i64: 2, 16>, scalar_prefetch = 0 : i64, scratch_operands = 5 : i64, tpu.core_type = #tpu.core_type<sc_vector_subcore>, window_params = [{transform_indices = #map}, {transform_indices = #map1}, {transform_indices = #map2}]} {
    %mul3A = arith.constant 2 : i32
    %mul3A_0 = arith.muli %arg1, %mul3A : i32
    %add3A = arith.addi %mul3A_0, %arg0 : i32
    %mul3A_1 = arith.constant 640 : i32
    %mul3A_2 = arith.muli %arg1, %mul3A_1 : i32
    %mul3A_3 = arith.constant 640 : i32
    %mul3A_4 = arith.muli %arg1, %mul3A_3 : i32
    "tpu.region"() ({
      %run_scoped3A = tpu.sem_alloc : memref<!tpu.dma_semaphore, #tpu.memory_space<semaphore_mem>>
      %dma_start3A_83 = tpu.memref_slice %arg7[%mul3A_4] : memref<10240xf32, #tpu.memory_space<vmem_shared>> -> memref<640xf32, #tpu.memory_space<vmem_shared>>
      %dma_start3A_84 = tpu.memref_slice %arg3[%mul3A_2] : memref<10240xf32, #tpu.memory_space<hbm>> -> memref<640xf32, #tpu.memory_space<hbm>>
      tpu.enqueue_dma source(%dma_start3A_84 : memref<640xf32, #tpu.memory_space<hbm>>) target(%dma_start3A_83 : memref<640xf32, #tpu.memory_space<vmem_shared>>) target_semaphore(%run_scoped3A : memref<!tpu.dma_semaphore, #tpu.memory_space<semaphore_mem>>)
      %dma_wait3A_85 = tpu.memref_slice %arg7[%mul3A_4] : memref<10240xf32, #tpu.memory_space<vmem_shared>> -> memref<640xf32, #tpu.memory_space<vmem_shared>>
      %dma_wait3A_86 = tpu.memref_slice %arg3[%mul3A_2] : memref<10240xf32, #tpu.memory_space<hbm>> -> memref<640xf32, #tpu.memory_space<hbm>>
      tpu.wait_dma2 semaphore(%run_scoped3A : memref<!tpu.dma_semaphore, #tpu.memory_space<semaphore_mem>>) src(%dma_wait3A_86 : memref<640xf32, #tpu.memory_space<hbm>>) dst(%dma_wait3A_85 : memref<640xf32, #tpu.memory_space<vmem_shared>>)
      tpu.yield
    }) : () -> ()
    "tpu.region"() ({
      %run_scoped3A = tpu.sem_alloc : memref<!tpu.dma_semaphore, #tpu.memory_space<semaphore_mem>>
      %dma_start3A_83 = arith.constant 0 : i32
      %dma_start3A_84 = arith.constant 0 : i32
      %dma_start3A_85 = tpu.memref_slice %arg2[%add3A, %dma_start3A_83, %dma_start3A_84] : memref<32x80x128xi32, #tpu.memory_space<hbm>> -> memref<1x80x128xi32, #tpu.memory_space<hbm>>
      %dma_start3A_86 = tpu.memref_squeeze %dma_start3A_85 : memref<1x80x128xi32, #tpu.memory_space<hbm>> -> memref<80x128xi32, #tpu.memory_space<hbm>>
      %dma_start3A_87 = arith.constant 0 : i32
      %dma_start3A_88 = arith.constant 0 : i32
      %dma_start3A_89 = tpu.memref_slice %arg2[%add3A, %dma_start3A_87, %dma_start3A_88] : memref<32x80x128xi32, #tpu.memory_space<hbm>> -> memref<1x80x128xi32, #tpu.memory_space<hbm>>
      %dma_start3A_90 = tpu.memref_squeeze %dma_start3A_89 : memref<1x80x128xi32, #tpu.memory_space<hbm>> -> memref<80x128xi32, #tpu.memory_space<hbm>>
      tpu.enqueue_dma source(%dma_start3A_90 : memref<80x128xi32, #tpu.memory_space<hbm>>) target(%arg5 : memref<80x128xi32, #tpu.memory_space<vmem>>) target_semaphore(%run_scoped3A : memref<!tpu.dma_semaphore, #tpu.memory_space<semaphore_mem>>)
      %dma_wait3A_91 = arith.constant 0 : i32
      %dma_wait3A_92 = arith.constant 0 : i32
      %dma_wait3A_93 = tpu.memref_slice %arg2[%add3A, %dma_wait3A_91, %dma_wait3A_92] : memref<32x80x128xi32, #tpu.memory_space<hbm>> -> memref<1x80x128xi32, #tpu.memory_space<hbm>>
      %dma_wait3A_94 = tpu.memref_squeeze %dma_wait3A_93 : memref<1x80x128xi32, #tpu.memory_space<hbm>> -> memref<80x128xi32, #tpu.memory_space<hbm>>
      %dma_wait3A_95 = arith.constant 0 : i32
      %dma_wait3A_96 = arith.constant 0 : i32
      %dma_wait3A_97 = tpu.memref_slice %arg2[%add3A, %dma_wait3A_95, %dma_wait3A_96] : memref<32x80x128xi32, #tpu.memory_space<hbm>> -> memref<1x80x128xi32, #tpu.memory_space<hbm>>
      %dma_wait3A_98 = tpu.memref_squeeze %dma_wait3A_97 : memref<1x80x128xi32, #tpu.memory_space<hbm>> -> memref<80x128xi32, #tpu.memory_space<hbm>>
      tpu.wait_dma2 semaphore(%run_scoped3A : memref<!tpu.dma_semaphore, #tpu.memory_space<semaphore_mem>>) src(%dma_wait3A_98 : memref<80x128xi32, #tpu.memory_space<hbm>>) dst(%arg5 : memref<80x128xi32, #tpu.memory_space<vmem>>)
      tpu.yield
    }) : () -> ()
    %broadcast_in_dim3A = arith.constant 1.000000e+00 : f32
    %broadcast_in_dim3A_5 = vector.broadcast %broadcast_in_dim3A : f32 to vector<16xf32>
    %swap3A = arith.constant 0 : index
    %swap3A_6 = tpu.vector_load %arg6[%swap3A] {strides = array<i32>} : memref<128xf32, #tpu.memory_space<vmem>>, vector<16xf32>,
    %swap3A_7 = vector.shape_cast %swap3A_6 : vector<16xf32> to vector<16xf32>
    %swap3A_8 = vector.shape_cast %broadcast_in_dim3A_5 : vector<16xf32> to vector<16xf32>
    tpu.vector_store %arg6[%swap3A], %swap3A_8 {strides = array<i32>} : memref<128xf32, #tpu.memory_space<vmem>>, vector<16xf32>,
    %broadcast_in_dim3A_9 = arith.constant 1.000000e+00 : f32
    %broadcast_in_dim3A_10 = vector.broadcast %broadcast_in_dim3A_9 : f32 to vector<16xf32>
    %swap3A_11 = arith.constant 16 : index
    %swap3A_12 = tpu.vector_load %arg6[%swap3A_11] {strides = array<i32>} : memref<128xf32, #tpu.memory_space<vmem>>, vector<16xf32>,
    %swap3A_13 = vector.shape_cast %swap3A_12 : vector<16xf32> to vector<16xf32>
    %swap3A_14 = vector.shape_cast %broadcast_in_dim3A_10 : vector<16xf32> to vector<16xf32>
    tpu.vector_store %arg6[%swap3A_11], %swap3A_14 {strides = array<i32>} : memref<128xf32, #tpu.memory_space<vmem>>, vector<16xf32>,
    %broadcast_in_dim3A_15 = arith.constant 1.000000e+00 : f32
    %broadcast_in_dim3A_16 = vector.broadcast %broadcast_in_dim3A_15 : f32 to vector<16xf32>
    %swap3A_17 = arith.constant 32 : index
    %swap3A_18 = tpu.vector_load %arg6[%swap3A_17] {strides = array<i32>} : memref<128xf32, #tpu.memory_space<vmem>>, vector<16xf32>,
    %swap3A_19 = vector.shape_cast %swap3A_18 : vector<16xf32> to vector<16xf32>
    %swap3A_20 = vector.shape_cast %broadcast_in_dim3A_16 : vector<16xf32> to vector<16xf32>
    tpu.vector_store %arg6[%swap3A_17], %swap3A_20 {strides = array<i32>} : memref<128xf32, #tpu.memory_space<vmem>>, vector<16xf32>,
    %broadcast_in_dim3A_21 = arith.constant 1.000000e+00 : f32
    %broadcast_in_dim3A_22 = vector.broadcast %broadcast_in_dim3A_21 : f32 to vector<16xf32>
    %swap3A_23 = arith.constant 48 : index
    %swap3A_24 = tpu.vector_load %arg6[%swap3A_23] {strides = array<i32>} : memref<128xf32, #tpu.memory_space<vmem>>, vector<16xf32>,
    %swap3A_25 = vector.shape_cast %swap3A_24 : vector<16xf32> to vector<16xf32>
    %swap3A_26 = vector.shape_cast %broadcast_in_dim3A_22 : vector<16xf32> to vector<16xf32>
    tpu.vector_store %arg6[%swap3A_23], %swap3A_26 {strides = array<i32>} : memref<128xf32, #tpu.memory_space<vmem>>, vector<16xf32>,
    %broadcast_in_dim3A_27 = arith.constant 1.000000e+00 : f32
    %broadcast_in_dim3A_28 = vector.broadcast %broadcast_in_dim3A_27 : f32 to vector<16xf32>
    %swap3A_29 = arith.constant 64 : index
    %swap3A_30 = tpu.vector_load %arg6[%swap3A_29] {strides = array<i32>} : memref<128xf32, #tpu.memory_space<vmem>>, vector<16xf32>,
    %swap3A_31 = vector.shape_cast %swap3A_30 : vector<16xf32> to vector<16xf32>
    %swap3A_32 = vector.shape_cast %broadcast_in_dim3A_28 : vector<16xf32> to vector<16xf32>
    tpu.vector_store %arg6[%swap3A_29], %swap3A_32 {strides = array<i32>} : memref<128xf32, #tpu.memory_space<vmem>>, vector<16xf32>,
    %broadcast_in_dim3A_33 = arith.constant 1.000000e+00 : f32
    %broadcast_in_dim3A_34 = vector.broadcast %broadcast_in_dim3A_33 : f32 to vector<16xf32>
    %swap3A_35 = arith.constant 80 : index
    %swap3A_36 = tpu.vector_load %arg6[%swap3A_35] {strides = array<i32>} : memref<128xf32, #tpu.memory_space<vmem>>, vector<16xf32>,
    %swap3A_37 = vector.shape_cast %swap3A_36 : vector<16xf32> to vector<16xf32>
    %swap3A_38 = vector.shape_cast %broadcast_in_dim3A_34 : vector<16xf32> to vector<16xf32>
    tpu.vector_store %arg6[%swap3A_35], %swap3A_38 {strides = array<i32>} : memref<128xf32, #tpu.memory_space<vmem>>, vector<16xf32>,
    %broadcast_in_dim3A_39 = arith.constant 1.000000e+00 : f32
    %broadcast_in_dim3A_40 = vector.broadcast %broadcast_in_dim3A_39 : f32 to vector<16xf32>
    %swap3A_41 = arith.constant 96 : index
    %swap3A_42 = tpu.vector_load %arg6[%swap3A_41] {strides = array<i32>} : memref<128xf32, #tpu.memory_space<vmem>>, vector<16xf32>,
    %swap3A_43 = vector.shape_cast %swap3A_42 : vector<16xf32> to vector<16xf32>
    %swap3A_44 = vector.shape_cast %broadcast_in_dim3A_40 : vector<16xf32> to vector<16xf32>
    tpu.vector_store %arg6[%swap3A_41], %swap3A_44 {strides = array<i32>} : memref<128xf32, #tpu.memory_space<vmem>>, vector<16xf32>,
    %broadcast_in_dim3A_45 = arith.constant 1.000000e+00 : f32
    %broadcast_in_dim3A_46 = vector.broadcast %broadcast_in_dim3A_45 : f32 to vector<16xf32>
    %swap3A_47 = arith.constant 112 : index
    %swap3A_48 = tpu.vector_load %arg6[%swap3A_47] {strides = array<i32>} : memref<128xf32, #tpu.memory_space<vmem>>, vector<16xf32>,
    %swap3A_49 = vector.shape_cast %swap3A_48 : vector<16xf32> to vector<16xf32>
    %swap3A_50 = vector.shape_cast %broadcast_in_dim3A_46 : vector<16xf32> to vector<16xf32>
    tpu.vector_store %arg6[%swap3A_47], %swap3A_50 {strides = array<i32>} : memref<128xf32, #tpu.memory_space<vmem>>, vector<16xf32>,
    %barrier3A = arith.constant 0 : index
    tpu.barrier barrier_id(%barrier3A)
    %dma_start3A = arith.constant 0 : i32
    %dma_start3A_51 = arith.constant 0 : i32
    %dma_start3A_52 = tpu.memref_slice %arg5[%dma_start3A, %dma_start3A_51] : memref<80x128xi32, #tpu.memory_space<vmem>> -> memref<1x128xi32, #tpu.memory_space<vmem>>
    %dma_start3A_53 = tpu.memref_squeeze %dma_start3A_52 : memref<1x128xi32, #tpu.memory_space<vmem>> -> memref<128xi32, #tpu.memory_space<vmem>>
    %dma_start3A_54 = arith.constant 0 : i32
    %dma_start3A_55 = tpu.memref_slice %arg7[%dma_start3A_54] : memref<10240xf32, #tpu.memory_space<vmem_shared>> -> memref<10240xf32, #tpu.memory_space<vmem_shared>>
    tpu.enqueue_indirect_dma source(%arg6 : memref<128xf32, #tpu.memory_space<vmem>>) target(%dma_start3A_55 : memref<10240xf32, #tpu.memory_space<vmem_shared>>) offsets(%dma_start3A_53 : memref<128xi32, #tpu.memory_space<vmem>>) semaphore(%arg8 : memref<!tpu.dma_semaphore, #tpu.memory_space<semaphore_mem>>) {add = true}
    %dma_start3A_56 = arith.constant 1 : i32
    %dma_start3A_57 = arith.constant 0 : i32
    %dma_start3A_58 = tpu.memref_slice %arg5[%dma_start3A_56, %dma_start3A_57] : memref<80x128xi32, #tpu.memory_space<vmem>> -> memref<1x128xi32, #tpu.memory_space<vmem>>
    %dma_start3A_59 = tpu.memref_squeeze %dma_start3A_58 : memref<1x128xi32, #tpu.memory_space<vmem>> -> memref<128xi32, #tpu.memory_space<vmem>>
    %dma_start3A_60 = arith.constant 0 : i32
    %dma_start3A_61 = tpu.memref_slice %arg7[%dma_start3A_60] : memref<10240xf32, #tpu.memory_space<vmem_shared>> -> memref<10240xf32, #tpu.memory_space<vmem_shared>>
    tpu.enqueue_indirect_dma source(%arg6 : memref<128xf32, #tpu.memory_space<vmem>>) target(%dma_start3A_61 : memref<10240xf32, #tpu.memory_space<vmem_shared>>) offsets(%dma_start3A_59 : memref<128xi32, #tpu.memory_space<vmem>>) semaphore(%arg9 : memref<!tpu.dma_semaphore, #tpu.memory_space<semaphore_mem>>) {add = true}
    %scan3A = arith.constant 0 : i32
    %scan3A_62 = arith.constant 0 : i32
    %scan3A_63 = arith.constant 39 : i32
    %scan3A_64 = arith.addi %scan3A_62, %scan3A_63 : i32
    %scan3A_65 = arith.constant 1 : i32
    scf.for %scan3A_83 = %scan3A_62 to %scan3A_64 step %scan3A_65  : i32 {
      %mul3A_84 = arith.constant 2 : i32
      %mul3A_85 = arith.muli %mul3A_84, %scan3A_83 : i32
      %dma_wait3A_86 = arith.constant 0 : i32
      %dma_wait3A_87 = arith.constant 0 : i32
      %dma_wait3A_88 = tpu.memref_slice %arg5[%dma_wait3A_86, %dma_wait3A_87] : memref<80x128xi32, #tpu.memory_space<vmem>> -> memref<1x128xi32, #tpu.memory_space<vmem>>
      %dma_wait3A_89 = tpu.memref_squeeze %dma_wait3A_88 : memref<1x128xi32, #tpu.memory_space<vmem>> -> memref<128xi32, #tpu.memory_space<vmem>>
      %dma_wait3A_90 = arith.constant 0 : i32
      %dma_wait3A_91 = tpu.memref_slice %arg7[%dma_wait3A_90] : memref<10240xf32, #tpu.memory_space<vmem_shared>> -> memref<10240xf32, #tpu.memory_space<vmem_shared>>
      tpu.wait_indirect_dma semaphore(%arg8 : memref<!tpu.dma_semaphore, #tpu.memory_space<semaphore_mem>>) src(%arg6 : memref<128xf32, #tpu.memory_space<vmem>>) dst(%dma_wait3A_91 : memref<10240xf32, #tpu.memory_space<vmem_shared>>)
      %add3A_92 = arith.constant 2 : i32
      %add3A_93 = arith.addi %mul3A_85, %add3A_92 : i32
      %dma_start3A_94 = arith.constant 0 : i32
      %dma_start3A_95 = tpu.memref_slice %arg5[%add3A_93, %dma_start3A_94] : memref<80x128xi32, #tpu.memory_space<vmem>> -> memref<1x128xi32, #tpu.memory_space<vmem>>
      %dma_start3A_96 = tpu.memref_squeeze %dma_start3A_95 : memref<1x128xi32, #tpu.memory_space<vmem>> -> memref<128xi32, #tpu.memory_space<vmem>>
      %dma_start3A_97 = arith.constant 0 : i32
      %dma_start3A_98 = tpu.memref_slice %arg7[%dma_start3A_97] : memref<10240xf32, #tpu.memory_space<vmem_shared>> -> memref<10240xf32, #tpu.memory_space<vmem_shared>>
      tpu.enqueue_indirect_dma source(%arg6 : memref<128xf32, #tpu.memory_space<vmem>>) target(%dma_start3A_98 : memref<10240xf32, #tpu.memory_space<vmem_shared>>) offsets(%dma_start3A_96 : memref<128xi32, #tpu.memory_space<vmem>>) semaphore(%arg8 : memref<!tpu.dma_semaphore, #tpu.memory_space<semaphore_mem>>) {add = true}
      %dma_wait3A_99 = arith.constant 0 : i32
      %dma_wait3A_100 = arith.constant 0 : i32
      %dma_wait3A_101 = tpu.memref_slice %arg5[%dma_wait3A_99, %dma_wait3A_100] : memref<80x128xi32, #tpu.memory_space<vmem>> -> memref<1x128xi32, #tpu.memory_space<vmem>>
      %dma_wait3A_102 = tpu.memref_squeeze %dma_wait3A_101 : memref<1x128xi32, #tpu.memory_space<vmem>> -> memref<128xi32, #tpu.memory_space<vmem>>
      %dma_wait3A_103 = arith.constant 0 : i32
      %dma_wait3A_104 = tpu.memref_slice %arg7[%dma_wait3A_103] : memref<10240xf32, #tpu.memory_space<vmem_shared>> -> memref<10240xf32, #tpu.memory_space<vmem_shared>>
      tpu.wait_indirect_dma semaphore(%arg9 : memref<!tpu.dma_semaphore, #tpu.memory_space<semaphore_mem>>) src(%arg6 : memref<128xf32, #tpu.memory_space<vmem>>) dst(%dma_wait3A_104 : memref<10240xf32, #tpu.memory_space<vmem_shared>>)
      %add3A_105 = arith.constant 3 : i32
      %add3A_106 = arith.addi %mul3A_85, %add3A_105 : i32
      %dma_start3A_107 = arith.constant 0 : i32
      %dma_start3A_108 = tpu.memref_slice %arg5[%add3A_106, %dma_start3A_107] : memref<80x128xi32, #tpu.memory_space<vmem>> -> memref<1x128xi32, #tpu.memory_space<vmem>>
      %dma_start3A_109 = tpu.memref_squeeze %dma_start3A_108 : memref<1x128xi32, #tpu.memory_space<vmem>> -> memref<128xi32, #tpu.memory_space<vmem>>
      %dma_start3A_110 = arith.constant 0 : i32
      %dma_start3A_111 = tpu.memref_slice %arg7[%dma_start3A_110] : memref<10240xf32, #tpu.memory_space<vmem_shared>> -> memref<10240xf32, #tpu.memory_space<vmem_shared>>
      tpu.enqueue_indirect_dma source(%arg6 : memref<128xf32, #tpu.memory_space<vmem>>) target(%dma_start3A_111 : memref<10240xf32, #tpu.memory_space<vmem_shared>>) offsets(%dma_start3A_109 : memref<128xi32, #tpu.memory_space<vmem>>) semaphore(%arg9 : memref<!tpu.dma_semaphore, #tpu.memory_space<semaphore_mem>>) {add = true}
    }
    %scan3A_66 = arith.constant 39 : i32
    %dma_wait3A = arith.constant 0 : i32
    %dma_wait3A_67 = arith.constant 0 : i32
    %dma_wait3A_68 = tpu.memref_slice %arg5[%dma_wait3A, %dma_wait3A_67] : memref<80x128xi32, #tpu.memory_space<vmem>> -> memref<1x128xi32, #tpu.memory_space<vmem>>
    %dma_wait3A_69 = tpu.memref_squeeze %dma_wait3A_68 : memref<1x128xi32, #tpu.memory_space<vmem>> -> memref<128xi32, #tpu.memory_space<vmem>>
    %dma_wait3A_70 = arith.constant 0 : i32
    %dma_wait3A_71 = tpu.memref_slice %arg7[%dma_wait3A_70] : memref<10240xf32, #tpu.memory_space<vmem_shared>> -> memref<10240xf32, #tpu.memory_space<vmem_shared>>
    tpu.wait_indirect_dma semaphore(%arg8 : memref<!tpu.dma_semaphore, #tpu.memory_space<semaphore_mem>>) src(%arg6 : memref<128xf32, #tpu.memory_space<vmem>>) dst(%dma_wait3A_71 : memref<10240xf32, #tpu.memory_space<vmem_shared>>)
    %dma_wait3A_72 = arith.constant 0 : i32
    %dma_wait3A_73 = arith.constant 0 : i32
    %dma_wait3A_74 = tpu.memref_slice %arg5[%dma_wait3A_72, %dma_wait3A_73] : memref<80x128xi32, #tpu.memory_space<vmem>> -> memref<1x128xi32, #tpu.memory_space<vmem>>
    %dma_wait3A_75 = tpu.memref_squeeze %dma_wait3A_74 : memref<1x128xi32, #tpu.memory_space<vmem>> -> memref<128xi32, #tpu.memory_space<vmem>>
    %dma_wait3A_76 = arith.constant 0 : i32
    %dma_wait3A_77 = tpu.memref_slice %arg7[%dma_wait3A_76] : memref<10240xf32, #tpu.memory_space<vmem_shared>> -> memref<10240xf32, #tpu.memory_space<vmem_shared>>
    tpu.wait_indirect_dma semaphore(%arg9 : memref<!tpu.dma_semaphore, #tpu.memory_space<semaphore_mem>>) src(%arg6 : memref<128xf32, #tpu.memory_space<vmem>>) dst(%dma_wait3A_77 : memref<10240xf32, #tpu.memory_space<vmem_shared>>)
    %barrier3A_78 = arith.constant 0 : index
    tpu.barrier barrier_id(%barrier3A_78)
    %mul3A_79 = arith.constant 640 : i32
    %mul3A_80 = arith.muli %arg1, %mul3A_79 : i32
    %mul3A_81 = arith.constant 640 : i32
    %mul3A_82 = arith.muli %arg1, %mul3A_81 : i32
    "tpu.region"() ({
      %run_scoped3A = tpu.sem_alloc : memref<!tpu.dma_semaphore, #tpu.memory_space<semaphore_mem>>
      %dma_start3A_83 = arith.constant 0 : i32
      %dma_start3A_84 = tpu.memref_slice %arg4[%arg0, %dma_start3A_83] : memref<2x10240xf32, #tpu.memory_space<hbm>> -> memref<1x10240xf32, #tpu.memory_space<hbm>>
      %dma_start3A_85 = tpu.memref_squeeze %dma_start3A_84 : memref<1x10240xf32, #tpu.memory_space<hbm>> -> memref<10240xf32, #tpu.memory_space<hbm>>
      %dma_start3A_86 = tpu.memref_slice %dma_start3A_85[%mul3A_82] : memref<10240xf32, #tpu.memory_space<hbm>> -> memref<640xf32, #tpu.memory_space<hbm>>
      %dma_start3A_87 = tpu.memref_slice %arg7[%mul3A_80] : memref<10240xf32, #tpu.memory_space<vmem_shared>> -> memref<640xf32, #tpu.memory_space<vmem_shared>>
      tpu.enqueue_dma source(%dma_start3A_87 : memref<640xf32, #tpu.memory_space<vmem_shared>>) target(%dma_start3A_86 : memref<640xf32, #tpu.memory_space<hbm>>) target_semaphore(%run_scoped3A : memref<!tpu.dma_semaphore, #tpu.memory_space<semaphore_mem>>)
      %dma_wait3A_88 = arith.constant 0 : i32
      %dma_wait3A_89 = tpu.memref_slice %arg4[%arg0, %dma_wait3A_88] : memref<2x10240xf32, #tpu.memory_space<hbm>> -> memref<1x10240xf32, #tpu.memory_space<hbm>>
      %dma_wait3A_90 = tpu.memref_squeeze %dma_wait3A_89 : memref<1x10240xf32, #tpu.memory_space<hbm>> -> memref<10240xf32, #tpu.memory_space<hbm>>
      %dma_wait3A_91 = tpu.memref_slice %dma_wait3A_90[%mul3A_82] : memref<10240xf32, #tpu.memory_space<hbm>> -> memref<640xf32, #tpu.memory_space<hbm>>
      %dma_wait3A_92 = tpu.memref_slice %arg7[%mul3A_80] : memref<10240xf32, #tpu.memory_space<vmem_shared>> -> memref<640xf32, #tpu.memory_space<vmem_shared>>
      tpu.wait_dma2 semaphore(%run_scoped3A : memref<!tpu.dma_semaphore, #tpu.memory_space<semaphore_mem>>) src(%dma_wait3A_92 : memref<640xf32, #tpu.memory_space<vmem_shared>>) dst(%dma_wait3A_91 : memref<640xf32, #tpu.memory_space<hbm>>)
      tpu.yield
    }) : () -> ()
    return
  }
}

#map = affine_map<(d0, d1) -> (0, 0, 0)>
#map1 = affine_map<(d0, d1) -> (0, 0)>
module attributes {stable_mosaic.version = 14 : i64} {
  func.func @edge_k(%arg0: i32, %arg1: i32, %arg2: memref<32x80x128xi32, #tpu.memory_space<hbm>>, %arg3: memref<32x80x128xi32, #tpu.memory_space<hbm>>, %arg4: memref<10240x32xf32, #tpu.memory_space<hbm>>, %arg5: memref<10240x32xf32, #tpu.memory_space<hbm>>, %arg6: memref<2x10240x32xf32, #tpu.memory_space<hbm>>, %arg7: memref<80x128xi32, #tpu.memory_space<vmem>>, %arg8: memref<80x128xi32, #tpu.memory_space<vmem>>, %arg9: memref<128x32xf32, #tpu.memory_space<vmem>>, %arg10: memref<128x32xf32, #tpu.memory_space<vmem>>, %arg11: memref<128x32xf32, #tpu.memory_space<vmem>>, %arg12: memref<128x32xf32, #tpu.memory_space<vmem>>, %arg13: memref<!tpu.dma_semaphore, #tpu.memory_space<semaphore_mem>>, %arg14: memref<!tpu.dma_semaphore, #tpu.memory_space<semaphore_mem>>, %arg15: memref<!tpu.dma_semaphore, #tpu.memory_space<semaphore_mem>>, %arg16: memref<!tpu.dma_semaphore, #tpu.memory_space<semaphore_mem>>, %arg17: memref<!tpu.dma_semaphore, #tpu.memory_space<semaphore_mem>>, %arg18: memref<!tpu.dma_semaphore, #tpu.memory_space<semaphore_mem>>, %arg19: memref<!tpu.dma_semaphore, #tpu.memory_space<semaphore_mem>>, %arg20: memref<!tpu.dma_semaphore, #tpu.memory_space<semaphore_mem>>, %arg21: memref<10240x32xf32, #tpu.memory_space<vmem_shared>>) attributes {dimension_semantics = [#tpu.dimension_semantics<core_parallel>, #tpu.dimension_semantics<subcore_parallel>], iteration_bounds = array<i64: 2, 16>, scalar_prefetch = 0 : i64, scratch_operands = 15 : i64, tpu.core_type = #tpu.core_type<sc_vector_subcore>, window_params = [{transform_indices = #map}, {transform_indices = #map}, {transform_indices = #map1}, {transform_indices = #map1}, {transform_indices = #map}]} {
    %mul3A = arith.constant 2 : i32
    %mul3A_0 = arith.muli %arg1, %mul3A : i32
    %add3A = arith.addi %mul3A_0, %arg0 : i32
    %mul3A_1 = arith.constant 640 : i32
    %mul3A_2 = arith.muli %arg1, %mul3A_1 : i32
    %mul3A_3 = arith.constant 640 : i32
    %mul3A_4 = arith.muli %arg1, %mul3A_3 : i32
    "tpu.region"() ({
      %run_scoped3A = tpu.sem_alloc : memref<!tpu.dma_semaphore, #tpu.memory_space<semaphore_mem>>
      %dma_start3A_167 = arith.constant 0 : i32
      %dma_start3A_168 = tpu.memref_slice %arg21[%mul3A_4, %dma_start3A_167] : memref<10240x32xf32, #tpu.memory_space<vmem_shared>> -> memref<640x32xf32, #tpu.memory_space<vmem_shared>>
      %dma_start3A_169 = arith.constant 0 : i32
      %dma_start3A_170 = tpu.memref_slice %arg5[%mul3A_2, %dma_start3A_169] : memref<10240x32xf32, #tpu.memory_space<hbm>> -> memref<640x32xf32, #tpu.memory_space<hbm>>
      tpu.enqueue_dma source(%dma_start3A_170 : memref<640x32xf32, #tpu.memory_space<hbm>>) target(%dma_start3A_168 : memref<640x32xf32, #tpu.memory_space<vmem_shared>>) target_semaphore(%run_scoped3A : memref<!tpu.dma_semaphore, #tpu.memory_space<semaphore_mem>>)
      %dma_wait3A_171 = arith.constant 0 : i32
      %dma_wait3A_172 = tpu.memref_slice %arg21[%mul3A_4, %dma_wait3A_171] : memref<10240x32xf32, #tpu.memory_space<vmem_shared>> -> memref<640x32xf32, #tpu.memory_space<vmem_shared>>
      %dma_wait3A_173 = arith.constant 0 : i32
      %dma_wait3A_174 = tpu.memref_slice %arg5[%mul3A_2, %dma_wait3A_173] : memref<10240x32xf32, #tpu.memory_space<hbm>> -> memref<640x32xf32, #tpu.memory_space<hbm>>
      tpu.wait_dma2 semaphore(%run_scoped3A : memref<!tpu.dma_semaphore, #tpu.memory_space<semaphore_mem>>) src(%dma_wait3A_174 : memref<640x32xf32, #tpu.memory_space<hbm>>) dst(%dma_wait3A_172 : memref<640x32xf32, #tpu.memory_space<vmem_shared>>)
      tpu.yield
    }) : () -> ()
    "tpu.region"() ({
      %run_scoped3A = tpu.sem_alloc : memref<!tpu.dma_semaphore, #tpu.memory_space<semaphore_mem>>
      %dma_start3A_167 = arith.constant 0 : i32
      %dma_start3A_168 = arith.constant 0 : i32
      %dma_start3A_169 = tpu.memref_slice %arg2[%add3A, %dma_start3A_167, %dma_start3A_168] : memref<32x80x128xi32, #tpu.memory_space<hbm>> -> memref<1x80x128xi32, #tpu.memory_space<hbm>>
      %dma_start3A_170 = tpu.memref_squeeze %dma_start3A_169 : memref<1x80x128xi32, #tpu.memory_space<hbm>> -> memref<80x128xi32, #tpu.memory_space<hbm>>
      %dma_start3A_171 = arith.constant 0 : i32
      %dma_start3A_172 = arith.constant 0 : i32
      %dma_start3A_173 = tpu.memref_slice %arg2[%add3A, %dma_start3A_171, %dma_start3A_172] : memref<32x80x128xi32, #tpu.memory_space<hbm>> -> memref<1x80x128xi32, #tpu.memory_space<hbm>>
      %dma_start3A_174 = tpu.memref_squeeze %dma_start3A_173 : memref<1x80x128xi32, #tpu.memory_space<hbm>> -> memref<80x128xi32, #tpu.memory_space<hbm>>
      tpu.enqueue_dma source(%dma_start3A_174 : memref<80x128xi32, #tpu.memory_space<hbm>>) target(%arg7 : memref<80x128xi32, #tpu.memory_space<vmem>>) target_semaphore(%run_scoped3A : memref<!tpu.dma_semaphore, #tpu.memory_space<semaphore_mem>>)
      %dma_wait3A_175 = arith.constant 0 : i32
      %dma_wait3A_176 = arith.constant 0 : i32
      %dma_wait3A_177 = tpu.memref_slice %arg2[%add3A, %dma_wait3A_175, %dma_wait3A_176] : memref<32x80x128xi32, #tpu.memory_space<hbm>> -> memref<1x80x128xi32, #tpu.memory_space<hbm>>
      %dma_wait3A_178 = tpu.memref_squeeze %dma_wait3A_177 : memref<1x80x128xi32, #tpu.memory_space<hbm>> -> memref<80x128xi32, #tpu.memory_space<hbm>>
      %dma_wait3A_179 = arith.constant 0 : i32
      %dma_wait3A_180 = arith.constant 0 : i32
      %dma_wait3A_181 = tpu.memref_slice %arg2[%add3A, %dma_wait3A_179, %dma_wait3A_180] : memref<32x80x128xi32, #tpu.memory_space<hbm>> -> memref<1x80x128xi32, #tpu.memory_space<hbm>>
      %dma_wait3A_182 = tpu.memref_squeeze %dma_wait3A_181 : memref<1x80x128xi32, #tpu.memory_space<hbm>> -> memref<80x128xi32, #tpu.memory_space<hbm>>
      tpu.wait_dma2 semaphore(%run_scoped3A : memref<!tpu.dma_semaphore, #tpu.memory_space<semaphore_mem>>) src(%dma_wait3A_182 : memref<80x128xi32, #tpu.memory_space<hbm>>) dst(%arg7 : memref<80x128xi32, #tpu.memory_space<vmem>>)
      tpu.yield
    }) : () -> ()
    "tpu.region"() ({
      %run_scoped3A = tpu.sem_alloc : memref<!tpu.dma_semaphore, #tpu.memory_space<semaphore_mem>>
      %dma_start3A_167 = arith.constant 0 : i32
      %dma_start3A_168 = arith.constant 0 : i32
      %dma_start3A_169 = tpu.memref_slice %arg3[%add3A, %dma_start3A_167, %dma_start3A_168] : memref<32x80x128xi32, #tpu.memory_space<hbm>> -> memref<1x80x128xi32, #tpu.memory_space<hbm>>
      %dma_start3A_170 = tpu.memref_squeeze %dma_start3A_169 : memref<1x80x128xi32, #tpu.memory_space<hbm>> -> memref<80x128xi32, #tpu.memory_space<hbm>>
      %dma_start3A_171 = arith.constant 0 : i32
      %dma_start3A_172 = arith.constant 0 : i32
      %dma_start3A_173 = tpu.memref_slice %arg3[%add3A, %dma_start3A_171, %dma_start3A_172] : memref<32x80x128xi32, #tpu.memory_space<hbm>> -> memref<1x80x128xi32, #tpu.memory_space<hbm>>
      %dma_start3A_174 = tpu.memref_squeeze %dma_start3A_173 : memref<1x80x128xi32, #tpu.memory_space<hbm>> -> memref<80x128xi32, #tpu.memory_space<hbm>>
      tpu.enqueue_dma source(%dma_start3A_174 : memref<80x128xi32, #tpu.memory_space<hbm>>) target(%arg8 : memref<80x128xi32, #tpu.memory_space<vmem>>) target_semaphore(%run_scoped3A : memref<!tpu.dma_semaphore, #tpu.memory_space<semaphore_mem>>)
      %dma_wait3A_175 = arith.constant 0 : i32
      %dma_wait3A_176 = arith.constant 0 : i32
      %dma_wait3A_177 = tpu.memref_slice %arg3[%add3A, %dma_wait3A_175, %dma_wait3A_176] : memref<32x80x128xi32, #tpu.memory_space<hbm>> -> memref<1x80x128xi32, #tpu.memory_space<hbm>>
      %dma_wait3A_178 = tpu.memref_squeeze %dma_wait3A_177 : memref<1x80x128xi32, #tpu.memory_space<hbm>> -> memref<80x128xi32, #tpu.memory_space<hbm>>
      %dma_wait3A_179 = arith.constant 0 : i32
      %dma_wait3A_180 = arith.constant 0 : i32
      %dma_wait3A_181 = tpu.memref_slice %arg3[%add3A, %dma_wait3A_179, %dma_wait3A_180] : memref<32x80x128xi32, #tpu.memory_space<hbm>> -> memref<1x80x128xi32, #tpu.memory_space<hbm>>
      %dma_wait3A_182 = tpu.memref_squeeze %dma_wait3A_181 : memref<1x80x128xi32, #tpu.memory_space<hbm>> -> memref<80x128xi32, #tpu.memory_space<hbm>>
      tpu.wait_dma2 semaphore(%run_scoped3A : memref<!tpu.dma_semaphore, #tpu.memory_space<semaphore_mem>>) src(%dma_wait3A_182 : memref<80x128xi32, #tpu.memory_space<hbm>>) dst(%arg8 : memref<80x128xi32, #tpu.memory_space<vmem>>)
      tpu.yield
    }) : () -> ()
    %barrier3A = arith.constant 0 : index
    tpu.barrier barrier_id(%barrier3A)
    %dma_start3A = arith.constant 0 : i32
    %dma_start3A_5 = arith.constant 0 : i32
    %dma_start3A_6 = tpu.memref_slice %arg7[%dma_start3A, %dma_start3A_5] : memref<80x128xi32, #tpu.memory_space<vmem>> -> memref<1x128xi32, #tpu.memory_space<vmem>>
    %dma_start3A_7 = tpu.memref_squeeze %dma_start3A_6 : memref<1x128xi32, #tpu.memory_space<vmem>> -> memref<128xi32, #tpu.memory_space<vmem>>
    %dma_start3A_8 = arith.constant 0 : i32
    %dma_start3A_9 = arith.constant 0 : i32
    %dma_start3A_10 = tpu.memref_slice %arg4[%dma_start3A_8, %dma_start3A_9] : memref<10240x32xf32, #tpu.memory_space<hbm>> -> memref<10240x32xf32, #tpu.memory_space<hbm>>
    tpu.enqueue_indirect_dma source(%dma_start3A_10 : memref<10240x32xf32, #tpu.memory_space<hbm>>) target(%arg9 : memref<128x32xf32, #tpu.memory_space<vmem>>) offsets(%dma_start3A_7 : memref<128xi32, #tpu.memory_space<vmem>>) semaphore(%arg13 : memref<!tpu.dma_semaphore, #tpu.memory_space<semaphore_mem>>)
    %dma_start3A_11 = arith.constant 1 : i32
    %dma_start3A_12 = arith.constant 0 : i32
    %dma_start3A_13 = tpu.memref_slice %arg7[%dma_start3A_11, %dma_start3A_12] : memref<80x128xi32, #tpu.memory_space<vmem>> -> memref<1x128xi32, #tpu.memory_space<vmem>>
    %dma_start3A_14 = tpu.memref_squeeze %dma_start3A_13 : memref<1x128xi32, #tpu.memory_space<vmem>> -> memref<128xi32, #tpu.memory_space<vmem>>
    %dma_start3A_15 = arith.constant 0 : i32
    %dma_start3A_16 = arith.constant 0 : i32
    %dma_start3A_17 = tpu.memref_slice %arg4[%dma_start3A_15, %dma_start3A_16] : memref<10240x32xf32, #tpu.memory_space<hbm>> -> memref<10240x32xf32, #tpu.memory_space<hbm>>
    tpu.enqueue_indirect_dma source(%dma_start3A_17 : memref<10240x32xf32, #tpu.memory_space<hbm>>) target(%arg10 : memref<128x32xf32, #tpu.memory_space<vmem>>) offsets(%dma_start3A_14 : memref<128xi32, #tpu.memory_space<vmem>>) semaphore(%arg14 : memref<!tpu.dma_semaphore, #tpu.memory_space<semaphore_mem>>)
    %dma_start3A_18 = arith.constant 2 : i32
    %dma_start3A_19 = arith.constant 0 : i32
    %dma_start3A_20 = tpu.memref_slice %arg7[%dma_start3A_18, %dma_start3A_19] : memref<80x128xi32, #tpu.memory_space<vmem>> -> memref<1x128xi32, #tpu.memory_space<vmem>>
    %dma_start3A_21 = tpu.memref_squeeze %dma_start3A_20 : memref<1x128xi32, #tpu.memory_space<vmem>> -> memref<128xi32, #tpu.memory_space<vmem>>
    %dma_start3A_22 = arith.constant 0 : i32
    %dma_start3A_23 = arith.constant 0 : i32
    %dma_start3A_24 = tpu.memref_slice %arg4[%dma_start3A_22, %dma_start3A_23] : memref<10240x32xf32, #tpu.memory_space<hbm>> -> memref<10240x32xf32, #tpu.memory_space<hbm>>
    tpu.enqueue_indirect_dma source(%dma_start3A_24 : memref<10240x32xf32, #tpu.memory_space<hbm>>) target(%arg11 : memref<128x32xf32, #tpu.memory_space<vmem>>) offsets(%dma_start3A_21 : memref<128xi32, #tpu.memory_space<vmem>>) semaphore(%arg15 : memref<!tpu.dma_semaphore, #tpu.memory_space<semaphore_mem>>)
    %dma_wait3A = arith.constant 0 : i32
    %dma_wait3A_25 = arith.constant 0 : i32
    %dma_wait3A_26 = tpu.memref_slice %arg7[%dma_wait3A, %dma_wait3A_25] : memref<80x128xi32, #tpu.memory_space<vmem>> -> memref<1x128xi32, #tpu.memory_space<vmem>>
    %dma_wait3A_27 = tpu.memref_squeeze %dma_wait3A_26 : memref<1x128xi32, #tpu.memory_space<vmem>> -> memref<128xi32, #tpu.memory_space<vmem>>
    %dma_wait3A_28 = arith.constant 0 : i32
    %dma_wait3A_29 = arith.constant 0 : i32
    %dma_wait3A_30 = tpu.memref_slice %arg4[%dma_wait3A_28, %dma_wait3A_29] : memref<10240x32xf32, #tpu.memory_space<hbm>> -> memref<10240x32xf32, #tpu.memory_space<hbm>>
    tpu.wait_indirect_dma semaphore(%arg13 : memref<!tpu.dma_semaphore, #tpu.memory_space<semaphore_mem>>) src(%dma_wait3A_30 : memref<10240x32xf32, #tpu.memory_space<hbm>>) dst(%arg9 : memref<128x32xf32, #tpu.memory_space<vmem>>)
    %dma_start3A_31 = arith.constant 0 : i32
    %dma_start3A_32 = arith.constant 0 : i32
    %dma_start3A_33 = tpu.memref_slice %arg8[%dma_start3A_31, %dma_start3A_32] : memref<80x128xi32, #tpu.memory_space<vmem>> -> memref<1x128xi32, #tpu.memory_space<vmem>>
    %dma_start3A_34 = tpu.memref_squeeze %dma_start3A_33 : memref<1x128xi32, #tpu.memory_space<vmem>> -> memref<128xi32, #tpu.memory_space<vmem>>
    %dma_start3A_35 = arith.constant 0 : i32
    %dma_start3A_36 = arith.constant 0 : i32
    %dma_start3A_37 = tpu.memref_slice %arg21[%dma_start3A_35, %dma_start3A_36] : memref<10240x32xf32, #tpu.memory_space<vmem_shared>> -> memref<10240x32xf32, #tpu.memory_space<vmem_shared>>
    tpu.enqueue_indirect_dma source(%arg9 : memref<128x32xf32, #tpu.memory_space<vmem>>) target(%dma_start3A_37 : memref<10240x32xf32, #tpu.memory_space<vmem_shared>>) offsets(%dma_start3A_34 : memref<128xi32, #tpu.memory_space<vmem>>) semaphore(%arg17 : memref<!tpu.dma_semaphore, #tpu.memory_space<semaphore_mem>>) {add = true}
    %dma_start3A_38 = arith.constant 3 : i32
    %dma_start3A_39 = arith.constant 0 : i32
    %dma_start3A_40 = tpu.memref_slice %arg7[%dma_start3A_38, %dma_start3A_39] : memref<80x128xi32, #tpu.memory_space<vmem>> -> memref<1x128xi32, #tpu.memory_space<vmem>>
    %dma_start3A_41 = tpu.memref_squeeze %dma_start3A_40 : memref<1x128xi32, #tpu.memory_space<vmem>> -> memref<128xi32, #tpu.memory_space<vmem>>
    %dma_start3A_42 = arith.constant 0 : i32
    %dma_start3A_43 = arith.constant 0 : i32
    %dma_start3A_44 = tpu.memref_slice %arg4[%dma_start3A_42, %dma_start3A_43] : memref<10240x32xf32, #tpu.memory_space<hbm>> -> memref<10240x32xf32, #tpu.memory_space<hbm>>
    tpu.enqueue_indirect_dma source(%dma_start3A_44 : memref<10240x32xf32, #tpu.memory_space<hbm>>) target(%arg12 : memref<128x32xf32, #tpu.memory_space<vmem>>) offsets(%dma_start3A_41 : memref<128xi32, #tpu.memory_space<vmem>>) semaphore(%arg16 : memref<!tpu.dma_semaphore, #tpu.memory_space<semaphore_mem>>)
    %dma_wait3A_45 = arith.constant 1 : i32
    %dma_wait3A_46 = arith.constant 0 : i32
    %dma_wait3A_47 = tpu.memref_slice %arg7[%dma_wait3A_45, %dma_wait3A_46] : memref<80x128xi32, #tpu.memory_space<vmem>> -> memref<1x128xi32, #tpu.memory_space<vmem>>
    %dma_wait3A_48 = tpu.memref_squeeze %dma_wait3A_47 : memref<1x128xi32, #tpu.memory_space<vmem>> -> memref<128xi32, #tpu.memory_space<vmem>>
    %dma_wait3A_49 = arith.constant 0 : i32
    %dma_wait3A_50 = arith.constant 0 : i32
    %dma_wait3A_51 = tpu.memref_slice %arg4[%dma_wait3A_49, %dma_wait3A_50] : memref<10240x32xf32, #tpu.memory_space<hbm>> -> memref<10240x32xf32, #tpu.memory_space<hbm>>
    tpu.wait_indirect_dma semaphore(%arg14 : memref<!tpu.dma_semaphore, #tpu.memory_space<semaphore_mem>>) src(%dma_wait3A_51 : memref<10240x32xf32, #tpu.memory_space<hbm>>) dst(%arg10 : memref<128x32xf32, #tpu.memory_space<vmem>>)
    %dma_start3A_52 = arith.constant 1 : i32
    %dma_start3A_53 = arith.constant 0 : i32
    %dma_start3A_54 = tpu.memref_slice %arg8[%dma_start3A_52, %dma_start3A_53] : memref<80x128xi32, #tpu.memory_space<vmem>> -> memref<1x128xi32, #tpu.memory_space<vmem>>
    %dma_start3A_55 = tpu.memref_squeeze %dma_start3A_54 : memref<1x128xi32, #tpu.memory_space<vmem>> -> memref<128xi32, #tpu.memory_space<vmem>>
    %dma_start3A_56 = arith.constant 0 : i32
    %dma_start3A_57 = arith.constant 0 : i32
    %dma_start3A_58 = tpu.memref_slice %arg21[%dma_start3A_56, %dma_start3A_57] : memref<10240x32xf32, #tpu.memory_space<vmem_shared>> -> memref<10240x32xf32, #tpu.memory_space<vmem_shared>>
    tpu.enqueue_indirect_dma source(%arg10 : memref<128x32xf32, #tpu.memory_space<vmem>>) target(%dma_start3A_58 : memref<10240x32xf32, #tpu.memory_space<vmem_shared>>) offsets(%dma_start3A_55 : memref<128xi32, #tpu.memory_space<vmem>>) semaphore(%arg18 : memref<!tpu.dma_semaphore, #tpu.memory_space<semaphore_mem>>) {add = true}
    %dma_wait3A_59 = arith.constant 0 : i32
    %dma_wait3A_60 = arith.constant 0 : i32
    %dma_wait3A_61 = tpu.memref_slice %arg8[%dma_wait3A_59, %dma_wait3A_60] : memref<80x128xi32, #tpu.memory_space<vmem>> -> memref<1x128xi32, #tpu.memory_space<vmem>>
    %dma_wait3A_62 = tpu.memref_squeeze %dma_wait3A_61 : memref<1x128xi32, #tpu.memory_space<vmem>> -> memref<128xi32, #tpu.memory_space<vmem>>
    %dma_wait3A_63 = arith.constant 0 : i32
    %dma_wait3A_64 = arith.constant 0 : i32
    %dma_wait3A_65 = tpu.memref_slice %arg21[%dma_wait3A_63, %dma_wait3A_64] : memref<10240x32xf32, #tpu.memory_space<vmem_shared>> -> memref<10240x32xf32, #tpu.memory_space<vmem_shared>>
    tpu.wait_indirect_dma semaphore(%arg17 : memref<!tpu.dma_semaphore, #tpu.memory_space<semaphore_mem>>) src(%arg9 : memref<128x32xf32, #tpu.memory_space<vmem>>) dst(%dma_wait3A_65 : memref<10240x32xf32, #tpu.memory_space<vmem_shared>>)
    %dma_start3A_66 = arith.constant 4 : i32
    %dma_start3A_67 = arith.constant 0 : i32
    %dma_start3A_68 = tpu.memref_slice %arg7[%dma_start3A_66, %dma_start3A_67] : memref<80x128xi32, #tpu.memory_space<vmem>> -> memref<1x128xi32, #tpu.memory_space<vmem>>
    %dma_start3A_69 = tpu.memref_squeeze %dma_start3A_68 : memref<1x128xi32, #tpu.memory_space<vmem>> -> memref<128xi32, #tpu.memory_space<vmem>>
    %dma_start3A_70 = arith.constant 0 : i32
    %dma_start3A_71 = arith.constant 0 : i32
    %dma_start3A_72 = tpu.memref_slice %arg4[%dma_start3A_70, %dma_start3A_71] : memref<10240x32xf32, #tpu.memory_space<hbm>> -> memref<10240x32xf32, #tpu.memory_space<hbm>>
    tpu.enqueue_indirect_dma source(%dma_start3A_72 : memref<10240x32xf32, #tpu.memory_space<hbm>>) target(%arg9 : memref<128x32xf32, #tpu.memory_space<vmem>>) offsets(%dma_start3A_69 : memref<128xi32, #tpu.memory_space<vmem>>) semaphore(%arg13 : memref<!tpu.dma_semaphore, #tpu.memory_space<semaphore_mem>>)
    %dma_wait3A_73 = arith.constant 2 : i32
    %dma_wait3A_74 = arith.constant 0 : i32
    %dma_wait3A_75 = tpu.memref_slice %arg7[%dma_wait3A_73, %dma_wait3A_74] : memref<80x128xi32, #tpu.memory_space<vmem>> -> memref<1x128xi32, #tpu.memory_space<vmem>>
    %dma_wait3A_76 = tpu.memref_squeeze %dma_wait3A_75 : memref<1x128xi32, #tpu.memory_space<vmem>> -> memref<128xi32, #tpu.memory_space<vmem>>
    %dma_wait3A_77 = arith.constant 0 : i32
    %dma_wait3A_78 = arith.constant 0 : i32
    %dma_wait3A_79 = tpu.memref_slice %arg4[%dma_wait3A_77, %dma_wait3A_78] : memref<10240x32xf32, #tpu.memory_space<hbm>> -> memref<10240x32xf32, #tpu.memory_space<hbm>>
    tpu.wait_indirect_dma semaphore(%arg15 : memref<!tpu.dma_semaphore, #tpu.memory_space<semaphore_mem>>) src(%dma_wait3A_79 : memref<10240x32xf32, #tpu.memory_space<hbm>>) dst(%arg11 : memref<128x32xf32, #tpu.memory_space<vmem>>)
    %dma_start3A_80 = arith.constant 2 : i32
    %dma_start3A_81 = arith.constant 0 : i32
    %dma_start3A_82 = tpu.memref_slice %arg8[%dma_start3A_80, %dma_start3A_81] : memref<80x128xi32, #tpu.memory_space<vmem>> -> memref<1x128xi32, #tpu.memory_space<vmem>>
    %dma_start3A_83 = tpu.memref_squeeze %dma_start3A_82 : memref<1x128xi32, #tpu.memory_space<vmem>> -> memref<128xi32, #tpu.memory_space<vmem>>
    %dma_start3A_84 = arith.constant 0 : i32
    %dma_start3A_85 = arith.constant 0 : i32
    %dma_start3A_86 = tpu.memref_slice %arg21[%dma_start3A_84, %dma_start3A_85] : memref<10240x32xf32, #tpu.memory_space<vmem_shared>> -> memref<10240x32xf32, #tpu.memory_space<vmem_shared>>
    tpu.enqueue_indirect_dma source(%arg11 : memref<128x32xf32, #tpu.memory_space<vmem>>) target(%dma_start3A_86 : memref<10240x32xf32, #tpu.memory_space<vmem_shared>>) offsets(%dma_start3A_83 : memref<128xi32, #tpu.memory_space<vmem>>) semaphore(%arg19 : memref<!tpu.dma_semaphore, #tpu.memory_space<semaphore_mem>>) {add = true}
    %dma_wait3A_87 = arith.constant 0 : i32
    %dma_wait3A_88 = arith.constant 0 : i32
    %dma_wait3A_89 = tpu.memref_slice %arg8[%dma_wait3A_87, %dma_wait3A_88] : memref<80x128xi32, #tpu.memory_space<vmem>> -> memref<1x128xi32, #tpu.memory_space<vmem>>
    %dma_wait3A_90 = tpu.memref_squeeze %dma_wait3A_89 : memref<1x128xi32, #tpu.memory_space<vmem>> -> memref<128xi32, #tpu.memory_space<vmem>>
    %dma_wait3A_91 = arith.constant 0 : i32
    %dma_wait3A_92 = arith.constant 0 : i32
    %dma_wait3A_93 = tpu.memref_slice %arg21[%dma_wait3A_91, %dma_wait3A_92] : memref<10240x32xf32, #tpu.memory_space<vmem_shared>> -> memref<10240x32xf32, #tpu.memory_space<vmem_shared>>
    tpu.wait_indirect_dma semaphore(%arg18 : memref<!tpu.dma_semaphore, #tpu.memory_space<semaphore_mem>>) src(%arg10 : memref<128x32xf32, #tpu.memory_space<vmem>>) dst(%dma_wait3A_93 : memref<10240x32xf32, #tpu.memory_space<vmem_shared>>)
    %dma_start3A_94 = arith.constant 5 : i32
    %dma_start3A_95 = arith.constant 0 : i32
    %dma_start3A_96 = tpu.memref_slice %arg7[%dma_start3A_94, %dma_start3A_95] : memref<80x128xi32, #tpu.memory_space<vmem>> -> memref<1x128xi32, #tpu.memory_space<vmem>>
    %dma_start3A_97 = tpu.memref_squeeze %dma_start3A_96 : memref<1x128xi32, #tpu.memory_space<vmem>> -> memref<128xi32, #tpu.memory_space<vmem>>
    %dma_start3A_98 = arith.constant 0 : i32
    %dma_start3A_99 = arith.constant 0 : i32
    %dma_start3A_100 = tpu.memref_slice %arg4[%dma_start3A_98, %dma_start3A_99] : memref<10240x32xf32, #tpu.memory_space<hbm>> -> memref<10240x32xf32, #tpu.memory_space<hbm>>
    tpu.enqueue_indirect_dma source(%dma_start3A_100 : memref<10240x32xf32, #tpu.memory_space<hbm>>) target(%arg10 : memref<128x32xf32, #tpu.memory_space<vmem>>) offsets(%dma_start3A_97 : memref<128xi32, #tpu.memory_space<vmem>>) semaphore(%arg14 : memref<!tpu.dma_semaphore, #tpu.memory_space<semaphore_mem>>)
    %dma_wait3A_101 = arith.constant 3 : i32
    %dma_wait3A_102 = arith.constant 0 : i32
    %dma_wait3A_103 = tpu.memref_slice %arg7[%dma_wait3A_101, %dma_wait3A_102] : memref<80x128xi32, #tpu.memory_space<vmem>> -> memref<1x128xi32, #tpu.memory_space<vmem>>
    %dma_wait3A_104 = tpu.memref_squeeze %dma_wait3A_103 : memref<1x128xi32, #tpu.memory_space<vmem>> -> memref<128xi32, #tpu.memory_space<vmem>>
    %dma_wait3A_105 = arith.constant 0 : i32
    %dma_wait3A_106 = arith.constant 0 : i32
    %dma_wait3A_107 = tpu.memref_slice %arg4[%dma_wait3A_105, %dma_wait3A_106] : memref<10240x32xf32, #tpu.memory_space<hbm>> -> memref<10240x32xf32, #tpu.memory_space<hbm>>
    tpu.wait_indirect_dma semaphore(%arg16 : memref<!tpu.dma_semaphore, #tpu.memory_space<semaphore_mem>>) src(%dma_wait3A_107 : memref<10240x32xf32, #tpu.memory_space<hbm>>) dst(%arg12 : memref<128x32xf32, #tpu.memory_space<vmem>>)
    %dma_start3A_108 = arith.constant 3 : i32
    %dma_start3A_109 = arith.constant 0 : i32
    %dma_start3A_110 = tpu.memref_slice %arg8[%dma_start3A_108, %dma_start3A_109] : memref<80x128xi32, #tpu.memory_space<vmem>> -> memref<1x128xi32, #tpu.memory_space<vmem>>
    %dma_start3A_111 = tpu.memref_squeeze %dma_start3A_110 : memref<1x128xi32, #tpu.memory_space<vmem>> -> memref<128xi32, #tpu.memory_space<vmem>>
    %dma_start3A_112 = arith.constant 0 : i32
    %dma_start3A_113 = arith.constant 0 : i32
    %dma_start3A_114 = tpu.memref_slice %arg21[%dma_start3A_112, %dma_start3A_113] : memref<10240x32xf32, #tpu.memory_space<vmem_shared>> -> memref<10240x32xf32, #tpu.memory_space<vmem_shared>>
    tpu.enqueue_indirect_dma source(%arg12 : memref<128x32xf32, #tpu.memory_space<vmem>>) target(%dma_start3A_114 : memref<10240x32xf32, #tpu.memory_space<vmem_shared>>) offsets(%dma_start3A_111 : memref<128xi32, #tpu.memory_space<vmem>>) semaphore(%arg20 : memref<!tpu.dma_semaphore, #tpu.memory_space<semaphore_mem>>) {add = true}
    %dma_wait3A_115 = arith.constant 0 : i32
    %dma_wait3A_116 = arith.constant 0 : i32
    %dma_wait3A_117 = tpu.memref_slice %arg8[%dma_wait3A_115, %dma_wait3A_116] : memref<80x128xi32, #tpu.memory_space<vmem>> -> memref<1x128xi32, #tpu.memory_space<vmem>>
    %dma_wait3A_118 = tpu.memref_squeeze %dma_wait3A_117 : memref<1x128xi32, #tpu.memory_space<vmem>> -> memref<128xi32, #tpu.memory_space<vmem>>
    %dma_wait3A_119 = arith.constant 0 : i32
    %dma_wait3A_120 = arith.constant 0 : i32
    %dma_wait3A_121 = tpu.memref_slice %arg21[%dma_wait3A_119, %dma_wait3A_120] : memref<10240x32xf32, #tpu.memory_space<vmem_shared>> -> memref<10240x32xf32, #tpu.memory_space<vmem_shared>>
    tpu.wait_indirect_dma semaphore(%arg19 : memref<!tpu.dma_semaphore, #tpu.memory_space<semaphore_mem>>) src(%arg11 : memref<128x32xf32, #tpu.memory_space<vmem>>) dst(%dma_wait3A_121 : memref<10240x32xf32, #tpu.memory_space<vmem_shared>>)
    %dma_start3A_122 = arith.constant 6 : i32
    %dma_start3A_123 = arith.constant 0 : i32
    %dma_start3A_124 = tpu.memref_slice %arg7[%dma_start3A_122, %dma_start3A_123] : memref<80x128xi32, #tpu.memory_space<vmem>> -> memref<1x128xi32, #tpu.memory_space<vmem>>
    %dma_start3A_125 = tpu.memref_squeeze %dma_start3A_124 : memref<1x128xi32, #tpu.memory_space<vmem>> -> memref<128xi32, #tpu.memory_space<vmem>>
    %dma_start3A_126 = arith.constant 0 : i32
    %dma_start3A_127 = arith.constant 0 : i32
    %dma_start3A_128 = tpu.memref_slice %arg4[%dma_start3A_126, %dma_start3A_127] : memref<10240x32xf32, #tpu.memory_space<hbm>> -> memref<10240x32xf32, #tpu.memory_space<hbm>>
    tpu.enqueue_indirect_dma source(%dma_start3A_128 : memref<10240x32xf32, #tpu.memory_space<hbm>>) target(%arg11 : memref<128x32xf32, #tpu.memory_space<vmem>>) offsets(%dma_start3A_125 : memref<128xi32, #tpu.memory_space<vmem>>) semaphore(%arg15 : memref<!tpu.dma_semaphore, #tpu.memory_space<semaphore_mem>>)
    %scan3A = arith.constant 0 : i32
    %scan3A_129 = arith.constant 1 : i32
    %scan3A_130 = arith.constant 19 : i32
    %scan3A_131 = arith.addi %scan3A_129, %scan3A_130 : i32
    %scan3A_132 = arith.constant 1 : i32
    scf.for %scan3A_167 = %scan3A_129 to %scan3A_131 step %scan3A_132  : i32 {
      %mul3A_168 = arith.constant 4 : i32
      %mul3A_169 = arith.muli %mul3A_168, %scan3A_167 : i32
      %add3A_170 = arith.constant 0 : i32
      %add3A_171 = arith.addi %mul3A_169, %add3A_170 : i32
      %dma_wait3A_172 = arith.constant 0 : i32
      %dma_wait3A_173 = tpu.memref_slice %arg7[%add3A_171, %dma_wait3A_172] : memref<80x128xi32, #tpu.memory_space<vmem>> -> memref<1x128xi32, #tpu.memory_space<vmem>>
      %dma_wait3A_174 = tpu.memref_squeeze %dma_wait3A_173 : memref<1x128xi32, #tpu.memory_space<vmem>> -> memref<128xi32, #tpu.memory_space<vmem>>
      %dma_wait3A_175 = arith.constant 0 : i32
      %dma_wait3A_176 = arith.constant 0 : i32
      %dma_wait3A_177 = tpu.memref_slice %arg4[%dma_wait3A_175, %dma_wait3A_176] : memref<10240x32xf32, #tpu.memory_space<hbm>> -> memref<10240x32xf32, #tpu.memory_space<hbm>>
      tpu.wait_indirect_dma semaphore(%arg13 : memref<!tpu.dma_semaphore, #tpu.memory_space<semaphore_mem>>) src(%dma_wait3A_177 : memref<10240x32xf32, #tpu.memory_space<hbm>>) dst(%arg9 : memref<128x32xf32, #tpu.memory_space<vmem>>)
      %dma_start3A_178 = arith.constant 0 : i32
      %dma_start3A_179 = tpu.memref_slice %arg8[%add3A_171, %dma_start3A_178] : memref<80x128xi32, #tpu.memory_space<vmem>> -> memref<1x128xi32, #tpu.memory_space<vmem>>
      %dma_start3A_180 = tpu.memref_squeeze %dma_start3A_179 : memref<1x128xi32, #tpu.memory_space<vmem>> -> memref<128xi32, #tpu.memory_space<vmem>>
      %dma_start3A_181 = arith.constant 0 : i32
      %dma_start3A_182 = arith.constant 0 : i32
      %dma_start3A_183 = tpu.memref_slice %arg21[%dma_start3A_181, %dma_start3A_182] : memref<10240x32xf32, #tpu.memory_space<vmem_shared>> -> memref<10240x32xf32, #tpu.memory_space<vmem_shared>>
      tpu.enqueue_indirect_dma source(%arg9 : memref<128x32xf32, #tpu.memory_space<vmem>>) target(%dma_start3A_183 : memref<10240x32xf32, #tpu.memory_space<vmem_shared>>) offsets(%dma_start3A_180 : memref<128xi32, #tpu.memory_space<vmem>>) semaphore(%arg17 : memref<!tpu.dma_semaphore, #tpu.memory_space<semaphore_mem>>) {add = true}
      %add3A_184 = arith.constant 3 : i32
      %add3A_185 = arith.addi %add3A_171, %add3A_184 : i32
      %lt3A = arith.constant 80 : i32
      %lt3A_186 = arith.cmpi slt, %add3A_185, %lt3A : i32
      %convert_element_type3A = arith.extui %lt3A_186 : i1 to i32
      %cond3A = arith.constant 0 : i32
      %cond3A_187 = arith.cmpi ne, %convert_element_type3A, %cond3A : i32
      scf.if %cond3A_187 {
        %dma_wait3A_251 = arith.constant 0 : i32
        %dma_wait3A_252 = arith.constant 0 : i32
        %dma_wait3A_253 = tpu.memref_slice %arg8[%dma_wait3A_251, %dma_wait3A_252] : memref<80x128xi32, #tpu.memory_space<vmem>> -> memref<1x128xi32, #tpu.memory_space<vmem>>
        %dma_wait3A_254 = tpu.memref_squeeze %dma_wait3A_253 : memref<1x128xi32, #tpu.memory_space<vmem>> -> memref<128xi32, #tpu.memory_space<vmem>>
        %dma_wait3A_255 = arith.constant 0 : i32
        %dma_wait3A_256 = arith.constant 0 : i32
        %dma_wait3A_257 = tpu.memref_slice %arg21[%dma_wait3A_255, %dma_wait3A_256] : memref<10240x32xf32, #tpu.memory_space<vmem_shared>> -> memref<10240x32xf32, #tpu.memory_space<vmem_shared>>
        tpu.wait_indirect_dma semaphore(%arg20 : memref<!tpu.dma_semaphore, #tpu.memory_space<semaphore_mem>>) src(%arg12 : memref<128x32xf32, #tpu.memory_space<vmem>>) dst(%dma_wait3A_257 : memref<10240x32xf32, #tpu.memory_space<vmem_shared>>)
        %add3A_258 = arith.constant 3 : i32
        %add3A_259 = arith.addi %add3A_171, %add3A_258 : i32
        %dma_start3A_260 = arith.constant 0 : i32
        %dma_start3A_261 = tpu.memref_slice %arg7[%add3A_259, %dma_start3A_260] : memref<80x128xi32, #tpu.memory_space<vmem>> -> memref<1x128xi32, #tpu.memory_space<vmem>>
        %dma_start3A_262 = tpu.memref_squeeze %dma_start3A_261 : memref<1x128xi32, #tpu.memory_space<vmem>> -> memref<128xi32, #tpu.memory_space<vmem>>
        %dma_start3A_263 = arith.constant 0 : i32
        %dma_start3A_264 = arith.constant 0 : i32
        %dma_start3A_265 = tpu.memref_slice %arg4[%dma_start3A_263, %dma_start3A_264] : memref<10240x32xf32, #tpu.memory_space<hbm>> -> memref<10240x32xf32, #tpu.memory_space<hbm>>
        tpu.enqueue_indirect_dma source(%dma_start3A_265 : memref<10240x32xf32, #tpu.memory_space<hbm>>) target(%arg12 : memref<128x32xf32, #tpu.memory_space<vmem>>) offsets(%dma_start3A_262 : memref<128xi32, #tpu.memory_space<vmem>>) semaphore(%arg16 : memref<!tpu.dma_semaphore, #tpu.memory_space<semaphore_mem>>)
      } else {
      }
      %add3A_188 = arith.constant 1 : i32
      %add3A_189 = arith.addi %mul3A_169, %add3A_188 : i32
      %dma_wait3A_190 = arith.constant 0 : i32
      %dma_wait3A_191 = tpu.memref_slice %arg7[%add3A_189, %dma_wait3A_190] : memref<80x128xi32, #tpu.memory_space<vmem>> -> memref<1x128xi32, #tpu.memory_space<vmem>>
      %dma_wait3A_192 = tpu.memref_squeeze %dma_wait3A_191 : memref<1x128xi32, #tpu.memory_space<vmem>> -> memref<128xi32, #tpu.memory_space<vmem>>
      %dma_wait3A_193 = arith.constant 0 : i32
      %dma_wait3A_194 = arith.constant 0 : i32
      %dma_wait3A_195 = tpu.memref_slice %arg4[%dma_wait3A_193, %dma_wait3A_194] : memref<10240x32xf32, #tpu.memory_space<hbm>> -> memref<10240x32xf32, #tpu.memory_space<hbm>>
      tpu.wait_indirect_dma semaphore(%arg14 : memref<!tpu.dma_semaphore, #tpu.memory_space<semaphore_mem>>) src(%dma_wait3A_195 : memref<10240x32xf32, #tpu.memory_space<hbm>>) dst(%arg10 : memref<128x32xf32, #tpu.memory_space<vmem>>)
      %dma_start3A_196 = arith.constant 0 : i32
      %dma_start3A_197 = tpu.memref_slice %arg8[%add3A_189, %dma_start3A_196] : memref<80x128xi32, #tpu.memory_space<vmem>> -> memref<1x128xi32, #tpu.memory_space<vmem>>
      %dma_start3A_198 = tpu.memref_squeeze %dma_start3A_197 : memref<1x128xi32, #tpu.memory_space<vmem>> -> memref<128xi32, #tpu.memory_space<vmem>>
      %dma_start3A_199 = arith.constant 0 : i32
      %dma_start3A_200 = arith.constant 0 : i32
      %dma_start3A_201 = tpu.memref_slice %arg21[%dma_start3A_199, %dma_start3A_200] : memref<10240x32xf32, #tpu.memory_space<vmem_shared>> -> memref<10240x32xf32, #tpu.memory_space<vmem_shared>>
      tpu.enqueue_indirect_dma source(%arg10 : memref<128x32xf32, #tpu.memory_space<vmem>>) target(%dma_start3A_201 : memref<10240x32xf32, #tpu.memory_space<vmem_shared>>) offsets(%dma_start3A_198 : memref<128xi32, #tpu.memory_space<vmem>>) semaphore(%arg18 : memref<!tpu.dma_semaphore, #tpu.memory_space<semaphore_mem>>) {add = true}
      %add3A_202 = arith.constant 3 : i32
      %add3A_203 = arith.addi %add3A_189, %add3A_202 : i32
      %lt3A_204 = arith.constant 80 : i32
      %lt3A_205 = arith.cmpi slt, %add3A_203, %lt3A_204 : i32
      %convert_element_type3A_206 = arith.extui %lt3A_205 : i1 to i32
      %cond3A_207 = arith.constant 0 : i32
      %cond3A_208 = arith.cmpi ne, %convert_element_type3A_206, %cond3A_207 : i32
      scf.if %cond3A_208 {
        %dma_wait3A_251 = arith.constant 0 : i32
        %dma_wait3A_252 = arith.constant 0 : i32
        %dma_wait3A_253 = tpu.memref_slice %arg8[%dma_wait3A_251, %dma_wait3A_252] : memref<80x128xi32, #tpu.memory_space<vmem>> -> memref<1x128xi32, #tpu.memory_space<vmem>>
        %dma_wait3A_254 = tpu.memref_squeeze %dma_wait3A_253 : memref<1x128xi32, #tpu.memory_space<vmem>> -> memref<128xi32, #tpu.memory_space<vmem>>
        %dma_wait3A_255 = arith.constant 0 : i32
        %dma_wait3A_256 = arith.constant 0 : i32
        %dma_wait3A_257 = tpu.memref_slice %arg21[%dma_wait3A_255, %dma_wait3A_256] : memref<10240x32xf32, #tpu.memory_space<vmem_shared>> -> memref<10240x32xf32, #tpu.memory_space<vmem_shared>>
        tpu.wait_indirect_dma semaphore(%arg17 : memref<!tpu.dma_semaphore, #tpu.memory_space<semaphore_mem>>) src(%arg9 : memref<128x32xf32, #tpu.memory_space<vmem>>) dst(%dma_wait3A_257 : memref<10240x32xf32, #tpu.memory_space<vmem_shared>>)
        %add3A_258 = arith.constant 3 : i32
        %add3A_259 = arith.addi %add3A_189, %add3A_258 : i32
        %dma_start3A_260 = arith.constant 0 : i32
        %dma_start3A_261 = tpu.memref_slice %arg7[%add3A_259, %dma_start3A_260] : memref<80x128xi32, #tpu.memory_space<vmem>> -> memref<1x128xi32, #tpu.memory_space<vmem>>
        %dma_start3A_262 = tpu.memref_squeeze %dma_start3A_261 : memref<1x128xi32, #tpu.memory_space<vmem>> -> memref<128xi32, #tpu.memory_space<vmem>>
        %dma_start3A_263 = arith.constant 0 : i32
        %dma_start3A_264 = arith.constant 0 : i32
        %dma_start3A_265 = tpu.memref_slice %arg4[%dma_start3A_263, %dma_start3A_264] : memref<10240x32xf32, #tpu.memory_space<hbm>> -> memref<10240x32xf32, #tpu.memory_space<hbm>>
        tpu.enqueue_indirect_dma source(%dma_start3A_265 : memref<10240x32xf32, #tpu.memory_space<hbm>>) target(%arg9 : memref<128x32xf32, #tpu.memory_space<vmem>>) offsets(%dma_start3A_262 : memref<128xi32, #tpu.memory_space<vmem>>) semaphore(%arg13 : memref<!tpu.dma_semaphore, #tpu.memory_space<semaphore_mem>>)
      } else {
      }
      %add3A_209 = arith.constant 2 : i32
      %add3A_210 = arith.addi %mul3A_169, %add3A_209 : i32
      %dma_wait3A_211 = arith.constant 0 : i32
      %dma_wait3A_212 = tpu.memref_slice %arg7[%add3A_210, %dma_wait3A_211] : memref<80x128xi32, #tpu.memory_space<vmem>> -> memref<1x128xi32, #tpu.memory_space<vmem>>
      %dma_wait3A_213 = tpu.memref_squeeze %dma_wait3A_212 : memref<1x128xi32, #tpu.memory_space<vmem>> -> memref<128xi32, #tpu.memory_space<vmem>>
      %dma_wait3A_214 = arith.constant 0 : i32
      %dma_wait3A_215 = arith.constant 0 : i32
      %dma_wait3A_216 = tpu.memref_slice %arg4[%dma_wait3A_214, %dma_wait3A_215] : memref<10240x32xf32, #tpu.memory_space<hbm>> -> memref<10240x32xf32, #tpu.memory_space<hbm>>
      tpu.wait_indirect_dma semaphore(%arg15 : memref<!tpu.dma_semaphore, #tpu.memory_space<semaphore_mem>>) src(%dma_wait3A_216 : memref<10240x32xf32, #tpu.memory_space<hbm>>) dst(%arg11 : memref<128x32xf32, #tpu.memory_space<vmem>>)
      %dma_start3A_217 = arith.constant 0 : i32
      %dma_start3A_218 = tpu.memref_slice %arg8[%add3A_210, %dma_start3A_217] : memref<80x128xi32, #tpu.memory_space<vmem>> -> memref<1x128xi32, #tpu.memory_space<vmem>>
      %dma_start3A_219 = tpu.memref_squeeze %dma_start3A_218 : memref<1x128xi32, #tpu.memory_space<vmem>> -> memref<128xi32, #tpu.memory_space<vmem>>
      %dma_start3A_220 = arith.constant 0 : i32
      %dma_start3A_221 = arith.constant 0 : i32
      %dma_start3A_222 = tpu.memref_slice %arg21[%dma_start3A_220, %dma_start3A_221] : memref<10240x32xf32, #tpu.memory_space<vmem_shared>> -> memref<10240x32xf32, #tpu.memory_space<vmem_shared>>
      tpu.enqueue_indirect_dma source(%arg11 : memref<128x32xf32, #tpu.memory_space<vmem>>) target(%dma_start3A_222 : memref<10240x32xf32, #tpu.memory_space<vmem_shared>>) offsets(%dma_start3A_219 : memref<128xi32, #tpu.memory_space<vmem>>) semaphore(%arg19 : memref<!tpu.dma_semaphore, #tpu.memory_space<semaphore_mem>>) {add = true}
      %add3A_223 = arith.constant 3 : i32
      %add3A_224 = arith.addi %add3A_210, %add3A_223 : i32
      %lt3A_225 = arith.constant 80 : i32
      %lt3A_226 = arith.cmpi slt, %add3A_224, %lt3A_225 : i32
      %convert_element_type3A_227 = arith.extui %lt3A_226 : i1 to i32
      %cond3A_228 = arith.constant 0 : i32
      %cond3A_229 = arith.cmpi ne, %convert_element_type3A_227, %cond3A_228 : i32
      scf.if %cond3A_229 {
        %dma_wait3A_251 = arith.constant 0 : i32
        %dma_wait3A_252 = arith.constant 0 : i32
        %dma_wait3A_253 = tpu.memref_slice %arg8[%dma_wait3A_251, %dma_wait3A_252] : memref<80x128xi32, #tpu.memory_space<vmem>> -> memref<1x128xi32, #tpu.memory_space<vmem>>
        %dma_wait3A_254 = tpu.memref_squeeze %dma_wait3A_253 : memref<1x128xi32, #tpu.memory_space<vmem>> -> memref<128xi32, #tpu.memory_space<vmem>>
        %dma_wait3A_255 = arith.constant 0 : i32
        %dma_wait3A_256 = arith.constant 0 : i32
        %dma_wait3A_257 = tpu.memref_slice %arg21[%dma_wait3A_255, %dma_wait3A_256] : memref<10240x32xf32, #tpu.memory_space<vmem_shared>> -> memref<10240x32xf32, #tpu.memory_space<vmem_shared>>
        tpu.wait_indirect_dma semaphore(%arg18 : memref<!tpu.dma_semaphore, #tpu.memory_space<semaphore_mem>>) src(%arg10 : memref<128x32xf32, #tpu.memory_space<vmem>>) dst(%dma_wait3A_257 : memref<10240x32xf32, #tpu.memory_space<vmem_shared>>)
        %add3A_258 = arith.constant 3 : i32
        %add3A_259 = arith.addi %add3A_210, %add3A_258 : i32
        %dma_start3A_260 = arith.constant 0 : i32
        %dma_start3A_261 = tpu.memref_slice %arg7[%add3A_259, %dma_start3A_260] : memref<80x128xi32, #tpu.memory_space<vmem>> -> memref<1x128xi32, #tpu.memory_space<vmem>>
        %dma_start3A_262 = tpu.memref_squeeze %dma_start3A_261 : memref<1x128xi32, #tpu.memory_space<vmem>> -> memref<128xi32, #tpu.memory_space<vmem>>
        %dma_start3A_263 = arith.constant 0 : i32
        %dma_start3A_264 = arith.constant 0 : i32
        %dma_start3A_265 = tpu.memref_slice %arg4[%dma_start3A_263, %dma_start3A_264] : memref<10240x32xf32, #tpu.memory_space<hbm>> -> memref<10240x32xf32, #tpu.memory_space<hbm>>
        tpu.enqueue_indirect_dma source(%dma_start3A_265 : memref<10240x32xf32, #tpu.memory_space<hbm>>) target(%arg10 : memref<128x32xf32, #tpu.memory_space<vmem>>) offsets(%dma_start3A_262 : memref<128xi32, #tpu.memory_space<vmem>>) semaphore(%arg14 : memref<!tpu.dma_semaphore, #tpu.memory_space<semaphore_mem>>)
      } else {
      }
      %add3A_230 = arith.constant 3 : i32
      %add3A_231 = arith.addi %mul3A_169, %add3A_230 : i32
      %dma_wait3A_232 = arith.constant 0 : i32
      %dma_wait3A_233 = tpu.memref_slice %arg7[%add3A_231, %dma_wait3A_232] : memref<80x128xi32, #tpu.memory_space<vmem>> -> memref<1x128xi32, #tpu.memory_space<vmem>>
      %dma_wait3A_234 = tpu.memref_squeeze %dma_wait3A_233 : memref<1x128xi32, #tpu.memory_space<vmem>> -> memref<128xi32, #tpu.memory_space<vmem>>
      %dma_wait3A_235 = arith.constant 0 : i32
      %dma_wait3A_236 = arith.constant 0 : i32
      %dma_wait3A_237 = tpu.memref_slice %arg4[%dma_wait3A_235, %dma_wait3A_236] : memref<10240x32xf32, #tpu.memory_space<hbm>> -> memref<10240x32xf32, #tpu.memory_space<hbm>>
      tpu.wait_indirect_dma semaphore(%arg16 : memref<!tpu.dma_semaphore, #tpu.memory_space<semaphore_mem>>) src(%dma_wait3A_237 : memref<10240x32xf32, #tpu.memory_space<hbm>>) dst(%arg12 : memref<128x32xf32, #tpu.memory_space<vmem>>)
      %dma_start3A_238 = arith.constant 0 : i32
      %dma_start3A_239 = tpu.memref_slice %arg8[%add3A_231, %dma_start3A_238] : memref<80x128xi32, #tpu.memory_space<vmem>> -> memref<1x128xi32, #tpu.memory_space<vmem>>
      %dma_start3A_240 = tpu.memref_squeeze %dma_start3A_239 : memref<1x128xi32, #tpu.memory_space<vmem>> -> memref<128xi32, #tpu.memory_space<vmem>>
      %dma_start3A_241 = arith.constant 0 : i32
      %dma_start3A_242 = arith.constant 0 : i32
      %dma_start3A_243 = tpu.memref_slice %arg21[%dma_start3A_241, %dma_start3A_242] : memref<10240x32xf32, #tpu.memory_space<vmem_shared>> -> memref<10240x32xf32, #tpu.memory_space<vmem_shared>>
      tpu.enqueue_indirect_dma source(%arg12 : memref<128x32xf32, #tpu.memory_space<vmem>>) target(%dma_start3A_243 : memref<10240x32xf32, #tpu.memory_space<vmem_shared>>) offsets(%dma_start3A_240 : memref<128xi32, #tpu.memory_space<vmem>>) semaphore(%arg20 : memref<!tpu.dma_semaphore, #tpu.memory_space<semaphore_mem>>) {add = true}
      %add3A_244 = arith.constant 3 : i32
      %add3A_245 = arith.addi %add3A_231, %add3A_244 : i32
      %lt3A_246 = arith.constant 80 : i32
      %lt3A_247 = arith.cmpi slt, %add3A_245, %lt3A_246 : i32
      %convert_element_type3A_248 = arith.extui %lt3A_247 : i1 to i32
      %cond3A_249 = arith.constant 0 : i32
      %cond3A_250 = arith.cmpi ne, %convert_element_type3A_248, %cond3A_249 : i32
      scf.if %cond3A_250 {
        %dma_wait3A_251 = arith.constant 0 : i32
        %dma_wait3A_252 = arith.constant 0 : i32
        %dma_wait3A_253 = tpu.memref_slice %arg8[%dma_wait3A_251, %dma_wait3A_252] : memref<80x128xi32, #tpu.memory_space<vmem>> -> memref<1x128xi32, #tpu.memory_space<vmem>>
        %dma_wait3A_254 = tpu.memref_squeeze %dma_wait3A_253 : memref<1x128xi32, #tpu.memory_space<vmem>> -> memref<128xi32, #tpu.memory_space<vmem>>
        %dma_wait3A_255 = arith.constant 0 : i32
        %dma_wait3A_256 = arith.constant 0 : i32
        %dma_wait3A_257 = tpu.memref_slice %arg21[%dma_wait3A_255, %dma_wait3A_256] : memref<10240x32xf32, #tpu.memory_space<vmem_shared>> -> memref<10240x32xf32, #tpu.memory_space<vmem_shared>>
        tpu.wait_indirect_dma semaphore(%arg19 : memref<!tpu.dma_semaphore, #tpu.memory_space<semaphore_mem>>) src(%arg11 : memref<128x32xf32, #tpu.memory_space<vmem>>) dst(%dma_wait3A_257 : memref<10240x32xf32, #tpu.memory_space<vmem_shared>>)
        %add3A_258 = arith.constant 3 : i32
        %add3A_259 = arith.addi %add3A_231, %add3A_258 : i32
        %dma_start3A_260 = arith.constant 0 : i32
        %dma_start3A_261 = tpu.memref_slice %arg7[%add3A_259, %dma_start3A_260] : memref<80x128xi32, #tpu.memory_space<vmem>> -> memref<1x128xi32, #tpu.memory_space<vmem>>
        %dma_start3A_262 = tpu.memref_squeeze %dma_start3A_261 : memref<1x128xi32, #tpu.memory_space<vmem>> -> memref<128xi32, #tpu.memory_space<vmem>>
        %dma_start3A_263 = arith.constant 0 : i32
        %dma_start3A_264 = arith.constant 0 : i32
        %dma_start3A_265 = tpu.memref_slice %arg4[%dma_start3A_263, %dma_start3A_264] : memref<10240x32xf32, #tpu.memory_space<hbm>> -> memref<10240x32xf32, #tpu.memory_space<hbm>>
        tpu.enqueue_indirect_dma source(%dma_start3A_265 : memref<10240x32xf32, #tpu.memory_space<hbm>>) target(%arg11 : memref<128x32xf32, #tpu.memory_space<vmem>>) offsets(%dma_start3A_262 : memref<128xi32, #tpu.memory_space<vmem>>) semaphore(%arg15 : memref<!tpu.dma_semaphore, #tpu.memory_space<semaphore_mem>>)
      } else {
      }
    }
    %scan3A_133 = arith.constant 19 : i32
    %dma_wait3A_134 = arith.constant 0 : i32
    %dma_wait3A_135 = arith.constant 0 : i32
    %dma_wait3A_136 = tpu.memref_slice %arg8[%dma_wait3A_134, %dma_wait3A_135] : memref<80x128xi32, #tpu.memory_space<vmem>> -> memref<1x128xi32, #tpu.memory_space<vmem>>
    %dma_wait3A_137 = tpu.memref_squeeze %dma_wait3A_136 : memref<1x128xi32, #tpu.memory_space<vmem>> -> memref<128xi32, #tpu.memory_space<vmem>>
    %dma_wait3A_138 = arith.constant 0 : i32
    %dma_wait3A_139 = arith.constant 0 : i32
    %dma_wait3A_140 = tpu.memref_slice %arg21[%dma_wait3A_138, %dma_wait3A_139] : memref<10240x32xf32, #tpu.memory_space<vmem_shared>> -> memref<10240x32xf32, #tpu.memory_space<vmem_shared>>
    tpu.wait_indirect_dma semaphore(%arg17 : memref<!tpu.dma_semaphore, #tpu.memory_space<semaphore_mem>>) src(%arg9 : memref<128x32xf32, #tpu.memory_space<vmem>>) dst(%dma_wait3A_140 : memref<10240x32xf32, #tpu.memory_space<vmem_shared>>)
    %dma_wait3A_141 = arith.constant 0 : i32
    %dma_wait3A_142 = arith.constant 0 : i32
    %dma_wait3A_143 = tpu.memref_slice %arg8[%dma_wait3A_141, %dma_wait3A_142] : memref<80x128xi32, #tpu.memory_space<vmem>> -> memref<1x128xi32, #tpu.memory_space<vmem>>
    %dma_wait3A_144 = tpu.memref_squeeze %dma_wait3A_143 : memref<1x128xi32, #tpu.memory_space<vmem>> -> memref<128xi32, #tpu.memory_space<vmem>>
    %dma_wait3A_145 = arith.constant 0 : i32
    %dma_wait3A_146 = arith.constant 0 : i32
    %dma_wait3A_147 = tpu.memref_slice %arg21[%dma_wait3A_145, %dma_wait3A_146] : memref<10240x32xf32, #tpu.memory_space<vmem_shared>> -> memref<10240x32xf32, #tpu.memory_space<vmem_shared>>
    tpu.wait_indirect_dma semaphore(%arg18 : memref<!tpu.dma_semaphore, #tpu.memory_space<semaphore_mem>>) src(%arg10 : memref<128x32xf32, #tpu.memory_space<vmem>>) dst(%dma_wait3A_147 : memref<10240x32xf32, #tpu.memory_space<vmem_shared>>)
    %dma_wait3A_148 = arith.constant 0 : i32
    %dma_wait3A_149 = arith.constant 0 : i32
    %dma_wait3A_150 = tpu.memref_slice %arg8[%dma_wait3A_148, %dma_wait3A_149] : memref<80x128xi32, #tpu.memory_space<vmem>> -> memref<1x128xi32, #tpu.memory_space<vmem>>
    %dma_wait3A_151 = tpu.memref_squeeze %dma_wait3A_150 : memref<1x128xi32, #tpu.memory_space<vmem>> -> memref<128xi32, #tpu.memory_space<vmem>>
    %dma_wait3A_152 = arith.constant 0 : i32
    %dma_wait3A_153 = arith.constant 0 : i32
    %dma_wait3A_154 = tpu.memref_slice %arg21[%dma_wait3A_152, %dma_wait3A_153] : memref<10240x32xf32, #tpu.memory_space<vmem_shared>> -> memref<10240x32xf32, #tpu.memory_space<vmem_shared>>
    tpu.wait_indirect_dma semaphore(%arg19 : memref<!tpu.dma_semaphore, #tpu.memory_space<semaphore_mem>>) src(%arg11 : memref<128x32xf32, #tpu.memory_space<vmem>>) dst(%dma_wait3A_154 : memref<10240x32xf32, #tpu.memory_space<vmem_shared>>)
    %dma_wait3A_155 = arith.constant 0 : i32
    %dma_wait3A_156 = arith.constant 0 : i32
    %dma_wait3A_157 = tpu.memref_slice %arg8[%dma_wait3A_155, %dma_wait3A_156] : memref<80x128xi32, #tpu.memory_space<vmem>> -> memref<1x128xi32, #tpu.memory_space<vmem>>
    %dma_wait3A_158 = tpu.memref_squeeze %dma_wait3A_157 : memref<1x128xi32, #tpu.memory_space<vmem>> -> memref<128xi32, #tpu.memory_space<vmem>>
    %dma_wait3A_159 = arith.constant 0 : i32
    %dma_wait3A_160 = arith.constant 0 : i32
    %dma_wait3A_161 = tpu.memref_slice %arg21[%dma_wait3A_159, %dma_wait3A_160] : memref<10240x32xf32, #tpu.memory_space<vmem_shared>> -> memref<10240x32xf32, #tpu.memory_space<vmem_shared>>
    tpu.wait_indirect_dma semaphore(%arg20 : memref<!tpu.dma_semaphore, #tpu.memory_space<semaphore_mem>>) src(%arg12 : memref<128x32xf32, #tpu.memory_space<vmem>>) dst(%dma_wait3A_161 : memref<10240x32xf32, #tpu.memory_space<vmem_shared>>)
    %barrier3A_162 = arith.constant 0 : index
    tpu.barrier barrier_id(%barrier3A_162)
    %mul3A_163 = arith.constant 640 : i32
    %mul3A_164 = arith.muli %arg1, %mul3A_163 : i32
    %mul3A_165 = arith.constant 640 : i32
    %mul3A_166 = arith.muli %arg1, %mul3A_165 : i32
    "tpu.region"() ({
      %run_scoped3A = tpu.sem_alloc : memref<!tpu.dma_semaphore, #tpu.memory_space<semaphore_mem>>
      %dma_start3A_167 = arith.constant 0 : i32
      %dma_start3A_168 = arith.constant 0 : i32
      %dma_start3A_169 = tpu.memref_slice %arg6[%arg0, %dma_start3A_167, %dma_start3A_168] : memref<2x10240x32xf32, #tpu.memory_space<hbm>> -> memref<1x10240x32xf32, #tpu.memory_space<hbm>>
      %dma_start3A_170 = tpu.memref_squeeze %dma_start3A_169 : memref<1x10240x32xf32, #tpu.memory_space<hbm>> -> memref<10240x32xf32, #tpu.memory_space<hbm>>
      %dma_start3A_171 = arith.constant 0 : i32
      %dma_start3A_172 = tpu.memref_slice %dma_start3A_170[%mul3A_166, %dma_start3A_171] : memref<10240x32xf32, #tpu.memory_space<hbm>> -> memref<640x32xf32, #tpu.memory_space<hbm>>
      %dma_start3A_173 = arith.constant 0 : i32
      %dma_start3A_174 = tpu.memref_slice %arg21[%mul3A_164, %dma_start3A_173] : memref<10240x32xf32, #tpu.memory_space<vmem_shared>> -> memref<640x32xf32, #tpu.memory_space<vmem_shared>>
      tpu.enqueue_dma source(%dma_start3A_174 : memref<640x32xf32, #tpu.memory_space<vmem_shared>>) target(%dma_start3A_172 : memref<640x32xf32, #tpu.memory_space<hbm>>) target_semaphore(%run_scoped3A : memref<!tpu.dma_semaphore, #tpu.memory_space<semaphore_mem>>)
      %dma_wait3A_175 = arith.constant 0 : i32
      %dma_wait3A_176 = arith.constant 0 : i32
      %dma_wait3A_177 = tpu.memref_slice %arg6[%arg0, %dma_wait3A_175, %dma_wait3A_176] : memref<2x10240x32xf32, #tpu.memory_space<hbm>> -> memref<1x10240x32xf32, #tpu.memory_space<hbm>>
      %dma_wait3A_178 = tpu.memref_squeeze %dma_wait3A_177 : memref<1x10240x32xf32, #tpu.memory_space<hbm>> -> memref<10240x32xf32, #tpu.memory_space<hbm>>
      %dma_wait3A_179 = arith.constant 0 : i32
      %dma_wait3A_180 = tpu.memref_slice %dma_wait3A_178[%mul3A_166, %dma_wait3A_179] : memref<10240x32xf32, #tpu.memory_space<hbm>> -> memref<640x32xf32, #tpu.memory_space<hbm>>
      %dma_wait3A_181 = arith.constant 0 : i32
      %dma_wait3A_182 = tpu.memref_slice %arg21[%mul3A_164, %dma_wait3A_181] : memref<10240x32xf32, #tpu.memory_space<vmem_shared>> -> memref<640x32xf32, #tpu.memory_space<vmem_shared>>
      tpu.wait_dma2 semaphore(%run_scoped3A : memref<!tpu.dma_semaphore, #tpu.memory_space<semaphore_mem>>) src(%dma_wait3A_182 : memref<640x32xf32, #tpu.memory_space<vmem_shared>>) dst(%dma_wait3A_180 : memref<640x32xf32, #tpu.memory_space<hbm>>)
      tpu.yield
    }) : () -> ()
    return
  }
}

module attributes {stable_mosaic.version = 14 : i64} {
  func.func @body(%arg0: i32, %arg1: memref<1024x128xf32, #tpu.memory_space<vmem>>, %arg2: memref<128x16xf32, #tpu.memory_space<vmem>>, %arg3: memref<1024x1xf32, #tpu.memory_space<vmem>>, %arg4: memref<1024x1xf32, #tpu.memory_space<vmem>>, %arg5: memref<1024x16xf32, #tpu.memory_space<vmem>>, %arg6: memref<1024x1xf32, #tpu.memory_space<vmem>>) attributes {dimension_semantics = [#tpu.dimension_semantics<arbitrary>], iteration_bounds = array<i64: 10>, scalar_prefetch = 0 : i64, scratch_operands = 0 : i64, tpu.core_type = #tpu.core_type<tc>, window_params = [{transform_indices = @transform_0, window_bounds = array<i64: 1024, 128>}, {pipeline_mode = #tpu.pipeline_mode<synchronous>, transform_indices = @transform_1, window_bounds = array<i64: 128, 16>}, {transform_indices = @transform_2, window_bounds = array<i64: 1024, 1>}, {transform_indices = @transform_3, window_bounds = array<i64: 1024, 1>}, {transform_indices = @transform_4, window_bounds = array<i64: 1024, 16>}, {transform_indices = @transform_5, window_bounds = array<i64: 1024, 1>}]} {
    %get3A = arith.constant 0 : index
    %get3A_0 = arith.constant 0 : index
    %get3A_1 = vector.load %arg3[%get3A, %get3A_0] : memref<1024x1xf32, #tpu.memory_space<vmem>>, vector<1024x1xf32>
    %get3A_2 = arith.constant 0 : index
    %get3A_3 = arith.constant 0 : index
    %get3A_4 = vector.load %arg4[%get3A_2, %get3A_3] : memref<1024x1xf32, #tpu.memory_space<vmem>>, vector<1024x1xf32>
    %add3A = arith.addf %get3A_1, %get3A_4 : vector<1024x1xf32>
    %add3A_5 = arith.constant 1.000000e+00 : f32
    %add3A_6 = vector.broadcast %add3A_5 : f32 to vector<1024x1xf32>
    %add3A_7 = arith.addf %add3A, %add3A_6 : vector<1024x1xf32>
    %rsqrt3A = math.rsqrt %add3A_7 : vector<1024x1xf32>
    %swap3A = arith.constant 0 : index
    %swap3A_8 = arith.constant 0 : index
    %swap3A_9 = vector.load %arg6[%swap3A, %swap3A_8] : memref<1024x1xf32, #tpu.memory_space<vmem>>, vector<1024x1xf32>
    tpu.vector_store %arg6[%swap3A, %swap3A_8], %rsqrt3A {strides = array<i32>} : memref<1024x1xf32, #tpu.memory_space<vmem>>, vector<1024x1xf32>,
    %get3A_10 = arith.constant 0 : index
    %get3A_11 = arith.constant 0 : index
    %get3A_12 = vector.load %arg1[%get3A_10, %get3A_11] : memref<1024x128xf32, #tpu.memory_space<vmem>>, vector<1024x128xf32>
    %get3A_13 = arith.constant 0 : index
    %get3A_14 = arith.constant 0 : index
    %get3A_15 = vector.load %arg2[%get3A_13, %get3A_14] : memref<128x16xf32, #tpu.memory_space<vmem>>, vector<128x16xf32>
    %dot_general3A = arith.constant dense<0.000000e+00> : vector<1024x16xf32>
    %dot_general3A_16 = tpu.matmul %get3A_12, %get3A_15, %dot_general3A {dimension_numbers = #tpu.dot_dimension_numbers<[1], [0], [0], [1], [0, 0, 1, 1], [], []>, transpose_lhs_hint = false} : vector<1024x128xf32>, vector<128x16xf32>, vector<1024x16xf32> -> vector<1024x16xf32>
    %mul3A = vector.broadcast %rsqrt3A : vector<1024x1xf32> to vector<1024x16xf32>
    %mul3A_17 = arith.mulf %mul3A, %dot_general3A_16 : vector<1024x16xf32>
    %swap3A_18 = arith.constant 0 : index
    %swap3A_19 = arith.constant 0 : index
    %swap3A_20 = vector.load %arg5[%swap3A_18, %swap3A_19] : memref<1024x16xf32, #tpu.memory_space<vmem>>, vector<1024x16xf32>
    tpu.vector_store %arg5[%swap3A_18, %swap3A_19], %mul3A_17 {strides = array<i32>} : memref<1024x16xf32, #tpu.memory_space<vmem>>, vector<1024x16xf32>,
    return
  }
  func.func @transform_0(%arg0: i32) -> (i32, i32) {
    %c0_i32 = arith.constant 0 : i32
    %c0_i32_0 = arith.constant 0 : i32
    return %arg0, %c0_i32 : i32, i32
  }
  func.func @transform_1(%arg0: i32) -> (i32, i32) {
    %c0_i32 = arith.constant 0 : i32
    %c0_i32_0 = arith.constant 0 : i32
    %c0_i32_1 = arith.constant 0 : i32
    return %c0_i32, %c0_i32_0 : i32, i32
  }
  func.func @transform_2(%arg0: i32) -> (i32, i32) {
    %c0_i32 = arith.constant 0 : i32
    %c0_i32_0 = arith.constant 0 : i32
    return %arg0, %c0_i32 : i32, i32
  }
  func.func @transform_3(%arg0: i32) -> (i32, i32) {
    %c0_i32 = arith.constant 0 : i32
    %c0_i32_0 = arith.constant 0 : i32
    return %arg0, %c0_i32 : i32, i32
  }
  func.func @transform_4(%arg0: i32) -> (i32, i32) {
    %c0_i32 = arith.constant 0 : i32
    %c0_i32_0 = arith.constant 0 : i32
    return %arg0, %c0_i32 : i32, i32
  }
  func.func @transform_5(%arg0: i32) -> (i32, i32) {
    %c0_i32 = arith.constant 0 : i32
    %c0_i32_0 = arith.constant 0 : i32
    return %arg0, %c0_i32 : i32, i32
  }
}

module attributes {stable_mosaic.version = 14 : i64} {
  func.func @body(%arg0: i32, %arg1: memref<1024x16xf32, #tpu.memory_space<vmem>>, %arg2: memref<1024x16xf32, #tpu.memory_space<vmem>>, %arg3: memref<1024x16xf32, #tpu.memory_space<vmem>>, %arg4: memref<1024x1xf32, #tpu.memory_space<vmem>>, %arg5: memref<1x16xf32, #tpu.memory_space<vmem>>, %arg6: memref<16x32xf32, #tpu.memory_space<vmem>>, %arg7: memref<1024x32xf32, #tpu.memory_space<vmem>>) attributes {dimension_semantics = [#tpu.dimension_semantics<arbitrary>], iteration_bounds = array<i64: 10>, scalar_prefetch = 0 : i64, scratch_operands = 0 : i64, tpu.core_type = #tpu.core_type<tc>, window_params = [{transform_indices = @transform_0, window_bounds = array<i64: 1024, 16>}, {transform_indices = @transform_1, window_bounds = array<i64: 1024, 16>}, {transform_indices = @transform_2, window_bounds = array<i64: 1024, 16>}, {transform_indices = @transform_3, window_bounds = array<i64: 1024, 1>}, {pipeline_mode = #tpu.pipeline_mode<synchronous>, transform_indices = @transform_4, window_bounds = array<i64: 1, 16>}, {pipeline_mode = #tpu.pipeline_mode<synchronous>, transform_indices = @transform_5, window_bounds = array<i64: 16, 32>}, {transform_indices = @transform_6, window_bounds = array<i64: 1024, 32>}]} {
    %get3A = arith.constant 0 : index
    %get3A_0 = arith.constant 0 : index
    %get3A_1 = vector.load %arg4[%get3A, %get3A_0] : memref<1024x1xf32, #tpu.memory_space<vmem>>, vector<1024x1xf32>
    %get3A_2 = arith.constant 0 : index
    %get3A_3 = arith.constant 0 : index
    %get3A_4 = vector.load %arg1[%get3A_2, %get3A_3] : memref<1024x16xf32, #tpu.memory_space<vmem>>, vector<1024x16xf32>
    %get3A_5 = arith.constant 0 : index
    %get3A_6 = arith.constant 0 : index
    %get3A_7 = vector.load %arg2[%get3A_5, %get3A_6] : memref<1024x16xf32, #tpu.memory_space<vmem>>, vector<1024x16xf32>
    %add3A = arith.addf %get3A_4, %get3A_7 : vector<1024x16xf32>
    %get3A_8 = arith.constant 0 : index
    %get3A_9 = arith.constant 0 : index
    %get3A_10 = vector.load %arg3[%get3A_8, %get3A_9] : memref<1024x16xf32, #tpu.memory_space<vmem>>, vector<1024x16xf32>
    %add3A_11 = arith.addf %add3A, %get3A_10 : vector<1024x16xf32>
    %mul3A = vector.broadcast %get3A_1 : vector<1024x1xf32> to vector<1024x16xf32>
    %mul3A_12 = arith.mulf %mul3A, %add3A_11 : vector<1024x16xf32>
    %get3A_13 = arith.constant 0 : index
    %get3A_14 = arith.constant 0 : index
    %get3A_15 = vector.load %arg5[%get3A_13, %get3A_14] : memref<1x16xf32, #tpu.memory_space<vmem>>, vector<1x16xf32>
    %add3A_16 = vector.broadcast %get3A_15 : vector<1x16xf32> to vector<1024x16xf32>
    %add3A_17 = arith.addf %mul3A_12, %add3A_16 : vector<1024x16xf32>
    %max3A = arith.constant 0.000000e+00 : f32
    %max3A_18 = vector.broadcast %max3A : f32 to vector<1024x16xf32>
    %max3A_19 = arith.maximumf %add3A_17, %max3A_18 : vector<1024x16xf32>
    %get3A_20 = arith.constant 0 : index
    %get3A_21 = arith.constant 0 : index
    %get3A_22 = vector.load %arg4[%get3A_20, %get3A_21] : memref<1024x1xf32, #tpu.memory_space<vmem>>, vector<1024x1xf32>
    %get3A_23 = arith.constant 0 : index
    %get3A_24 = arith.constant 0 : index
    %get3A_25 = vector.load %arg6[%get3A_23, %get3A_24] : memref<16x32xf32, #tpu.memory_space<vmem>>, vector<16x32xf32>
    %dot_general3A = arith.constant dense<0.000000e+00> : vector<1024x32xf32>
    %dot_general3A_26 = tpu.matmul %max3A_19, %get3A_25, %dot_general3A {dimension_numbers = #tpu.dot_dimension_numbers<[1], [0], [0], [1], [0, 0, 1, 1], [], []>, transpose_lhs_hint = false} : vector<1024x16xf32>, vector<16x32xf32>, vector<1024x32xf32> -> vector<1024x32xf32>
    %mul3A_27 = vector.broadcast %get3A_22 : vector<1024x1xf32> to vector<1024x32xf32>
    %mul3A_28 = arith.mulf %mul3A_27, %dot_general3A_26 : vector<1024x32xf32>
    %swap3A = arith.constant 0 : index
    %swap3A_29 = arith.constant 0 : index
    %swap3A_30 = vector.load %arg7[%swap3A, %swap3A_29] : memref<1024x32xf32, #tpu.memory_space<vmem>>, vector<1024x32xf32>
    tpu.vector_store %arg7[%swap3A, %swap3A_29], %mul3A_28 {strides = array<i32>} : memref<1024x32xf32, #tpu.memory_space<vmem>>, vector<1024x32xf32>,
    return
  }
  func.func @transform_0(%arg0: i32) -> (i32, i32) {
    %c0_i32 = arith.constant 0 : i32
    %c0_i32_0 = arith.constant 0 : i32
    return %arg0, %c0_i32 : i32, i32
  }
  func.func @transform_1(%arg0: i32) -> (i32, i32) {
    %c0_i32 = arith.constant 0 : i32
    %c0_i32_0 = arith.constant 0 : i32
    return %arg0, %c0_i32 : i32, i32
  }
  func.func @transform_2(%arg0: i32) -> (i32, i32) {
    %c0_i32 = arith.constant 0 : i32
    %c0_i32_0 = arith.constant 0 : i32
    return %arg0, %c0_i32 : i32, i32
  }
  func.func @transform_3(%arg0: i32) -> (i32, i32) {
    %c0_i32 = arith.constant 0 : i32
    %c0_i32_0 = arith.constant 0 : i32
    return %arg0, %c0_i32 : i32, i32
  }
  func.func @transform_4(%arg0: i32) -> (i32, i32) {
    %c0_i32 = arith.constant 0 : i32
    %c0_i32_0 = arith.constant 0 : i32
    %c0_i32_1 = arith.constant 0 : i32
    return %c0_i32, %c0_i32_0 : i32, i32
  }
  func.func @transform_5(%arg0: i32) -> (i32, i32) {
    %c0_i32 = arith.constant 0 : i32
    %c0_i32_0 = arith.constant 0 : i32
    %c0_i32_1 = arith.constant 0 : i32
    return %c0_i32, %c0_i32_0 : i32, i32
  }
  func.func @transform_6(%arg0: i32) -> (i32, i32) {
    %c0_i32 = arith.constant 0 : i32
    %c0_i32_0 = arith.constant 0 : i32
    return %arg0, %c0_i32 : i32, i32
  }
}

module attributes {stable_mosaic.version = 14 : i64} {
  func.func @body(%arg0: i32, %arg1: memref<1024x32xf32, #tpu.memory_space<vmem>>, %arg2: memref<1024x32xf32, #tpu.memory_space<vmem>>, %arg3: memref<1024x32xf32, #tpu.memory_space<vmem>>, %arg4: memref<1024x1xf32, #tpu.memory_space<vmem>>, %arg5: memref<1x32xf32, #tpu.memory_space<vmem>>, %arg6: memref<1x1024xi32, #tpu.memory_space<vmem>>, %arg7: memref<32x32xf32, #tpu.memory_space<vmem>>, %arg8: memref<1x32xf32, #tpu.memory_space<vmem>>, %arg9: memref<64x32xf32, #tpu.memory_space<vmem>>, %arg10: memref<64x32xf32, #tpu.memory_space<vmem>>, %arg11: memref<64x1xf32, #tpu.memory_space<vmem>>) attributes {dimension_semantics = [#tpu.dimension_semantics<arbitrary>], iteration_bounds = array<i64: 10>, scalar_prefetch = 0 : i64, scratch_operands = 2 : i64, tpu.core_type = #tpu.core_type<tc>, window_params = [{transform_indices = @transform_0, window_bounds = array<i64: 1024, 32>}, {transform_indices = @transform_1, window_bounds = array<i64: 1024, 32>}, {transform_indices = @transform_2, window_bounds = array<i64: 1024, 32>}, {transform_indices = @transform_3, window_bounds = array<i64: 1024, 1>}, {pipeline_mode = #tpu.pipeline_mode<synchronous>, transform_indices = @transform_4, window_bounds = array<i64: 1, 32>}, {transform_indices = @transform_5, window_bounds = array<i64: 1, 1024>}, {pipeline_mode = #tpu.pipeline_mode<synchronous>, transform_indices = @transform_6, window_bounds = array<i64: 32, 32>}, {pipeline_mode = #tpu.pipeline_mode<synchronous>, transform_indices = @transform_7, window_bounds = array<i64: 1, 32>}, {pipeline_mode = #tpu.pipeline_mode<synchronous>, transform_indices = @transform_8, window_bounds = array<i64: 64, 32>}]} {
    %eq3A = arith.constant 0 : i32
    %eq3A_0 = arith.cmpi eq, %arg0, %eq3A : i32
    %convert_element_type3A = arith.extui %eq3A_0 : i1 to i32
    %cond3A = arith.constant 0 : i32
    %cond3A_1 = arith.cmpi ne, %convert_element_type3A, %cond3A : i32
    scf.if %cond3A_1 {
      %broadcast_in_dim3A_49 = arith.constant 0.000000e+00 : f32
      %broadcast_in_dim3A_50 = vector.broadcast %broadcast_in_dim3A_49 : f32 to vector<64x32xf32>
      %swap3A_51 = arith.constant 0 : index
      %swap3A_52 = arith.constant 0 : index
      %swap3A_53 = vector.load %arg10[%swap3A_51, %swap3A_52] : memref<64x32xf32, #tpu.memory_space<vmem>>, vector<64x32xf32>
      tpu.vector_store %arg10[%swap3A_51, %swap3A_52], %broadcast_in_dim3A_50 {strides = array<i32>} : memref<64x32xf32, #tpu.memory_space<vmem>>, vector<64x32xf32>,
      %broadcast_in_dim3A_54 = arith.constant 0.000000e+00 : f32
      %broadcast_in_dim3A_55 = vector.broadcast %broadcast_in_dim3A_54 : f32 to vector<64x1xf32>
      %swap3A_56 = arith.constant 0 : index
      %swap3A_57 = arith.constant 0 : index
      %swap3A_58 = vector.load %arg11[%swap3A_56, %swap3A_57] : memref<64x1xf32, #tpu.memory_space<vmem>>, vector<64x1xf32>
      tpu.vector_store %arg11[%swap3A_56, %swap3A_57], %broadcast_in_dim3A_55 {strides = array<i32>} : memref<64x1xf32, #tpu.memory_space<vmem>>, vector<64x1xf32>,
    } else {
    }
    %get3A = arith.constant 0 : index
    %get3A_2 = arith.constant 0 : index
    %get3A_3 = vector.load %arg4[%get3A, %get3A_2] : memref<1024x1xf32, #tpu.memory_space<vmem>>, vector<1024x1xf32>
    %get3A_4 = arith.constant 0 : index
    %get3A_5 = arith.constant 0 : index
    %get3A_6 = vector.load %arg1[%get3A_4, %get3A_5] : memref<1024x32xf32, #tpu.memory_space<vmem>>, vector<1024x32xf32>
    %get3A_7 = arith.constant 0 : index
    %get3A_8 = arith.constant 0 : index
    %get3A_9 = vector.load %arg2[%get3A_7, %get3A_8] : memref<1024x32xf32, #tpu.memory_space<vmem>>, vector<1024x32xf32>
    %add3A = arith.addf %get3A_6, %get3A_9 : vector<1024x32xf32>
    %get3A_10 = arith.constant 0 : index
    %get3A_11 = arith.constant 0 : index
    %get3A_12 = vector.load %arg3[%get3A_10, %get3A_11] : memref<1024x32xf32, #tpu.memory_space<vmem>>, vector<1024x32xf32>
    %add3A_13 = arith.addf %add3A, %get3A_12 : vector<1024x32xf32>
    %mul3A = vector.broadcast %get3A_3 : vector<1024x1xf32> to vector<1024x32xf32>
    %mul3A_14 = arith.mulf %mul3A, %add3A_13 : vector<1024x32xf32>
    %get3A_15 = arith.constant 0 : index
    %get3A_16 = arith.constant 0 : index
    %get3A_17 = vector.load %arg5[%get3A_15, %get3A_16] : memref<1x32xf32, #tpu.memory_space<vmem>>, vector<1x32xf32>
    %add3A_18 = vector.broadcast %get3A_17 : vector<1x32xf32> to vector<1024x32xf32>
    %add3A_19 = arith.addf %mul3A_14, %add3A_18 : vector<1024x32xf32>
    %max3A = arith.constant 0.000000e+00 : f32
    %max3A_20 = vector.broadcast %max3A : f32 to vector<1024x32xf32>
    %max3A_21 = arith.maximumf %add3A_19, %max3A_20 : vector<1024x32xf32>
    %iota3A = tpu.iota {dimensions = array<i32: 0>} : vector<64x1024xi32>
    %get3A_22 = arith.constant 0 : index
    %get3A_23 = arith.constant 0 : index
    %get3A_24 = vector.load %arg6[%get3A_22, %get3A_23] : memref<1x1024xi32, #tpu.memory_space<vmem>>, vector<1x1024xi32>
    %eq3A_25 = vector.broadcast %get3A_24 : vector<1x1024xi32> to vector<64x1024xi32>
    %eq3A_26 = arith.cmpi eq, %iota3A, %eq3A_25 : vector<64x1024xi32>
    %convert_element_type3A_27 = arith.extui %eq3A_26 : vector<64x1024xi1> to vector<64x1024xi32>
    %convert_element_type3A_28 = arith.sitofp %convert_element_type3A_27 : vector<64x1024xi32> to vector<64x1024xf32>
    %get3A_29 = arith.constant 0 : index
    %get3A_30 = arith.constant 0 : index
    %get3A_31 = vector.load %arg10[%get3A_29, %get3A_30] : memref<64x32xf32, #tpu.memory_space<vmem>>, vector<64x32xf32>
    %dot_general3A = arith.constant dense<0.000000e+00> : vector<64x32xf32>
    %dot_general3A_32 = tpu.matmul %convert_element_type3A_28, %max3A_21, %dot_general3A {dimension_numbers = #tpu.dot_dimension_numbers<[1], [0], [0], [1], [0, 0, 1, 1], [], []>, transpose_lhs_hint = false} : vector<64x1024xf32>, vector<1024x32xf32>, vector<64x32xf32> -> vector<64x32xf32>
    %add3A_33 = arith.addf %get3A_31, %dot_general3A_32 : vector<64x32xf32>
    %swap3A = arith.constant 0 : index
    %swap3A_34 = arith.constant 0 : index
    %swap3A_35 = vector.load %arg10[%swap3A, %swap3A_34] : memref<64x32xf32, #tpu.memory_space<vmem>>, vector<64x32xf32>
    tpu.vector_store %arg10[%swap3A, %swap3A_34], %add3A_33 {strides = array<i32>} : memref<64x32xf32, #tpu.memory_space<vmem>>, vector<64x32xf32>,
    %get3A_36 = arith.constant 0 : index
    %get3A_37 = arith.constant 0 : index
    %get3A_38 = vector.load %arg11[%get3A_36, %get3A_37] : memref<64x1xf32, #tpu.memory_space<vmem>>, vector<64x1xf32>
    %reduce_sum3A = arith.constant dense<0.000000e+00> : vector<64xf32>
    %reduce_sum3A_39 = vector.multi_reduction <add>, %convert_element_type3A_28, %reduce_sum3A [1] : vector<64x1024xf32> to vector<64xf32>
    %broadcast_in_dim3A = vector.shape_cast %reduce_sum3A_39 : vector<64xf32> to vector<64x1xf32>
    %add3A_40 = arith.addf %get3A_38, %broadcast_in_dim3A : vector<64x1xf32>
    %swap3A_41 = arith.constant 0 : index
    %swap3A_42 = arith.constant 0 : index
    %swap3A_43 = vector.load %arg11[%swap3A_41, %swap3A_42] : memref<64x1xf32, #tpu.memory_space<vmem>>, vector<64x1xf32>
    tpu.vector_store %arg11[%swap3A_41, %swap3A_42], %add3A_40 {strides = array<i32>} : memref<64x1xf32, #tpu.memory_space<vmem>>, vector<64x1xf32>,
    %eq3A_44 = arith.constant 9 : i32
    %eq3A_45 = arith.cmpi eq, %arg0, %eq3A_44 : i32
    %convert_element_type3A_46 = arith.extui %eq3A_45 : i1 to i32
    %cond3A_47 = arith.constant 0 : i32
    %cond3A_48 = arith.cmpi ne, %convert_element_type3A_46, %cond3A_47 : i32
    scf.if %cond3A_48 {
      %get3A_49 = arith.constant 0 : index
      %get3A_50 = arith.constant 0 : index
      %get3A_51 = vector.load %arg10[%get3A_49, %get3A_50] : memref<64x32xf32, #tpu.memory_space<vmem>>, vector<64x32xf32>
      %get3A_52 = arith.constant 0 : index
      %get3A_53 = arith.constant 0 : index
      %get3A_54 = vector.load %arg11[%get3A_52, %get3A_53] : memref<64x1xf32, #tpu.memory_space<vmem>>, vector<64x1xf32>
      %max3A_55 = arith.constant 1.000000e+00 : f32
      %max3A_56 = vector.broadcast %max3A_55 : f32 to vector<64x1xf32>
      %max3A_57 = arith.maximumf %get3A_54, %max3A_56 : vector<64x1xf32>
      %div3A = vector.broadcast %max3A_57 : vector<64x1xf32> to vector<64x32xf32>
      %div3A_58 = arith.divf %get3A_51, %div3A : vector<64x32xf32>
      %get3A_59 = arith.constant 0 : index
      %get3A_60 = arith.constant 0 : index
      %get3A_61 = vector.load %arg7[%get3A_59, %get3A_60] : memref<32x32xf32, #tpu.memory_space<vmem>>, vector<32x32xf32>
      %dot_general3A_62 = arith.constant dense<0.000000e+00> : vector<64x32xf32>
      %dot_general3A_63 = tpu.matmul %div3A_58, %get3A_61, %dot_general3A_62 {dimension_numbers = #tpu.dot_dimension_numbers<[1], [0], [0], [1], [0, 0, 1, 1], [], []>, transpose_lhs_hint = false} : vector<64x32xf32>, vector<32x32xf32>, vector<64x32xf32> -> vector<64x32xf32>
      %get3A_64 = arith.constant 0 : index
      %get3A_65 = arith.constant 0 : index
      %get3A_66 = vector.load %arg8[%get3A_64, %get3A_65] : memref<1x32xf32, #tpu.memory_space<vmem>>, vector<1x32xf32>
      %add3A_67 = vector.broadcast %get3A_66 : vector<1x32xf32> to vector<64x32xf32>
      %add3A_68 = arith.addf %dot_general3A_63, %add3A_67 : vector<64x32xf32>
      %max3A_69 = arith.constant 0.000000e+00 : f32
      %max3A_70 = vector.broadcast %max3A_69 : f32 to vector<64x32xf32>
      %max3A_71 = arith.maximumf %add3A_68, %max3A_70 : vector<64x32xf32>
      %swap3A_72 = arith.constant 0 : index
      %swap3A_73 = arith.constant 0 : index
      %swap3A_74 = vector.load %arg9[%swap3A_72, %swap3A_73] : memref<64x32xf32, #tpu.memory_space<vmem>>, vector<64x32xf32>
      tpu.vector_store %arg9[%swap3A_72, %swap3A_73], %max3A_71 {strides = array<i32>} : memref<64x32xf32, #tpu.memory_space<vmem>>, vector<64x32xf32>,
    } else {
    }
    return
  }
  func.func @transform_0(%arg0: i32) -> (i32, i32) {
    %c0_i32 = arith.constant 0 : i32
    %c0_i32_0 = arith.constant 0 : i32
    return %arg0, %c0_i32 : i32, i32
  }
  func.func @transform_1(%arg0: i32) -> (i32, i32) {
    %c0_i32 = arith.constant 0 : i32
    %c0_i32_0 = arith.constant 0 : i32
    return %arg0, %c0_i32 : i32, i32
  }
  func.func @transform_2(%arg0: i32) -> (i32, i32) {
    %c0_i32 = arith.constant 0 : i32
    %c0_i32_0 = arith.constant 0 : i32
    return %arg0, %c0_i32 : i32, i32
  }
  func.func @transform_3(%arg0: i32) -> (i32, i32) {
    %c0_i32 = arith.constant 0 : i32
    %c0_i32_0 = arith.constant 0 : i32
    return %arg0, %c0_i32 : i32, i32
  }
  func.func @transform_4(%arg0: i32) -> (i32, i32) {
    %c0_i32 = arith.constant 0 : i32
    %c0_i32_0 = arith.constant 0 : i32
    %c0_i32_1 = arith.constant 0 : i32
    return %c0_i32, %c0_i32_0 : i32, i32
  }
  func.func @transform_5(%arg0: i32) -> (i32, i32) {
    %c0_i32 = arith.constant 0 : i32
    %c0_i32_0 = arith.constant 0 : i32
    return %c0_i32, %arg0 : i32, i32
  }
  func.func @transform_6(%arg0: i32) -> (i32, i32) {
    %c0_i32 = arith.constant 0 : i32
    %c0_i32_0 = arith.constant 0 : i32
    %c0_i32_1 = arith.constant 0 : i32
    return %c0_i32, %c0_i32_0 : i32, i32
  }
  func.func @transform_7(%arg0: i32) -> (i32, i32) {
    %c0_i32 = arith.constant 0 : i32
    %c0_i32_0 = arith.constant 0 : i32
    %c0_i32_1 = arith.constant 0 : i32
    return %c0_i32, %c0_i32_0 : i32, i32
  }
  func.func @transform_8(%arg0: i32) -> (i32, i32) {
    %c0_i32 = arith.constant 0 : i32
    %c0_i32_0 = arith.constant 0 : i32
    %c0_i32_1 = arith.constant 0 : i32
    return %c0_i32, %c0_i32_0 : i32, i32
  }
}

</mosaic_0001>

<sc_bundles>
// kernel: kernel.11.cloned.1.call-start
scs
__scs_entry_jumppad:
0x0: {  	(pc) =	sbr.rel $0x88, $3  }
0x1: {  	(tag) =	ssettag $0x0;
	lr =	simm.s32 $0x1  }
0x2: {  	[smem:$0x3F98] =	sst lr;
	_ =	strace $0xD0000000  }
0x3: {  	_ = 	snop  }
0x4: {  	_ = 	snop  }
0x5: {  	_ = 	snop  }
0x6: {  	_ = 	snop  }
0x7: {  	_ = 	snop  }
__scs_overlays_trampoline_lowered:
0x8: {  	[smem:$0x3FA7] =	sst s0  }
0x9: {  	[smem:$0x3FA8] =	sst s1  }
0xa: {  	[smem:$0x3FA9] =	sst s2  }
0xb: {  	[smem:$0x3FAA] =	sst s3  }
0xc: {  	[smem:$0x3FAB] =	sst s4  }
0xd: {  	[smem:$0x3FAC] =	sst s5  }
0xe: {  	[smem:$0x3FAD] =	sst s6  }
0xf: {  	[smem:$0x3FAE] =	sst s7  }
0x10: {  	[smem:$0x3FAF] =	sst s8  }
0x11: {  	[smem:$0x3FB0] =	sst s9;
	s0 =	simm.s32 @!p0 $0x0  }
0x12: {  	s1 =	sld [smem:$0x3F96];
	s0 =	simm.s32 @p0 $0x1  }
0x13: {  	[smem:$0x3FB1] =	sst s0;
	s0 =	simm.s32 @!p1 $0x0  }
0x14: {  	s2 =	sld [smem:$0x3F95];
	s0 =	simm.s32 @p1 $0x1  }
0x15: {  	[smem:$0x3FB2] =	sst s0;
	s0 =	simm.s32 @!p2 $0x0  }
0x16: {  	s3 =	sld [smem:$0x3FDB];
	s0 =	simm.s32 @p2 $0x1  }
0x17: {  	s4 =	simm.s32 $0x1BF5;
	[smem:$0x3FB4] =	sst s0  }
0x18: {  	s0 =	sld [smem:$0x3F97];
	_ =	swait.ge [sflag:s4], $0x0  }
0x19: {  	s7 =	sld [smem:$0x3F98]  }
0x1a: {  	s8 =	sadd.s32 $0xFFFFE003, lr  }
0x1b: {  	s9 =	sadd.s32 $0xFFFFFEF7, lr;
	s5 =	simm.s32 $0xFFFFFFFF;
	p2 =	slt.u32 s8, $0xFFFFF086  }
0x1c: {  	p1 =	slt.u32 s9, $0xF7A;
	s5 =	simm.s32 @!p2 $0x0  }
0x1d: {  	s5 =	simm.s32 @p1 $0x1;
	p0 =	seq.s32 s7, s2  }
0x1e: {  	s7 =	smul.u32 @!p0 $0xF7A, s2;
	p2 =	seq.s32 @!p0 s5, $0x0  }
0x1f: {  	s9 =	smul.u32 $0xF7A, s1;
	s8 =	simm.s32 @!p0 $0x1BF5;
	p2 =	por !p2, p0  }
0x20: {  	[sflag:s8] =	ssyncset.s32 @!p0 $0xFFFFF086;
	s6 =	sadd.s32 @!p0 s3, s7;
	s7 =	simm.s32 @!p0 $0x108  }
0x21: {  	s3 =	sadd.s32 s3, s9;
	s6 =	sadd.s32 @!p0 $0x88, s6;
	s7 =	simm.s32 @p2 $0x1082  }
0x22: {  	[simem:s7], [sflag:s8] =	dma.local @!p0 [hbm:s6], $0xF7A  }
0x23: {  	s9 =	sor.u32 $0xD0000000, s2;
	s6 =	simm.s32 $0x108;
	_ =	swait.ge @!p0 [sflag:s8], $0x0  }
0x24: {  	s3 =	sadd.s32 $0x88, s3;
	s6 =	simm.s32 @!p1 $0x1082;
	[sflag:s4] =	ssyncset.s32 $0xFFFFF086  }
0x25: {  	[simem:s6], [sflag:s4] =	dma.local [hbm:s3], $0xF7A  }
0x26: {  	[smem:$0x3F98] =	sst s1;
	(tag) =	ssettag s2;
	_ =	strace s9  }
0x27: {  	s1 =	sld [smem:$0x3FA8]  }
0x28: {  	s2 =	sld [smem:$0x3FA9]  }
0x29: {  	s4 =	sld [smem:$0x3FAB]  }
0x2a: {  	p0 =	seq.s32 s5, $0x0;
	s5 =	sld [smem:$0x3FAC]  }
0x2b: {  	s6 =	sld [smem:$0x3FAD]  }
0x2c: {  	s7 =	sld [smem:$0x3FAE]  }
0x2d: {  	s3 =	simm.s32 $0x108;
	s8 =	sld [smem:$0x3FAF]  }
0x2e: {  	s3 =	simm.s32 @!p0 $0x1082;
	s9 =	sld [smem:$0x3FB0]  }
0x2f: {  	lr =	sadd.s32 s0, s3;
	s0 =	sld [smem:$0x3FA7]  }
0x30: {  	s3 =	sld [smem:$0x3FAA]  }
0x31: {  	[smem:$0x3FB3] =	sst s10  }
0x32: {  	s10 =	sld [smem:$0x3FB1];
	_ =	sdelay $0x3  }
0x33: {  	p0 =	seq.s32 s10, $0x1;
	s10 =	sld [smem:$0x3FB3];
	_ =	sdelay $0x3  }
0x34: {  	[smem:$0x3FB3] =	sst s10  }
0x35: {  	s10 =	sld [smem:$0x3FB2];
	_ =	sdelay $0x3  }
0x36: {  	p1 =	seq.s32 s10, $0x1;
	s10 =	sld [smem:$0x3FB3];
	_ =	sdelay $0x3  }
0x37: {  	[smem:$0x3FB3] =	sst s10  }
0x38: {  	s10 =	sld [smem:$0x3FB4]  }
0x39: {  	_ = 	snop;
	(pc) =	sbr.ind lr, $3  }
0x3a: {  	_ = 	snop  }
0x3b: {  	_ = 	snop  }
0x3c: {  	p2 =	seq.s32 s10, $0x1;
	s10 =	sld [smem:$0x3FB3]  }
0x3d: {  	_ =	shalt  }
0x3e: {  	_ =	shalt  }
0x3f: {  	_ =	shalt  }
0x40: {  	_ =	shalt  }
0x41: {  	_ =	shalt  }
0x42: {  	_ =	shalt  }
0x43: {  	_ =	shalt  }
0x44: {  	_ =	shalt  }
0x45: {  	_ =	shalt  }
0x46: {  	_ =	shalt  }
0x47: {  	_ =	shalt  }
0x48: {  	_ =	shalt  }
0x49: {  	_ =	shalt  }
0x4a: {  	_ =	shalt  }
0x4b: {  	_ =	shalt  }
0x4c: {  	_ =	shalt  }
0x4d: {  	_ =	shalt  }
0x4e: {  	_ =	shalt  }
0x4f: {  	_ =	shalt  }
0x50: {  	_ =	shalt  }
0x51: {  	_ =	shalt  }
0x52: {  	_ =	shalt  }
0x53: {  	_ =	shalt  }
0x54: {  	_ =	shalt  }
0x55: {  	_ =	shalt  }
0x56: {  	_ =	shalt  }
0x57: {  	_ =	shalt  }
0x58: {  	_ =	shalt  }
0x59: {  	_ =	shalt  }
0x5a: {  	_ =	shalt  }
0x5b: {  	_ =	shalt  }
0x5c: {  	_ =	shalt  }
0x5d: {  	_ =	shalt  }
0x5e: {  	_ =	shalt  }
0x5f: {  	_ =	shalt  }
0x60: {  	_ =	shalt  }
0x61: {  	_ =	shalt  }
0x62: {  	_ =	shalt  }
0x63: {  	_ =	shalt  }
0x64: {  	_ =	shalt  }
0x65: {  	_ =	shalt  }
0x66: {  	_ =	shalt  }
0x67: {  	_ =	shalt  }
0x68: {  	_ =	shalt  }
0x69: {  	_ =	shalt  }
0x6a: {  	_ =	shalt  }
0x6b: {  	_ =	shalt  }
0x6c: {  	_ =	shalt  }
0x6d: {  	_ =	shalt  }
0x6e: {  	_ =	shalt  }
0x6f: {  	_ =	shalt  }
0x70: {  	_ =	shalt  }
0x71: {  	_ =	shalt  }
0x72: {  	_ =	shalt  }
0x73: {  	_ =	shalt  }
0x74: {  	_ =	shalt  }
0x75: {  	_ =	shalt  }
0x76: {  	_ =	shalt  }
0x77: {  	_ =	shalt  }
0x78: {  	_ =	shalt  }
0x79: {  	_ =	shalt  }
0x7a: {  	_ =	shalt  }
0x7b: {  	_ =	shalt  }
0x7c: {  	_ =	shalt  }
0x7d: {  	_ =	shalt  }
0x7e: {  	_ =	shalt  }
0x7f: {  	_ =	shalt  }
0x80: {  	_ =	shalt  }
0x81: {  	_ =	shalt  }
0x82: {  	_ =	shalt  }
0x83: {  	_ =	shalt  }
0x84: {  	_ =	shalt  }
0x85: {  	_ =	shalt  }
0x86: {  	_ =	shalt  }
0x87: {  	_ =	shalt  }
.Lfunc_end0:
.L_simem_size_0:
called_computation.1_lowered:
.L_overlay_start_0:
0x88: {  	s2 =	sld [smem:$0x3FD9]  }
0x89: {  	s3 =	sld [smem:$0x3FFE];
	_ =	sdelay $0x1  }
0x8a: {  	s1 =	srdreg.scid  }
0x8b: {  	s0 =	sand.u32 $0x1, s1  }
0x8c: {  	s16 =	sshll.u32 s0, $0xA;
	s2 =	sadd.s32 s3, s2  }
0x8d: {  	s2 =	sadd.s32 s2, s16  }
0x8e: {  	[smem:$0x3FBF] =	sst s2  }
0x8f: {  	_ = 	snop  }
0x90: {  	(tm) =	ssettm $0x1  }
0x91: {  	s17 =	sld [smem:$0x3FFB];
	_ =	sdelay $0x3  }
0x92: {  	_ =	strace s17  }
0x93: {  	s2 =	sld [smem:$0x3FFC];
	_ =	sdelay $0x3  }
0x94: {  	_ =	strace s2  }
0x95: {  	s2 =	sld [smem:$0x3FFD];
	_ =	sdelay $0x3  }
0x96: {  	_ =	strace s2  }
0x97: {  	_ =	strace $0x8FFFFFFF  }
0x98: {  	s18 =	sld [smem:$0x3FDB];
	_ =	sdelay $0x1  }
0x99: {  	s19 =	simm.s32 $_scs_section_size  }
0x9a: {  	s4 =	simm.s32 $_size__tile_overlayer_lowered;
	s5 =	simm.s32 $_tile_overlayer_lowered  }
0x9b: {  	s22 =	simm.s32 $0x1BFF;
	s21 =	sshll.u32 s5, $0x1;
	s2 =	sadd.s32 s19, s18  }
0x9c: {  	s6 =	simm.s32 $0x0;
	s20 =	sshll.u32 s4, $0x1;
	s4 =	sadd.s32 s21, s2  }
0x9d: {  	[timem:s6], [sflag:s22] =	dma.local [hbm:s4], s20  }
0x9e: {  	_ =	swait.ge [sflag:s22], s20  }
0x9f: {  	s3 =	ssub.s32 $0x0, s20;
	[sflag:s22] =	ssyncset.done $0x0  }
0xa0: {  	[sflag:s22] =	ssyncadd.s32 s3;
	_ =	sdelay $0x1  }
0xa1: {  	s23 =	simm.s32 $0x1B8B  }
0xa2: {  	_ =	swait.ge [sflag:s23], $0x1  }
0xa3: {  	[sflag:s23] =	ssyncset.done $0x0  }
0xa4: {  	s25 =	simm.s32 $0x1B8E;
	s24 =	sld [smem:$0x3FFE];
	[sflag:s23] =	ssyncadd.s32 $0xFFFFFFFF  }
0xa5: {  	s26 =	simm.s32 $execute0_lowered;
	[smem:$0x3FD2] =	sst s25  }
0xa6: {  	s4 =	sshll.u32 s26, $0x1;
	_ =	strace $0x80000049;
	[dreg:$0x1] =	wrdreg $0xFFFFFFFF  }
0xa7: {  	s28 =	simm.s32 $_size_execute0_lowered;
	s2 =	sadd.s32 s2, s4;
	[dreg:$0x0] =	wrdreg $0x0  }
0xa8: {  	s4 =	sshll.u32 s28, $0x1;
	[dreg:$0x2] =	wrdreg s2  }
0xa9: {  	[dreg:$0x3] =	wrdreg s4  }
0xaa: {  	[dreg:$0x4] =	wrdreg $0xC0  }
0xab: {  	_ =	task [dreg:s6], $0x5FFFF  }
0xac: {  	[dreg:$0x1] =	wrdreg $0xFFFFFFFF  }
0xad: {  	[dreg:$0x0] =	wrdreg $0x60  }
0xae: {  	[dreg:$0x2] =	wrdreg s24  }
0xaf: {  	[dreg:$0x3] =	wrdreg $0x70000  }
0xb0: {  	[dreg:$0x4] =	wrdreg $0x9  }
0xb1: {  	_ =	task.clear_ibuf [dreg:s6], $0x5FFFF;
	_ =	strace $0x90000049  }
0xb2: {  	s29 =	simm.s32 $0x9;
	_ =	strace $0x8000004B  }
0xb3: {  	_ =	swait.ge [sflag:s29], $0x1  }
0xb4: {  	[sflag:s29] =	ssyncadd.s32 $0xFFFFFFFF  }
0xb5: {  	_ =	strace $0x9000004B  }
0xb6: {  	_ =	sfence  }
0xb7: {  	s30 =	sld [smem:$0x0];
	_ =	sdelay $0x2  }
0xb8: {  	s31 =	sshll.u32 s1, $0xD;
	s1 =	sshrl.u32 s1, $0x2  }
0xb9: {  	s3 =	sand.u32 $0x4000, s31;
	s1 =	sadd.s32 s1, s30  }
0xba: {  	s0 =	sor.u32 s3, s0;
	s1 =	sshll.u32 s1, $0x11  }
0xbb: {  	s0 =	sor.u32 s1, s0  }
0xbc: {  	s0 =	sadd.s32 $0x8F2B, s0  }
0xbd: {  	[sflag:s0] =	ssyncadd.remote.s32 $0x1  }
0xbe: {  	_ =	sfence.sel $0xFFFF  }
0xbf: {  	[dreg:$0x0] =	wrdreg $0xFFFFFFFF;
	(pc) =	sbr.abs _section_cstart, $3  }
0xc0: {  	[dreg:$0x1] =	wrdreg $0xFFFFFFFF  }
0xc1: {  	_ =	task.clear_ibuf [dreg:s6], $0x2FFFF;
	_ =	strace $0x9FFFFFFF  }
0xc2: {  	(tm) =	ssettm $0x7FFFFFFF  }
0xc3: {  	_ =	shalt  }
tec
execute0_lowered:
.L_overlay_start_1:
0x0: {  	(tag) =	ssettag $0x1  }
0x1: {  	s0 =	rddreg [dreg:$0x0];
	s1 =	srdreg.scid  }
0x2: {  	s11 =	stileid.u32;
	s2 =	rddreg [dreg:$0x1]  }
0x3: {  	s3 =	simm.s32 $0x0;
	s12 =	simm.s32 $0x2800;
	s13 =	simm.s32 $0x80  }
0x4: {  	s14 =	simm.s32 $0x5000;
	s15 =	simm.s32 $0x5800;
	s17 =	simm.s32 $0x6000  }
0x5: {  	s18 =	simm.s32 $0x1;
	s20 =	simm.s32 $0x6800;
	s21 =	simm.s32 $0x2  }
0x6: {  	s23 =	simm.s32 $0x5;
	s26 =	simm.s32 $0x3;
	s29 =	simm.s32 $0x6  }
0x7: {  	s31 =	simm.s32 $0x4;
	s19 =	simm.s32 $0x8;
	s30 =	simm.s32 $0x4F00  }
0x8: {  	s1 =	sand.u32 $0x1, s1;
	s4 =	sshll.u32 s11, $0x1;
	[smem:$0x7FF] =	sst s3  }
0x9: {  	s5 =	smul.u32 $0x2800, s11;
	s28 =	sshll.u32 s11, $0x6;
	s11 =	simm.s32 $0x9  }
0xa: {  	s4 =	sor.u32 s1, s4;
	_ =	strace $0x8000004A;
	s6 =	smul.u32 $0x5000, s1  }
0xb: {  	s1 =	ssub.s32 $0x2, s1;
	s4 =	smul.u32 $0x500, s4;
	s16 =	sshrl.u32 s5, $0x3  }
0xc: {  	s7 =	sshrl.u32 s1, $0x1;
	s10 =	sadd.s32 s5, s2;
	s9 =	sadd.s32 s16, s0  }
0xd: {  	s1 =	ssub.s32 s1, s7;
	s10 =	sshrl.u32 s10, $0x3;
	s8 =	sadd.s32 s4, s0  }
0xe: {  	s4 =	sadd.s32 $0x3F800, s0;
	s0 =	sadd.s32 s6, s0;
	s5 =	sadd.s32 $0x44800, s9  }
0xf: {  	s6 =	sor.u32 $0x1C09, s28;
	s9 =	smax.u32 s1, $0x1;
	s1 =	simm.s32 $0x4F80  }
0x10: {  	s7 =	sadd.s32 $0xD800, s8;
	s8 =	sadd.s32 $0x2800, s8;
	s0 =	sadd.s32 $0x49800, s0  }
0x11: {  	s24 =	sadd.s32 s16, s0;
	s0 =	simm.s32 $0x7;
	s16 =	simm.s32 $0x0  }
.LBB2_1:
0x12: {  	[spmem:s10], [sflag:s6] =	dma.local [hbm:s5], $0x500  }
0x13: {  	_ =	swait.ge [sflag:s11], $0x500  }
0x14: {  	[sflag:s11] =	ssyncset.done $0x0  }
0x15: {  	[sflag:s11] =	ssyncadd.s32 $0xFFFFFB00  }
0x16: {  	[tilespmem:s3], [sflag:$0x9] =	stream.linear.gather [hbm4b:s7+s3], $0x2800, $0x38;
	[tilespmem:$0x9800] =	vst v63  }
0x17: {  	_ =	swait.ge [sflag:s11], $0x2800  }
0x18: {  	[sflag:s11] =	ssyncset.done $0x0  }
0x19: {  	[sflag:s11] =	ssyncadd.s32 $0xFFFFD800  }
0x1a: {  	[tilespmem:s12], [sflag:$0x9] =	stream.linear.gather [hbm4b:s8+s3], $0x2800, $0x38;
	[tilespmem:$0x9800] =	vst v63  }
0x1b: {  	_ =	swait.ge [sflag:s11], $0x2800  }
0x1c: {  	[sflag:s11] =	ssyncset.done $0x0  }
0x1d: {  	[sflag:s11] =	ssyncadd.s32 $0xFFFFD800  }
0x1e: {  	[bflag:$0x0] =	sbarrier.arrive $0xFFFF  }
0x1f: {  	[tilespmem:s14], [sflag:$0x1] =	stream.indirect.gather [hbm4b:s4+s13], $0x10, s3, s13, $0xb8;
	[tilespmem:$0x9800] =	vst v63  }
0x20: {  	_ = 	snop  }
0x21: {  	[tilespmem:s15], [sflag:$0x2] =	stream.indirect.gather [hbm4b:s4+s13], $0x10, s13, s13, $0xb8;
	[tilespmem:$0x9800] =	vst v63  }
0x22: {  	s22 =	simm.s32 $0x100  }
0x23: {  	[tilespmem:s17], [sflag:$0x3] =	stream.indirect.gather [hbm4b:s4+s13], $0x10, s22, s13, $0xb8;
	[tilespmem:$0x9800] =	vst v63  }
0x24: {  	_ =	swait.ge [sflag:s18], $0x800  }
0x25: {  	[sflag:s18] =	ssyncset.done $0x0  }
0x26: {  	[sflag:s18] =	ssyncadd.s32 $0xFFFFF800  }
0x27: {  	[spmem:s2] =	stream.indirect.scatter.add.f32 [tilespmem:s14], [sflag:$0x5], $0x10, s12, s13, $0xb8;
	[tilespmem:$0x9800] =	vst v63  }
0x28: {  	s25 =	simm.s32 $0x180  }
0x29: {  	[tilespmem:s20], [sflag:$0x4] =	stream.indirect.gather [hbm4b:s4+s13], $0x10, s25, s13, $0xb8;
	[tilespmem:$0x9800] =	vst v63  }
0x2a: {  	_ =	swait.ge [sflag:s21], $0x800  }
0x2b: {  	[sflag:s21] =	ssyncset.done $0x0  }
0x2c: {  	s28 =	simm.s32 $0x2880;
	[sflag:s21] =	ssyncadd.s32 $0xFFFFF800  }
0x2d: {  	[spmem:s2] =	stream.indirect.scatter.add.f32 [tilespmem:s15], [sflag:$0x6], $0x10, s28, s13, $0xb8;
	[tilespmem:$0x9800] =	vst v63  }
0x2e: {  	_ =	swait.ge [sflag:s23], $0x800  }
0x2f: {  	[sflag:s23] =	ssyncset.done $0x0  }
0x30: {  	s25 =	simm.s32 $0x200;
	[sflag:s23] =	ssyncadd.s32 $0xFFFFF800  }
0x31: {  	[tilespmem:s14], [sflag:$0x1] =	stream.indirect.gather [hbm4b:s4+s13], $0x10, s25, s13, $0xb8;
	[tilespmem:$0x9800] =	vst v63  }
0x32: {  	_ =	swait.ge [sflag:s26], $0x800  }
0x33: {  	[sflag:s26] =	ssyncset.done $0x0  }
0x34: {  	s28 =	simm.s32 $0x2900;
	[sflag:s26] =	ssyncadd.s32 $0xFFFFF800  }
0x35: {  	[spmem:s2] =	stream.indirect.scatter.add.f32 [tilespmem:s17], [sflag:$0x7], $0x10, s28, s13, $0xb8;
	[tilespmem:$0x9800] =	vst v63  }
0x36: {  	_ =	swait.ge [sflag:s29], $0x800  }
0x37: {  	[sflag:s29] =	ssyncset.done $0x0  }
0x38: {  	s25 =	simm.s32 $0x280;
	[sflag:s29] =	ssyncadd.s32 $0xFFFFF800  }
0x39: {  	[tilespmem:s15], [sflag:$0x2] =	stream.indirect.gather [hbm4b:s4+s13], $0x10, s25, s13, $0xb8;
	[tilespmem:$0x9800] =	vst v63  }
0x3a: {  	_ =	swait.ge [sflag:s31], $0x800  }
0x3b: {  	[sflag:s31] =	ssyncset.done $0x0  }
0x3c: {  	s28 =	simm.s32 $0x2980;
	[sflag:s31] =	ssyncadd.s32 $0xFFFFF800  }
0x3d: {  	[spmem:s2] =	stream.indirect.scatter.add.f32 [tilespmem:s20], [sflag:$0x8], $0x10, s28, s13, $0xb8;
	[tilespmem:$0x9800] =	vst v63  }
0x3e: {  	_ =	swait.ge [sflag:s0], $0x800  }
0x3f: {  	[sflag:s0] =	ssyncset.done $0x0  }
0x40: {  	s25 =	simm.s32 $0x300;
	[sflag:s0] =	ssyncadd.s32 $0xFFFFF800  }
0x41: {  	[tilespmem:s17], [sflag:$0x3] =	stream.indirect.gather [hbm4b:s4+s13], $0x10, s25, s13, $0xb8;
	[tilespmem:$0x9800] =	vst v63  }
0x42: {  	_ =	swait.ge [sflag:s18], $0x800  }
0x43: {  	[sflag:s18] =	ssyncset.done $0x0  }
0x44: {  	s28 =	simm.s32 $0x2A00;
	[sflag:s18] =	ssyncadd.s32 $0xFFFFF800  }
0x45: {  	[spmem:s2] =	stream.indirect.scatter.add.f32 [tilespmem:s14], [sflag:$0x5], $0x10, s28, s13, $0xb8;
	[tilespmem:$0x9800] =	vst v63  }
0x46: {  	_ =	swait.ge [sflag:s19], $0x800  }
0x47: {  	[sflag:s19] =	ssyncset.done $0x0  }
0x48: {  	s25 =	simm.s32 $0x380;
	[sflag:s19] =	ssyncadd.s32 $0xFFFFF800  }
0x49: {  	[tilespmem:s20], [sflag:$0x4] =	stream.indirect.gather [hbm4b:s4+s13], $0x10, s25, s13, $0xb8;
	[tilespmem:$0x9800] =	vst v63  }
0x4a: {  	_ =	swait.ge [sflag:s21], $0x800  }
0x4b: {  	[sflag:s21] =	ssyncset.done $0x0  }
0x4c: {  	s28 =	simm.s32 $0x2A80;
	[sflag:s21] =	ssyncadd.s32 $0xFFFFF800  }
0x4d: {  	[spmem:s2] =	stream.indirect.scatter.add.f32 [tilespmem:s15], [sflag:$0x6], $0x10, s28, s13, $0xb8;
	[tilespmem:$0x9800] =	vst v63  }
0x4e: {  	_ =	swait.ge [sflag:s23], $0x800  }
0x4f: {  	[sflag:s23] =	ssyncset.done $0x0  }
0x50: {  	s25 =	simm.s32 $0x400;
	[sflag:s23] =	ssyncadd.s32 $0xFFFFF800  }
0x51: {  	[tilespmem:s14], [sflag:$0x1] =	stream.indirect.gather [hbm4b:s4+s13], $0x10, s25, s13, $0xb8;
	[tilespmem:$0x9800] =	vst v63  }
0x52: {  	_ =	swait.ge [sflag:s26], $0x800  }
0x53: {  	[sflag:s26] =	ssyncset.done $0x0  }
0x54: {  	s28 =	simm.s32 $0x2B00;
	[sflag:s26] =	ssyncadd.s32 $0xFFFFF800  }
0x55: {  	[spmem:s2] =	stream.indirect.scatter.add.f32 [tilespmem:s17], [sflag:$0x7], $0x10, s28, s13, $0xb8;
	[tilespmem:$0x9800] =	vst v63  }
0x56: {  	_ =	swait.ge [sflag:s29], $0x800  }
0x57: {  	[sflag:s29] =	ssyncset.done $0x0  }
0x58: {  	s25 =	simm.s32 $0x480;
	[sflag:s29] =	ssyncadd.s32 $0xFFFFF800  }
0x59: {  	[tilespmem:s15], [sflag:$0x2] =	stream.indirect.gather [hbm4b:s4+s13], $0x10, s25, s13, $0xb8;
	[tilespmem:$0x9800] =	vst v63  }
0x5a: {  	_ =	swait.ge [sflag:s31], $0x800  }
0x5b: {  	[sflag:s31] =	ssyncset.done $0x0  }
0x5c: {  	s28 =	simm.s32 $0x2B80;
	[sflag:s31] =	ssyncadd.s32 $0xFFFFF800  }
0x5d: {  	[spmem:s2] =	stream.indirect.scatter.add.f32 [tilespmem:s20], [sflag:$0x8], $0x10, s28, s13, $0xb8;
	[tilespmem:$0x9800] =	vst v63  }
0x5e: {  	_ =	swait.ge [sflag:s0], $0x800  }
0x5f: {  	[sflag:s0] =	ssyncset.done $0x0  }
0x60: {  	s22 =	simm.s32 $0x800;
	s25 =	simm.s32 $0x500;
	[sflag:s0] =	ssyncadd.s32 $0xFFFFF800  }
.LBB2_2:
0x61: {  	[tilespmem:s17], [sflag:$0x3] =	stream.indirect.gather [hbm4b:s4+s13], $0x10, s25, s13, $0xb8;
	[tilespmem:$0x9800] =	vst v63  }
0x62: {  	s25 =	smov.u32 s22  }
0x63: {  	p0 =	sne.s32 s22, $0x8800;
	s22 =	sadd.s32 $0x800, s22;
	_ =	swait.ge [sflag:s18], $0x800  }
0x64: {  	s25 =	sshra.s32 s25, $0x2;
	[sflag:s18] =	ssyncset.done $0x0  }
0x65: {  	s28 =	sadd.s32 $0x2A00, s25;
	[sflag:s18] =	ssyncadd.s32 $0xFFFFF800  }
0x66: {  	[spmem:s2] =	stream.indirect.scatter.add.f32 [tilespmem:s14], [sflag:$0x5], $0x10, s28, s13, $0xb8;
	[tilespmem:$0x9800] =	vst v63  }
0x67: {  	_ =	swait.ge [sflag:s19], $0x800  }
0x68: {  	[sflag:s19] =	ssyncset.done $0x0  }
0x69: {  	s28 =	sadd.s32 $0x380, s25;
	[sflag:s19] =	ssyncadd.s32 $0xFFFFF800  }
0x6a: {  	[tilespmem:s20], [sflag:$0x4] =	stream.indirect.gather [hbm4b:s4+s13], $0x10, s28, s13, $0xb8;
	[tilespmem:$0x9800] =	vst v63  }
0x6b: {  	_ =	swait.ge [sflag:s21], $0x800  }
0x6c: {  	[sflag:s21] =	ssyncset.done $0x0  }
0x6d: {  	s28 =	sadd.s32 $0x2A80, s25;
	[sflag:s21] =	ssyncadd.s32 $0xFFFFF800  }
0x6e: {  	[spmem:s2] =	stream.indirect.scatter.add.f32 [tilespmem:s15], [sflag:$0x6], $0x10, s28, s13, $0xb8;
	[tilespmem:$0x9800] =	vst v63  }
0x6f: {  	_ =	swait.ge [sflag:s23], $0x800  }
0x70: {  	[sflag:s23] =	ssyncset.done $0x0  }
0x71: {  	s28 =	sadd.s32 $0x400, s25;
	[sflag:s23] =	ssyncadd.s32 $0xFFFFF800  }
0x72: {  	[tilespmem:s14], [sflag:$0x1] =	stream.indirect.gather [hbm4b:s4+s13], $0x10, s28, s13, $0xb8;
	[tilespmem:$0x9800] =	vst v63  }
0x73: {  	_ =	swait.ge [sflag:s26], $0x800  }
0x74: {  	[sflag:s26] =	ssyncset.done $0x0  }
0x75: {  	s28 =	sadd.s32 $0x2B00, s25;
	[sflag:s26] =	ssyncadd.s32 $0xFFFFF800  }
0x76: {  	[spmem:s2] =	stream.indirect.scatter.add.f32 [tilespmem:s17], [sflag:$0x7], $0x10, s28, s13, $0xb8;
	[tilespmem:$0x9800] =	vst v63  }
0x77: {  	_ =	swait.ge [sflag:s29], $0x800  }
0x78: {  	[sflag:s29] =	ssyncset.done $0x0  }
0x79: {  	s28 =	sadd.s32 $0x480, s25;
	[sflag:s29] =	ssyncadd.s32 $0xFFFFF800  }
0x7a: {  	[tilespmem:s15], [sflag:$0x2] =	stream.indirect.gather [hbm4b:s4+s13], $0x10, s28, s13, $0xb8;
	[tilespmem:$0x9800] =	vst v63  }
0x7b: {  	_ =	swait.ge [sflag:s31], $0x800  }
0x7c: {  	[sflag:s31] =	ssyncset.done $0x0  }
.Ltmp0:
0x7d: {  	s28 =	sadd.s32 $0x2B80, s25;
	[sflag:s31] =	ssyncadd.s32 $0xFFFFF800;
	(pc) =	sbr.rel @p0 .LBB2_2-.Ltmp0, $4  }
0x7e: {  	[spmem:s2] =	stream.indirect.scatter.add.f32 [tilespmem:s20], [sflag:$0x8], $0x10, s28, s13, $0xb8;
	[tilespmem:$0x9800] =	vst v63  }
0x7f: {  	_ =	swait.ge [sflag:s0], $0x800  }
0x80: {  	[sflag:s0] =	ssyncset.done $0x0  }
0x81: {  	s25 =	sadd.s32 $0x500, s25;
	[sflag:s0] =	ssyncadd.s32 $0xFFFFF800  }
0x82: {  	[tilespmem:s17], [sflag:$0x3] =	stream.indirect.gather [hbm4b:s4+s13], $0x10, s25, s13, $0xb8;
	[tilespmem:$0x9800] =	vst v63  }
0x83: {  	_ =	swait.ge [sflag:s18], $0x800  }
0x84: {  	[sflag:s18] =	ssyncset.done $0x0  }
0x85: {  	s22 =	simm.s32 $0x4E00;
	[sflag:s18] =	ssyncadd.s32 $0xFFFFF800  }
0x86: {  	[spmem:s2] =	stream.indirect.scatter.add.f32 [tilespmem:s14], [sflag:$0x5], $0x10, s22, s13, $0xb8;
	[tilespmem:$0x9800] =	vst v63  }
0x87: {  	_ =	swait.ge [sflag:s19], $0x800  }
0x88: {  	[sflag:s19] =	ssyncset.done $0x0  }
0x89: {  	s25 =	simm.s32 $0x2780;
	[sflag:s19] =	ssyncadd.s32 $0xFFFFF800  }
0x8a: {  	[tilespmem:s20], [sflag:$0x4] =	stream.indirect.gather [hbm4b:s4+s13], $0x10, s25, s13, $0xb8;
	[tilespmem:$0x9800] =	vst v63  }
0x8b: {  	_ =	swait.ge [sflag:s21], $0x800  }
0x8c: {  	[sflag:s21] =	ssyncset.done $0x0  }
0x8d: {  	s28 =	simm.s32 $0x4E80;
	[sflag:s21] =	ssyncadd.s32 $0xFFFFF800  }
0x8e: {  	[spmem:s2] =	stream.indirect.scatter.add.f32 [tilespmem:s15], [sflag:$0x6], $0x10, s28, s13, $0xb8;
	[tilespmem:$0x9800] =	vst v63  }
0x8f: {  	_ =	swait.ge [sflag:s26], $0x800  }
0x90: {  	[sflag:s26] =	ssyncset.done $0x0  }
0x91: {  	[sflag:s26] =	ssyncadd.s32 $0xFFFFF800  }
0x92: {  	[spmem:s2] =	stream.indirect.scatter.add.f32 [tilespmem:s17], [sflag:$0x7], $0x10, s30, s13, $0xb8;
	[tilespmem:$0x9800] =	vst v63  }
0x93: {  	_ =	swait.ge [sflag:s31], $0x800  }
0x94: {  	[sflag:s31] =	ssyncset.done $0x0  }
0x95: {  	[sflag:s31] =	ssyncadd.s32 $0xFFFFF800  }
0x96: {  	[spmem:s2] =	stream.indirect.scatter.add.f32 [tilespmem:s20], [sflag:$0x8], $0x10, s1, s13, $0xb8;
	[tilespmem:$0x9800] =	vst v63  }
0x97: {  	_ =	swait.ge [sflag:s23], $0x800  }
0x98: {  	[sflag:s23] =	ssyncset.done $0x0  }
0x99: {  	[sflag:s23] =	ssyncadd.s32 $0xFFFFF800  }
0x9a: {  	_ =	swait.ge [sflag:s29], $0x800  }
0x9b: {  	[sflag:s29] =	ssyncset.done $0x0  }
0x9c: {  	[sflag:s29] =	ssyncadd.s32 $0xFFFFF800  }
0x9d: {  	_ =	swait.ge [sflag:s0], $0x800  }
0x9e: {  	[sflag:s0] =	ssyncset.done $0x0  }
0x9f: {  	[sflag:s0] =	ssyncadd.s32 $0xFFFFF800  }
0xa0: {  	_ =	swait.ge [sflag:s19], $0x800  }
0xa1: {  	s16 =	sadd.s32 $0x1, s16;
	[sflag:s19] =	ssyncset.done $0x0  }
0xa2: {  	p0 =	sne.s32 s16, s9;
	[sflag:s19] =	ssyncadd.s32 $0xFFFFF800  }
.Ltmp1:
0xa3: {  	[bflag:$0x0] =	sbarrier.arrive $0xFFFF;
	(pc) =	sbr.rel @p0 .LBB2_1-.Ltmp1, $4  }
0xa4: {  	[hbm:s24], [sflag:s6] =	dma.local [spmem:s10], $0x500  }
0xa5: {  	_ =	swait.ge [sflag:s11], $0x500  }
0xa6: {  	[sflag:s11] =	ssyncset.done $0x0  }
0xa7: {  	[sflag:s11] =	ssyncadd.s32 $0xFFFFFB00  }
0xa8: {  	_ =	sfence.sel $0x180000  }
0xa9: {  	[bflag:$0x0] =	sbarrier.arrive $0xFFFF  }
0xaa: {  	_ =	strace $0x9000004A  }
0xab: {  	s0 =	stileid.u32;
	[bflag:$0x2] =	sbarrier.arrive $0xFFFF  }
0xac: {  	p0 =	sne.s32 s0, $0x0;
	s0 =	rddreg [dreg:$0x2]  }
0xad: {  	s0 =	sadd.s32 @!p0 $0x100000, s0  }
0xae: {  	[sflag:s0] =	ssyncadd.tile.s32 @!p0 $0x1;
	_ =	shalt  }
.Lfunc_end2:
_tile_overlayer_lowered:
.L_overlay_start_2:
0xaf: {  	(tag) =	ssettag $0x2  }
0xb0: {  	s0 =	rddreg [dreg:$0x0];
	s2 =	stileid.u32  }
0xb1: {  	s1 =	rddreg [dreg:$0x1];
	p0 =	sne.s32 s2, $0x0  }
0xb2: {  	s3 =	rddreg [dreg:$0x2];
	[bflag:$0x3] =	sbarrier.arrive $0xFFFF;
	s2 =	simm.s32 @!p0 $0x1C09  }
0xb3: {  	[timem:s3], [sflag:s2] =	dma.local @!p0 [hbm:s0], s1  }
0xb4: {  	s0 =	simm.s32 @!p0 $0x9  }
0xb5: {  	_ =	swait.ge @!p0 [sflag:s0], s1  }
0xb6: {  	s1 =	ssub.s32 @!p0 $0x0, s1;
	[sflag:s0] =	ssyncset.done @!p0 $0x0  }
0xb7: {  	[sflag:s0] =	ssyncadd.s32 @!p0 s1  }
0xb8: {  	[bflag:$0x3] =	sbarrier.arrive $0xFFFF  }
0xb9: {  	_ =	shalt  }

// kernel: kernel.14.cloned.1.call-start
scs
__scs_entry_jumppad:
0x0: {  	(pc) =	sbr.rel $0x88, $3  }
0x1: {  	(tag) =	ssettag $0x0;
	lr =	simm.s32 $0x1  }
0x2: {  	[smem:$0x3F98] =	sst lr;
	_ =	strace $0xD0000000  }
0x3: {  	_ = 	snop  }
0x4: {  	_ = 	snop  }
0x5: {  	_ = 	snop  }
0x6: {  	_ = 	snop  }
0x7: {  	_ = 	snop  }
__scs_overlays_trampoline_lowered:
0x8: {  	[smem:$0x3FA7] =	sst s0  }
0x9: {  	[smem:$0x3FA8] =	sst s1  }
0xa: {  	[smem:$0x3FA9] =	sst s2  }
0xb: {  	[smem:$0x3FAA] =	sst s3  }
0xc: {  	[smem:$0x3FAB] =	sst s4  }
0xd: {  	[smem:$0x3FAC] =	sst s5  }
0xe: {  	[smem:$0x3FAD] =	sst s6  }
0xf: {  	[smem:$0x3FAE] =	sst s7  }
0x10: {  	[smem:$0x3FAF] =	sst s8  }
0x11: {  	[smem:$0x3FB0] =	sst s9;
	s0 =	simm.s32 @!p0 $0x0  }
0x12: {  	s1 =	sld [smem:$0x3F96];
	s0 =	simm.s32 @p0 $0x1  }
0x13: {  	[smem:$0x3FB1] =	sst s0;
	s0 =	simm.s32 @!p1 $0x0  }
0x14: {  	s2 =	sld [smem:$0x3F95];
	s0 =	simm.s32 @p1 $0x1  }
0x15: {  	[smem:$0x3FB2] =	sst s0;
	s0 =	simm.s32 @!p2 $0x0  }
0x16: {  	s3 =	sld [smem:$0x3FDB];
	s0 =	simm.s32 @p2 $0x1  }
0x17: {  	s4 =	simm.s32 $0x1BF5;
	[smem:$0x3FB4] =	sst s0  }
0x18: {  	s0 =	sld [smem:$0x3F97];
	_ =	swait.ge [sflag:s4], $0x0  }
0x19: {  	s7 =	sld [smem:$0x3F98]  }
0x1a: {  	s8 =	sadd.s32 $0xFFFFE003, lr  }
0x1b: {  	s9 =	sadd.s32 $0xFFFFFEF7, lr;
	s5 =	simm.s32 $0xFFFFFFFF;
	p2 =	slt.u32 s8, $0xFFFFF086  }
0x1c: {  	p1 =	slt.u32 s9, $0xF7A;
	s5 =	simm.s32 @!p2 $0x0  }
0x1d: {  	s5 =	simm.s32 @p1 $0x1;
	p0 =	seq.s32 s7, s2  }
0x1e: {  	s7 =	smul.u32 @!p0 $0xF7A, s2;
	p2 =	seq.s32 @!p0 s5, $0x0  }
0x1f: {  	s9 =	smul.u32 $0xF7A, s1;
	s8 =	simm.s32 @!p0 $0x1BF5;
	p2 =	por !p2, p0  }
0x20: {  	[sflag:s8] =	ssyncset.s32 @!p0 $0xFFFFF086;
	s6 =	sadd.s32 @!p0 s3, s7;
	s7 =	simm.s32 @!p0 $0x108  }
0x21: {  	s3 =	sadd.s32 s3, s9;
	s6 =	sadd.s32 @!p0 $0x88, s6;
	s7 =	simm.s32 @p2 $0x1082  }
0x22: {  	[simem:s7], [sflag:s8] =	dma.local @!p0 [hbm:s6], $0xF7A  }
0x23: {  	s9 =	sor.u32 $0xD0000000, s2;
	s6 =	simm.s32 $0x108;
	_ =	swait.ge @!p0 [sflag:s8], $0x0  }
0x24: {  	s3 =	sadd.s32 $0x88, s3;
	s6 =	simm.s32 @!p1 $0x1082;
	[sflag:s4] =	ssyncset.s32 $0xFFFFF086  }
0x25: {  	[simem:s6], [sflag:s4] =	dma.local [hbm:s3], $0xF7A  }
0x26: {  	[smem:$0x3F98] =	sst s1;
	(tag) =	ssettag s2;
	_ =	strace s9  }
0x27: {  	s1 =	sld [smem:$0x3FA8]  }
0x28: {  	s2 =	sld [smem:$0x3FA9]  }
0x29: {  	s4 =	sld [smem:$0x3FAB]  }
0x2a: {  	p0 =	seq.s32 s5, $0x0;
	s5 =	sld [smem:$0x3FAC]  }
0x2b: {  	s6 =	sld [smem:$0x3FAD]  }
0x2c: {  	s7 =	sld [smem:$0x3FAE]  }
0x2d: {  	s3 =	simm.s32 $0x108;
	s8 =	sld [smem:$0x3FAF]  }
0x2e: {  	s3 =	simm.s32 @!p0 $0x1082;
	s9 =	sld [smem:$0x3FB0]  }
0x2f: {  	lr =	sadd.s32 s0, s3;
	s0 =	sld [smem:$0x3FA7]  }
0x30: {  	s3 =	sld [smem:$0x3FAA]  }
0x31: {  	[smem:$0x3FB3] =	sst s10  }
0x32: {  	s10 =	sld [smem:$0x3FB1];
	_ =	sdelay $0x3  }
0x33: {  	p0 =	seq.s32 s10, $0x1;
	s10 =	sld [smem:$0x3FB3];
	_ =	sdelay $0x3  }
0x34: {  	[smem:$0x3FB3] =	sst s10  }
0x35: {  	s10 =	sld [smem:$0x3FB2];
	_ =	sdelay $0x3  }
0x36: {  	p1 =	seq.s32 s10, $0x1;
	s10 =	sld [smem:$0x3FB3];
	_ =	sdelay $0x3  }
0x37: {  	[smem:$0x3FB3] =	sst s10  }
0x38: {  	s10 =	sld [smem:$0x3FB4]  }
0x39: {  	_ = 	snop;
	(pc) =	sbr.ind lr, $3  }
0x3a: {  	_ = 	snop  }
0x3b: {  	_ = 	snop  }
0x3c: {  	p2 =	seq.s32 s10, $0x1;
	s10 =	sld [smem:$0x3FB3]  }
0x3d: {  	_ =	shalt  }
0x3e: {  	_ =	shalt  }
0x3f: {  	_ =	shalt  }
0x40: {  	_ =	shalt  }
0x41: {  	_ =	shalt  }
0x42: {  	_ =	shalt  }
0x43: {  	_ =	shalt  }
0x44: {  	_ =	shalt  }
0x45: {  	_ =	shalt  }
0x46: {  	_ =	shalt  }
0x47: {  	_ =	shalt  }
0x48: {  	_ =	shalt  }
0x49: {  	_ =	shalt  }
0x4a: {  	_ =	shalt  }
0x4b: {  	_ =	shalt  }
0x4c: {  	_ =	shalt  }
0x4d: {  	_ =	shalt  }
0x4e: {  	_ =	shalt  }
0x4f: {  	_ =	shalt  }
0x50: {  	_ =	shalt  }
0x51: {  	_ =	shalt  }
0x52: {  	_ =	shalt  }
0x53: {  	_ =	shalt  }
0x54: {  	_ =	shalt  }
0x55: {  	_ =	shalt  }
0x56: {  	_ =	shalt  }
0x57: {  	_ =	shalt  }
0x58: {  	_ =	shalt  }
0x59: {  	_ =	shalt  }
0x5a: {  	_ =	shalt  }
0x5b: {  	_ =	shalt  }
0x5c: {  	_ =	shalt  }
0x5d: {  	_ =	shalt  }
0x5e: {  	_ =	shalt  }
0x5f: {  	_ =	shalt  }
0x60: {  	_ =	shalt  }
0x61: {  	_ =	shalt  }
0x62: {  	_ =	shalt  }
0x63: {  	_ =	shalt  }
0x64: {  	_ =	shalt  }
0x65: {  	_ =	shalt  }
0x66: {  	_ =	shalt  }
0x67: {  	_ =	shalt  }
0x68: {  	_ =	shalt  }
0x69: {  	_ =	shalt  }
0x6a: {  	_ =	shalt  }
0x6b: {  	_ =	shalt  }
0x6c: {  	_ =	shalt  }
0x6d: {  	_ =	shalt  }
0x6e: {  	_ =	shalt  }
0x6f: {  	_ =	shalt  }
0x70: {  	_ =	shalt  }
0x71: {  	_ =	shalt  }
0x72: {  	_ =	shalt  }
0x73: {  	_ =	shalt  }
0x74: {  	_ =	shalt  }
0x75: {  	_ =	shalt  }
0x76: {  	_ =	shalt  }
0x77: {  	_ =	shalt  }
0x78: {  	_ =	shalt  }
0x79: {  	_ =	shalt  }
0x7a: {  	_ =	shalt  }
0x7b: {  	_ =	shalt  }
0x7c: {  	_ =	shalt  }
0x7d: {  	_ =	shalt  }
0x7e: {  	_ =	shalt  }
0x7f: {  	_ =	shalt  }
0x80: {  	_ =	shalt  }
0x81: {  	_ =	shalt  }
0x82: {  	_ =	shalt  }
0x83: {  	_ =	shalt  }
0x84: {  	_ =	shalt  }
0x85: {  	_ =	shalt  }
0x86: {  	_ =	shalt  }
0x87: {  	_ =	shalt  }
.Lfunc_end0:
.L_simem_size_0:
called_computation.2_lowered:
.L_overlay_start_0:
0x88: {  	s2 =	sld [smem:$0x3FD9]  }
0x89: {  	s3 =	sld [smem:$0x3FFE];
	_ =	sdelay $0x1  }
0x8a: {  	s1 =	srdreg.scid  }
0x8b: {  	s0 =	sand.u32 $0x1, s1  }
0x8c: {  	s16 =	sshll.u32 s0, $0xA;
	s2 =	sadd.s32 s3, s2  }
0x8d: {  	s2 =	sadd.s32 s2, s16  }
0x8e: {  	[smem:$0x3FBF] =	sst s2  }
0x8f: {  	_ = 	snop  }
0x90: {  	(tm) =	ssettm $0x1  }
0x91: {  	s17 =	sld [smem:$0x3FFB];
	_ =	sdelay $0x3  }
0x92: {  	_ =	strace s17  }
0x93: {  	s2 =	sld [smem:$0x3FFC];
	_ =	sdelay $0x3  }
0x94: {  	_ =	strace s2  }
0x95: {  	s2 =	sld [smem:$0x3FFD];
	_ =	sdelay $0x3  }
0x96: {  	_ =	strace s2  }
0x97: {  	_ =	strace $0x8FFFFFFF  }
0x98: {  	s18 =	sld [smem:$0x3FDB];
	_ =	sdelay $0x1  }
0x99: {  	s19 =	simm.s32 $_scs_section_size  }
0x9a: {  	s4 =	simm.s32 $_size__tile_overlayer_lowered;
	s5 =	simm.s32 $_tile_overlayer_lowered  }
0x9b: {  	s22 =	simm.s32 $0x1BFF;
	s21 =	sshll.u32 s5, $0x1;
	s2 =	sadd.s32 s19, s18  }
0x9c: {  	s6 =	simm.s32 $0x0;
	s20 =	sshll.u32 s4, $0x1;
	s4 =	sadd.s32 s21, s2  }
0x9d: {  	[timem:s6], [sflag:s22] =	dma.local [hbm:s4], s20  }
0x9e: {  	_ =	swait.ge [sflag:s22], s20  }
0x9f: {  	s3 =	ssub.s32 $0x0, s20;
	[sflag:s22] =	ssyncset.done $0x0  }
0xa0: {  	[sflag:s22] =	ssyncadd.s32 s3;
	_ =	sdelay $0x1  }
0xa1: {  	s23 =	simm.s32 $0x1B8B  }
0xa2: {  	_ =	swait.ge [sflag:s23], $0x1  }
0xa3: {  	[sflag:s23] =	ssyncset.done $0x0  }
0xa4: {  	s25 =	simm.s32 $0x1B8E;
	s24 =	sld [smem:$0x3FFE];
	[sflag:s23] =	ssyncadd.s32 $0xFFFFFFFF  }
0xa5: {  	s26 =	simm.s32 $execute0_lowered;
	[smem:$0x3FD2] =	sst s25  }
0xa6: {  	s4 =	sshll.u32 s26, $0x1;
	_ =	strace $0x8000004C;
	[dreg:$0x1] =	wrdreg $0xFFFFFFFF  }
0xa7: {  	s28 =	simm.s32 $_size_execute0_lowered;
	s2 =	sadd.s32 s2, s4;
	[dreg:$0x0] =	wrdreg $0x0  }
0xa8: {  	s4 =	sshll.u32 s28, $0x1;
	[dreg:$0x2] =	wrdreg s2  }
0xa9: {  	[dreg:$0x3] =	wrdreg s4  }
0xaa: {  	[dreg:$0x4] =	wrdreg $0xC0  }
0xab: {  	_ =	task [dreg:s6], $0x5FFFF  }
0xac: {  	[dreg:$0x1] =	wrdreg $0xFFFFFFFF  }
0xad: {  	[dreg:$0x0] =	wrdreg $0x60  }
0xae: {  	[dreg:$0x2] =	wrdreg s24  }
0xaf: {  	[dreg:$0x3] =	wrdreg $0x90000  }
0xb0: {  	[dreg:$0x4] =	wrdreg $0x9  }
0xb1: {  	_ =	task.clear_ibuf [dreg:s6], $0x5FFFF;
	_ =	strace $0x9000004C  }
0xb2: {  	s29 =	simm.s32 $0x9;
	_ =	strace $0x8000004E  }
0xb3: {  	_ =	swait.ge [sflag:s29], $0x1  }
0xb4: {  	[sflag:s29] =	ssyncadd.s32 $0xFFFFFFFF  }
0xb5: {  	_ =	strace $0x9000004E  }
0xb6: {  	_ =	sfence  }
0xb7: {  	s30 =	sld [smem:$0x0];
	_ =	sdelay $0x2  }
0xb8: {  	s31 =	sshll.u32 s1, $0xD;
	s1 =	sshrl.u32 s1, $0x2  }
0xb9: {  	s3 =	sand.u32 $0x4000, s31;
	s1 =	sadd.s32 s1, s30  }
0xba: {  	s0 =	sor.u32 s3, s0;
	s1 =	sshll.u32 s1, $0x11  }
0xbb: {  	s0 =	sor.u32 s1, s0  }
0xbc: {  	s0 =	sadd.s32 $0x8F2B, s0  }
0xbd: {  	[sflag:s0] =	ssyncadd.remote.s32 $0x1  }
0xbe: {  	_ =	sfence.sel $0xFFFF  }
0xbf: {  	[dreg:$0x0] =	wrdreg $0xFFFFFFFF;
	(pc) =	sbr.abs _section_cstart, $3  }
0xc0: {  	[dreg:$0x1] =	wrdreg $0xFFFFFFFF  }
0xc1: {  	_ =	task.clear_ibuf [dreg:s6], $0x2FFFF;
	_ =	strace $0x9FFFFFFF  }
0xc2: {  	(tm) =	ssettm $0x7FFFFFFF  }
0xc3: {  	_ =	shalt  }
tec
execute0_lowered:
.L_overlay_start_1:
0x0: {  	(tag) =	ssettag $0x1  }
0x1: {  	s0 =	rddreg [dreg:$0x0];
	s1 =	srdreg.scid  }
0x2: {  	s11 =	stileid.u32;
	s2 =	rddreg [dreg:$0x1]  }
0x3: {  	s3 =	simm.s32 $0x0;
	s12 =	simm.s32 $0x2800;
	s13 =	simm.s32 $0x80  }
0x4: {  	s14 =	simm.s32 $0x5000;
	s15 =	simm.s32 $0x6000;
	s17 =	simm.s32 $0x7000  }
0x5: {  	s18 =	simm.s32 $0x1;
	s20 =	simm.s32 $0x8000;
	s21 =	simm.s32 $0x2  }
0x6: {  	s23 =	simm.s32 $0x5;
	s26 =	simm.s32 $0x3;
	s29 =	simm.s32 $0x6  }
0x7: {  	s31 =	simm.s32 $0x4;
	s19 =	simm.s32 $0x8;
	s30 =	simm.s32 $0x4F00  }
0x8: {  	s1 =	sand.u32 $0x1, s1;
	s4 =	sshll.u32 s11, $0x1;
	[smem:$0x7FF] =	sst s3  }
0x9: {  	s5 =	smul.u32 $0x5000, s11;
	s28 =	sshll.u32 s11, $0x6;
	s11 =	simm.s32 $0x9  }
0xa: {  	s4 =	sor.u32 s1, s4;
	_ =	strace $0x8000004D;
	s6 =	smul.u32 $0xA000, s1  }
0xb: {  	s1 =	ssub.s32 $0x2, s1;
	s4 =	smul.u32 $0x500, s4;
	s16 =	sshrl.u32 s5, $0x3  }
0xc: {  	s7 =	sshrl.u32 s1, $0x1;
	s10 =	sadd.s32 s5, s2;
	s9 =	sadd.s32 s16, s0  }
0xd: {  	s1 =	ssub.s32 s1, s7;
	s10 =	sshrl.u32 s10, $0x3;
	s8 =	sadd.s32 s4, s0  }
0xe: {  	s4 =	sadd.s32 $0x3F800, s0;
	s0 =	sadd.s32 s6, s0;
	s5 =	sadd.s32 $0x49800, s9  }
0xf: {  	s6 =	sor.u32 $0x1C09, s28;
	s9 =	smax.u32 s1, $0x1;
	s1 =	simm.s32 $0x4F80  }
0x10: {  	s7 =	sadd.s32 $0xD800, s8;
	s8 =	sadd.s32 $0x2800, s8;
	s0 =	sadd.s32 $0x53800, s0  }
0x11: {  	s24 =	sadd.s32 s16, s0;
	s0 =	simm.s32 $0x7;
	s16 =	simm.s32 $0x0  }
.LBB2_1:
0x12: {  	[spmem:s10], [sflag:s6] =	dma.local [hbm:s5], $0xA00  }
0x13: {  	_ =	swait.ge [sflag:s11], $0xA00  }
0x14: {  	[sflag:s11] =	ssyncset.done $0x0  }
0x15: {  	[sflag:s11] =	ssyncadd.s32 $0xFFFFF600  }
0x16: {  	[tilespmem:s3], [sflag:$0x9] =	stream.linear.gather [hbm4b:s7+s3], $0x2800, $0x38;
	[tilespmem:$0xE000] =	vst v63  }
0x17: {  	_ =	swait.ge [sflag:s11], $0x2800  }
0x18: {  	[sflag:s11] =	ssyncset.done $0x0  }
0x19: {  	[sflag:s11] =	ssyncadd.s32 $0xFFFFD800  }
0x1a: {  	[tilespmem:s12], [sflag:$0x9] =	stream.linear.gather [hbm4b:s8+s3], $0x2800, $0x38;
	[tilespmem:$0xE000] =	vst v63  }
0x1b: {  	_ =	swait.ge [sflag:s11], $0x2800  }
0x1c: {  	[sflag:s11] =	ssyncset.done $0x0  }
0x1d: {  	[sflag:s11] =	ssyncadd.s32 $0xFFFFD800  }
0x1e: {  	[bflag:$0x0] =	sbarrier.arrive $0xFFFF  }
0x1f: {  	[tilespmem:s14], [sflag:$0x1] =	stream.indirect.gather [hbm4b:s4+s13], $0x20, s3, s13, $0xb8;
	[tilespmem:$0xE000] =	vst v63  }
0x20: {  	_ = 	snop  }
0x21: {  	[tilespmem:s15], [sflag:$0x2] =	stream.indirect.gather [hbm4b:s4+s13], $0x20, s13, s13, $0xb8;
	[tilespmem:$0xE000] =	vst v63  }
0x22: {  	s22 =	simm.s32 $0x100  }
0x23: {  	[tilespmem:s17], [sflag:$0x3] =	stream.indirect.gather [hbm4b:s4+s13], $0x20, s22, s13, $0xb8;
	[tilespmem:$0xE000] =	vst v63  }
0x24: {  	_ =	swait.ge [sflag:s18], $0x1000  }
0x25: {  	[sflag:s18] =	ssyncset.done $0x0  }
0x26: {  	[sflag:s18] =	ssyncadd.s32 $0xFFFFF000  }
0x27: {  	[spmem:s2] =	stream.indirect.scatter.add.f32 [tilespmem:s14], [sflag:$0x5], $0x20, s12, s13, $0xb8;
	[tilespmem:$0xE000] =	vst v63  }
0x28: {  	s25 =	simm.s32 $0x180  }
0x29: {  	[tilespmem:s20], [sflag:$0x4] =	stream.indirect.gather [hbm4b:s4+s13], $0x20, s25, s13, $0xb8;
	[tilespmem:$0xE000] =	vst v63  }
0x2a: {  	_ =	swait.ge [sflag:s21], $0x1000  }
0x2b: {  	[sflag:s21] =	ssyncset.done $0x0  }
0x2c: {  	s28 =	simm.s32 $0x2880;
	[sflag:s21] =	ssyncadd.s32 $0xFFFFF000  }
0x2d: {  	[spmem:s2] =	stream.indirect.scatter.add.f32 [tilespmem:s15], [sflag:$0x6], $0x20, s28, s13, $0xb8;
	[tilespmem:$0xE000] =	vst v63  }
0x2e: {  	_ =	swait.ge [sflag:s23], $0x1000  }
0x2f: {  	[sflag:s23] =	ssyncset.done $0x0  }
0x30: {  	s25 =	simm.s32 $0x200;
	[sflag:s23] =	ssyncadd.s32 $0xFFFFF000  }
0x31: {  	[tilespmem:s14], [sflag:$0x1] =	stream.indirect.gather [hbm4b:s4+s13], $0x20, s25, s13, $0xb8;
	[tilespmem:$0xE000] =	vst v63  }
0x32: {  	_ =	swait.ge [sflag:s26], $0x1000  }
0x33: {  	[sflag:s26] =	ssyncset.done $0x0  }
0x34: {  	s28 =	simm.s32 $0x2900;
	[sflag:s26] =	ssyncadd.s32 $0xFFFFF000  }
0x35: {  	[spmem:s2] =	stream.indirect.scatter.add.f32 [tilespmem:s17], [sflag:$0x7], $0x20, s28, s13, $0xb8;
	[tilespmem:$0xE000] =	vst v63  }
0x36: {  	_ =	swait.ge [sflag:s29], $0x1000  }
0x37: {  	[sflag:s29] =	ssyncset.done $0x0  }
0x38: {  	s25 =	simm.s32 $0x280;
	[sflag:s29] =	ssyncadd.s32 $0xFFFFF000  }
0x39: {  	[tilespmem:s15], [sflag:$0x2] =	stream.indirect.gather [hbm4b:s4+s13], $0x20, s25, s13, $0xb8;
	[tilespmem:$0xE000] =	vst v63  }
0x3a: {  	_ =	swait.ge [sflag:s31], $0x1000  }
0x3b: {  	[sflag:s31] =	ssyncset.done $0x0  }
0x3c: {  	s28 =	simm.s32 $0x2980;
	[sflag:s31] =	ssyncadd.s32 $0xFFFFF000  }
0x3d: {  	[spmem:s2] =	stream.indirect.scatter.add.f32 [tilespmem:s20], [sflag:$0x8], $0x20, s28, s13, $0xb8;
	[tilespmem:$0xE000] =	vst v63  }
0x3e: {  	_ =	swait.ge [sflag:s0], $0x1000  }
0x3f: {  	[sflag:s0] =	ssyncset.done $0x0  }
0x40: {  	s25 =	simm.s32 $0x300;
	[sflag:s0] =	ssyncadd.s32 $0xFFFFF000  }
0x41: {  	[tilespmem:s17], [sflag:$0x3] =	stream.indirect.gather [hbm4b:s4+s13], $0x20, s25, s13, $0xb8;
	[tilespmem:$0xE000] =	vst v63  }
0x42: {  	_ =	swait.ge [sflag:s18], $0x1000  }
0x43: {  	[sflag:s18] =	ssyncset.done $0x0  }
0x44: {  	s28 =	simm.s32 $0x2A00;
	[sflag:s18] =	ssyncadd.s32 $0xFFFFF000  }
0x45: {  	[spmem:s2] =	stream.indirect.scatter.add.f32 [tilespmem:s14], [sflag:$0x5], $0x20, s28, s13, $0xb8;
	[tilespmem:$0xE000] =	vst v63  }
0x46: {  	_ =	swait.ge [sflag:s19], $0x1000  }
0x47: {  	[sflag:s19] =	ssyncset.done $0x0  }
0x48: {  	s25 =	simm.s32 $0x380;
	[sflag:s19] =	ssyncadd.s32 $0xFFFFF000  }
0x49: {  	[tilespmem:s20], [sflag:$0x4] =	stream.indirect.gather [hbm4b:s4+s13], $0x20, s25, s13, $0xb8;
	[tilespmem:$0xE000] =	vst v63  }
0x4a: {  	_ =	swait.ge [sflag:s21], $0x1000  }
0x4b: {  	[sflag:s21] =	ssyncset.done $0x0  }
0x4c: {  	s28 =	simm.s32 $0x2A80;
	[sflag:s21] =	ssyncadd.s32 $0xFFFFF000  }
0x4d: {  	[spmem:s2] =	stream.indirect.scatter.add.f32 [tilespmem:s15], [sflag:$0x6], $0x20, s28, s13, $0xb8;
	[tilespmem:$0xE000] =	vst v63  }
0x4e: {  	_ =	swait.ge [sflag:s23], $0x1000  }
0x4f: {  	[sflag:s23] =	ssyncset.done $0x0  }
0x50: {  	s25 =	simm.s32 $0x400;
	[sflag:s23] =	ssyncadd.s32 $0xFFFFF000  }
0x51: {  	[tilespmem:s14], [sflag:$0x1] =	stream.indirect.gather [hbm4b:s4+s13], $0x20, s25, s13, $0xb8;
	[tilespmem:$0xE000] =	vst v63  }
0x52: {  	_ =	swait.ge [sflag:s26], $0x1000  }
0x53: {  	[sflag:s26] =	ssyncset.done $0x0  }
0x54: {  	s28 =	simm.s32 $0x2B00;
	[sflag:s26] =	ssyncadd.s32 $0xFFFFF000  }
0x55: {  	[spmem:s2] =	stream.indirect.scatter.add.f32 [tilespmem:s17], [sflag:$0x7], $0x20, s28, s13, $0xb8;
	[tilespmem:$0xE000] =	vst v63  }
0x56: {  	_ =	swait.ge [sflag:s29], $0x1000  }
0x57: {  	[sflag:s29] =	ssyncset.done $0x0  }
0x58: {  	s25 =	simm.s32 $0x480;
	[sflag:s29] =	ssyncadd.s32 $0xFFFFF000  }
0x59: {  	[tilespmem:s15], [sflag:$0x2] =	stream.indirect.gather [hbm4b:s4+s13], $0x20, s25, s13, $0xb8;
	[tilespmem:$0xE000] =	vst v63  }
0x5a: {  	_ =	swait.ge [sflag:s31], $0x1000  }
0x5b: {  	[sflag:s31] =	ssyncset.done $0x0  }
0x5c: {  	s28 =	simm.s32 $0x2B80;
	[sflag:s31] =	ssyncadd.s32 $0xFFFFF000  }
0x5d: {  	[spmem:s2] =	stream.indirect.scatter.add.f32 [tilespmem:s20], [sflag:$0x8], $0x20, s28, s13, $0xb8;
	[tilespmem:$0xE000] =	vst v63  }
0x5e: {  	_ =	swait.ge [sflag:s0], $0x1000  }
0x5f: {  	[sflag:s0] =	ssyncset.done $0x0  }
0x60: {  	s22 =	simm.s32 $0x800;
	s25 =	simm.s32 $0x500;
	[sflag:s0] =	ssyncadd.s32 $0xFFFFF000  }
.LBB2_2:
0x61: {  	[tilespmem:s17], [sflag:$0x3] =	stream.indirect.gather [hbm4b:s4+s13], $0x20, s25, s13, $0xb8;
	[tilespmem:$0xE000] =	vst v63  }
0x62: {  	s25 =	smov.u32 s22  }
0x63: {  	p0 =	sne.s32 s22, $0x8800;
	s22 =	sadd.s32 $0x800, s22;
	_ =	swait.ge [sflag:s18], $0x1000  }
0x64: {  	s25 =	sshra.s32 s25, $0x2;
	[sflag:s18] =	ssyncset.done $0x0  }
0x65: {  	s28 =	sadd.s32 $0x2A00, s25;
	[sflag:s18] =	ssyncadd.s32 $0xFFFFF000  }
0x66: {  	[spmem:s2] =	stream.indirect.scatter.add.f32 [tilespmem:s14], [sflag:$0x5], $0x20, s28, s13, $0xb8;
	[tilespmem:$0xE000] =	vst v63  }
0x67: {  	_ =	swait.ge [sflag:s19], $0x1000  }
0x68: {  	[sflag:s19] =	ssyncset.done $0x0  }
0x69: {  	s28 =	sadd.s32 $0x380, s25;
	[sflag:s19] =	ssyncadd.s32 $0xFFFFF000  }
0x6a: {  	[tilespmem:s20], [sflag:$0x4] =	stream.indirect.gather [hbm4b:s4+s13], $0x20, s28, s13, $0xb8;
	[tilespmem:$0xE000] =	vst v63  }
0x6b: {  	_ =	swait.ge [sflag:s21], $0x1000  }
0x6c: {  	[sflag:s21] =	ssyncset.done $0x0  }
0x6d: {  	s28 =	sadd.s32 $0x2A80, s25;
	[sflag:s21] =	ssyncadd.s32 $0xFFFFF000  }
0x6e: {  	[spmem:s2] =	stream.indirect.scatter.add.f32 [tilespmem:s15], [sflag:$0x6], $0x20, s28, s13, $0xb8;
	[tilespmem:$0xE000] =	vst v63  }
0x6f: {  	_ =	swait.ge [sflag:s23], $0x1000  }
0x70: {  	[sflag:s23] =	ssyncset.done $0x0  }
0x71: {  	s28 =	sadd.s32 $0x400, s25;
	[sflag:s23] =	ssyncadd.s32 $0xFFFFF000  }
0x72: {  	[tilespmem:s14], [sflag:$0x1] =	stream.indirect.gather [hbm4b:s4+s13], $0x20, s28, s13, $0xb8;
	[tilespmem:$0xE000] =	vst v63  }
0x73: {  	_ =	swait.ge [sflag:s26], $0x1000  }
0x74: {  	[sflag:s26] =	ssyncset.done $0x0  }
0x75: {  	s28 =	sadd.s32 $0x2B00, s25;
	[sflag:s26] =	ssyncadd.s32 $0xFFFFF000  }
0x76: {  	[spmem:s2] =	stream.indirect.scatter.add.f32 [tilespmem:s17], [sflag:$0x7], $0x20, s28, s13, $0xb8;
	[tilespmem:$0xE000] =	vst v63  }
0x77: {  	_ =	swait.ge [sflag:s29], $0x1000  }
0x78: {  	[sflag:s29] =	ssyncset.done $0x0  }
0x79: {  	s28 =	sadd.s32 $0x480, s25;
	[sflag:s29] =	ssyncadd.s32 $0xFFFFF000  }
0x7a: {  	[tilespmem:s15], [sflag:$0x2] =	stream.indirect.gather [hbm4b:s4+s13], $0x20, s28, s13, $0xb8;
	[tilespmem:$0xE000] =	vst v63  }
0x7b: {  	_ =	swait.ge [sflag:s31], $0x1000  }
0x7c: {  	[sflag:s31] =	ssyncset.done $0x0  }
.Ltmp0:
0x7d: {  	s28 =	sadd.s32 $0x2B80, s25;
	[sflag:s31] =	ssyncadd.s32 $0xFFFFF000;
	(pc) =	sbr.rel @p0 .LBB2_2-.Ltmp0, $4  }
0x7e: {  	[spmem:s2] =	stream.indirect.scatter.add.f32 [tilespmem:s20], [sflag:$0x8], $0x20, s28, s13, $0xb8;
	[tilespmem:$0xE000] =	vst v63  }
0x7f: {  	_ =	swait.ge [sflag:s0], $0x1000  }
0x80: {  	[sflag:s0] =	ssyncset.done $0x0  }
0x81: {  	s25 =	sadd.s32 $0x500, s25;
	[sflag:s0] =	ssyncadd.s32 $0xFFFFF000  }
0x82: {  	[tilespmem:s17], [sflag:$0x3] =	stream.indirect.gather [hbm4b:s4+s13], $0x20, s25, s13, $0xb8;
	[tilespmem:$0xE000] =	vst v63  }
0x83: {  	_ =	swait.ge [sflag:s18], $0x1000  }
0x84: {  	[sflag:s18] =	ssyncset.done $0x0  }
0x85: {  	s22 =	simm.s32 $0x4E00;
	[sflag:s18] =	ssyncadd.s32 $0xFFFFF000  }
0x86: {  	[spmem:s2] =	stream.indirect.scatter.add.f32 [tilespmem:s14], [sflag:$0x5], $0x20, s22, s13, $0xb8;
	[tilespmem:$0xE000] =	vst v63  }
0x87: {  	_ =	swait.ge [sflag:s19], $0x1000  }
0x88: {  	[sflag:s19] =	ssyncset.done $0x0  }
0x89: {  	s25 =	simm.s32 $0x2780;
	[sflag:s19] =	ssyncadd.s32 $0xFFFFF000  }
0x8a: {  	[tilespmem:s20], [sflag:$0x4] =	stream.indirect.gather [hbm4b:s4+s13], $0x20, s25, s13, $0xb8;
	[tilespmem:$0xE000] =	vst v63  }
0x8b: {  	_ =	swait.ge [sflag:s21], $0x1000  }
0x8c: {  	[sflag:s21] =	ssyncset.done $0x0  }
0x8d: {  	s28 =	simm.s32 $0x4E80;
	[sflag:s21] =	ssyncadd.s32 $0xFFFFF000  }
0x8e: {  	[spmem:s2] =	stream.indirect.scatter.add.f32 [tilespmem:s15], [sflag:$0x6], $0x20, s28, s13, $0xb8;
	[tilespmem:$0xE000] =	vst v63  }
0x8f: {  	_ =	swait.ge [sflag:s26], $0x1000  }
0x90: {  	[sflag:s26] =	ssyncset.done $0x0  }
0x91: {  	[sflag:s26] =	ssyncadd.s32 $0xFFFFF000  }
0x92: {  	[spmem:s2] =	stream.indirect.scatter.add.f32 [tilespmem:s17], [sflag:$0x7], $0x20, s30, s13, $0xb8;
	[tilespmem:$0xE000] =	vst v63  }
0x93: {  	_ =	swait.ge [sflag:s31], $0x1000  }
0x94: {  	[sflag:s31] =	ssyncset.done $0x0  }
0x95: {  	[sflag:s31] =	ssyncadd.s32 $0xFFFFF000  }
0x96: {  	[spmem:s2] =	stream.indirect.scatter.add.f32 [tilespmem:s20], [sflag:$0x8], $0x20, s1, s13, $0xb8;
	[tilespmem:$0xE000] =	vst v63  }
0x97: {  	_ =	swait.ge [sflag:s23], $0x1000  }
0x98: {  	[sflag:s23] =	ssyncset.done $0x0  }
0x99: {  	[sflag:s23] =	ssyncadd.s32 $0xFFFFF000  }
0x9a: {  	_ =	swait.ge [sflag:s29], $0x1000  }
0x9b: {  	[sflag:s29] =	ssyncset.done $0x0  }
0x9c: {  	[sflag:s29] =	ssyncadd.s32 $0xFFFFF000  }
0x9d: {  	_ =	swait.ge [sflag:s0], $0x1000  }
0x9e: {  	[sflag:s0] =	ssyncset.done $0x0  }
0x9f: {  	[sflag:s0] =	ssyncadd.s32 $0xFFFFF000  }
0xa0: {  	_ =	swait.ge [sflag:s19], $0x1000  }
0xa1: {  	s16 =	sadd.s32 $0x1, s16;
	[sflag:s19] =	ssyncset.done $0x0  }
0xa2: {  	p0 =	sne.s32 s16, s9;
	[sflag:s19] =	ssyncadd.s32 $0xFFFFF000  }
.Ltmp1:
0xa3: {  	[bflag:$0x0] =	sbarrier.arrive $0xFFFF;
	(pc) =	sbr.rel @p0 .LBB2_1-.Ltmp1, $4  }
0xa4: {  	[hbm:s24], [sflag:s6] =	dma.local [spmem:s10], $0xA00  }
0xa5: {  	_ =	swait.ge [sflag:s11], $0xA00  }
0xa6: {  	[sflag:s11] =	ssyncset.done $0x0  }
0xa7: {  	[sflag:s11] =	ssyncadd.s32 $0xFFFFF600  }
0xa8: {  	_ =	sfence.sel $0x180000  }
0xa9: {  	[bflag:$0x0] =	sbarrier.arrive $0xFFFF  }
0xaa: {  	_ =	strace $0x9000004D  }
0xab: {  	s0 =	stileid.u32;
	[bflag:$0x2] =	sbarrier.arrive $0xFFFF  }
0xac: {  	p0 =	sne.s32 s0, $0x0;
	s0 =	rddreg [dreg:$0x2]  }
0xad: {  	s0 =	sadd.s32 @!p0 $0x100000, s0  }
0xae: {  	[sflag:s0] =	ssyncadd.tile.s32 @!p0 $0x1;
	_ =	shalt  }
.Lfunc_end2:
_tile_overlayer_lowered:
.L_overlay_start_2:
0xaf: {  	(tag) =	ssettag $0x2  }
0xb0: {  	s0 =	rddreg [dreg:$0x0];
	s2 =	stileid.u32  }
0xb1: {  	s1 =	rddreg [dreg:$0x1];
	p0 =	sne.s32 s2, $0x0  }
0xb2: {  	s3 =	rddreg [dreg:$0x2];
	[bflag:$0x3] =	sbarrier.arrive $0xFFFF;
	s2 =	simm.s32 @!p0 $0x1C09  }
0xb3: {  	[timem:s3], [sflag:s2] =	dma.local @!p0 [hbm:s0], s1  }
0xb4: {  	s0 =	simm.s32 @!p0 $0x9  }
0xb5: {  	_ =	swait.ge @!p0 [sflag:s0], s1  }
0xb6: {  	s1 =	ssub.s32 @!p0 $0x0, s1;
	[sflag:s0] =	ssyncset.done @!p0 $0x0  }
0xb7: {  	[sflag:s0] =	ssyncadd.s32 @!p0 s1  }
0xb8: {  	[bflag:$0x3] =	sbarrier.arrive $0xFFFF  }
0xb9: {  	_ =	shalt  }

// kernel: kernel.8.cloned.1.call-start
scs
__scs_entry_jumppad:
0x0: {  	(pc) =	sbr.rel $0x88, $3  }
0x1: {  	(tag) =	ssettag $0x0;
	lr =	simm.s32 $0x1  }
0x2: {  	[smem:$0x3F98] =	sst lr;
	_ =	strace $0xD0000000  }
0x3: {  	_ = 	snop  }
0x4: {  	_ = 	snop  }
0x5: {  	_ = 	snop  }
0x6: {  	_ = 	snop  }
0x7: {  	_ = 	snop  }
__scs_overlays_trampoline_lowered:
0x8: {  	[smem:$0x3FA7] =	sst s0  }
0x9: {  	[smem:$0x3FA8] =	sst s1  }
0xa: {  	[smem:$0x3FA9] =	sst s2  }
0xb: {  	[smem:$0x3FAA] =	sst s3  }
0xc: {  	[smem:$0x3FAB] =	sst s4  }
0xd: {  	[smem:$0x3FAC] =	sst s5  }
0xe: {  	[smem:$0x3FAD] =	sst s6  }
0xf: {  	[smem:$0x3FAE] =	sst s7  }
0x10: {  	[smem:$0x3FAF] =	sst s8  }
0x11: {  	[smem:$0x3FB0] =	sst s9;
	s0 =	simm.s32 @!p0 $0x0  }
0x12: {  	s1 =	sld [smem:$0x3F96];
	s0 =	simm.s32 @p0 $0x1  }
0x13: {  	[smem:$0x3FB1] =	sst s0;
	s0 =	simm.s32 @!p1 $0x0  }
0x14: {  	s2 =	sld [smem:$0x3F95];
	s0 =	simm.s32 @p1 $0x1  }
0x15: {  	[smem:$0x3FB2] =	sst s0;
	s0 =	simm.s32 @!p2 $0x0  }
0x16: {  	s3 =	sld [smem:$0x3FDB];
	s0 =	simm.s32 @p2 $0x1  }
0x17: {  	s4 =	simm.s32 $0x1BF5;
	[smem:$0x3FB4] =	sst s0  }
0x18: {  	s0 =	sld [smem:$0x3F97];
	_ =	swait.ge [sflag:s4], $0x0  }
0x19: {  	s7 =	sld [smem:$0x3F98]  }
0x1a: {  	s8 =	sadd.s32 $0xFFFFE003, lr  }
0x1b: {  	s9 =	sadd.s32 $0xFFFFFEF7, lr;
	s5 =	simm.s32 $0xFFFFFFFF;
	p2 =	slt.u32 s8, $0xFFFFF086  }
0x1c: {  	p1 =	slt.u32 s9, $0xF7A;
	s5 =	simm.s32 @!p2 $0x0  }
0x1d: {  	s5 =	simm.s32 @p1 $0x1;
	p0 =	seq.s32 s7, s2  }
0x1e: {  	s7 =	smul.u32 @!p0 $0xF7A, s2;
	p2 =	seq.s32 @!p0 s5, $0x0  }
0x1f: {  	s9 =	smul.u32 $0xF7A, s1;
	s8 =	simm.s32 @!p0 $0x1BF5;
	p2 =	por !p2, p0  }
0x20: {  	[sflag:s8] =	ssyncset.s32 @!p0 $0xFFFFF086;
	s6 =	sadd.s32 @!p0 s3, s7;
	s7 =	simm.s32 @!p0 $0x108  }
0x21: {  	s3 =	sadd.s32 s3, s9;
	s6 =	sadd.s32 @!p0 $0x88, s6;
	s7 =	simm.s32 @p2 $0x1082  }
0x22: {  	[simem:s7], [sflag:s8] =	dma.local @!p0 [hbm:s6], $0xF7A  }
0x23: {  	s9 =	sor.u32 $0xD0000000, s2;
	s6 =	simm.s32 $0x108;
	_ =	swait.ge @!p0 [sflag:s8], $0x0  }
0x24: {  	s3 =	sadd.s32 $0x88, s3;
	s6 =	simm.s32 @!p1 $0x1082;
	[sflag:s4] =	ssyncset.s32 $0xFFFFF086  }
0x25: {  	[simem:s6], [sflag:s4] =	dma.local [hbm:s3], $0xF7A  }
0x26: {  	[smem:$0x3F98] =	sst s1;
	(tag) =	ssettag s2;
	_ =	strace s9  }
0x27: {  	s1 =	sld [smem:$0x3FA8]  }
0x28: {  	s2 =	sld [smem:$0x3FA9]  }
0x29: {  	s4 =	sld [smem:$0x3FAB]  }
0x2a: {  	p0 =	seq.s32 s5, $0x0;
	s5 =	sld [smem:$0x3FAC]  }
0x2b: {  	s6 =	sld [smem:$0x3FAD]  }
0x2c: {  	s7 =	sld [smem:$0x3FAE]  }
0x2d: {  	s3 =	simm.s32 $0x108;
	s8 =	sld [smem:$0x3FAF]  }
0x2e: {  	s3 =	simm.s32 @!p0 $0x1082;
	s9 =	sld [smem:$0x3FB0]  }
0x2f: {  	lr =	sadd.s32 s0, s3;
	s0 =	sld [smem:$0x3FA7]  }
0x30: {  	s3 =	sld [smem:$0x3FAA]  }
0x31: {  	[smem:$0x3FB3] =	sst s10  }
0x32: {  	s10 =	sld [smem:$0x3FB1];
	_ =	sdelay $0x3  }
0x33: {  	p0 =	seq.s32 s10, $0x1;
	s10 =	sld [smem:$0x3FB3];
	_ =	sdelay $0x3  }
0x34: {  	[smem:$0x3FB3] =	sst s10  }
0x35: {  	s10 =	sld [smem:$0x3FB2];
	_ =	sdelay $0x3  }
0x36: {  	p1 =	seq.s32 s10, $0x1;
	s10 =	sld [smem:$0x3FB3];
	_ =	sdelay $0x3  }
0x37: {  	[smem:$0x3FB3] =	sst s10  }
0x38: {  	s10 =	sld [smem:$0x3FB4]  }
0x39: {  	_ = 	snop;
	(pc) =	sbr.ind lr, $3  }
0x3a: {  	_ = 	snop  }
0x3b: {  	_ = 	snop  }
0x3c: {  	p2 =	seq.s32 s10, $0x1;
	s10 =	sld [smem:$0x3FB3]  }
0x3d: {  	_ =	shalt  }
0x3e: {  	_ =	shalt  }
0x3f: {  	_ =	shalt  }
0x40: {  	_ =	shalt  }
0x41: {  	_ =	shalt  }
0x42: {  	_ =	shalt  }
0x43: {  	_ =	shalt  }
0x44: {  	_ =	shalt  }
0x45: {  	_ =	shalt  }
0x46: {  	_ =	shalt  }
0x47: {  	_ =	shalt  }
0x48: {  	_ =	shalt  }
0x49: {  	_ =	shalt  }
0x4a: {  	_ =	shalt  }
0x4b: {  	_ =	shalt  }
0x4c: {  	_ =	shalt  }
0x4d: {  	_ =	shalt  }
0x4e: {  	_ =	shalt  }
0x4f: {  	_ =	shalt  }
0x50: {  	_ =	shalt  }
0x51: {  	_ =	shalt  }
0x52: {  	_ =	shalt  }
0x53: {  	_ =	shalt  }
0x54: {  	_ =	shalt  }
0x55: {  	_ =	shalt  }
0x56: {  	_ =	shalt  }
0x57: {  	_ =	shalt  }
0x58: {  	_ =	shalt  }
0x59: {  	_ =	shalt  }
0x5a: {  	_ =	shalt  }
0x5b: {  	_ =	shalt  }
0x5c: {  	_ =	shalt  }
0x5d: {  	_ =	shalt  }
0x5e: {  	_ =	shalt  }
0x5f: {  	_ =	shalt  }
0x60: {  	_ =	shalt  }
0x61: {  	_ =	shalt  }
0x62: {  	_ =	shalt  }
0x63: {  	_ =	shalt  }
0x64: {  	_ =	shalt  }
0x65: {  	_ =	shalt  }
0x66: {  	_ =	shalt  }
0x67: {  	_ =	shalt  }
0x68: {  	_ =	shalt  }
0x69: {  	_ =	shalt  }
0x6a: {  	_ =	shalt  }
0x6b: {  	_ =	shalt  }
0x6c: {  	_ =	shalt  }
0x6d: {  	_ =	shalt  }
0x6e: {  	_ =	shalt  }
0x6f: {  	_ =	shalt  }
0x70: {  	_ =	shalt  }
0x71: {  	_ =	shalt  }
0x72: {  	_ =	shalt  }
0x73: {  	_ =	shalt  }
0x74: {  	_ =	shalt  }
0x75: {  	_ =	shalt  }
0x76: {  	_ =	shalt  }
0x77: {  	_ =	shalt  }
0x78: {  	_ =	shalt  }
0x79: {  	_ =	shalt  }
0x7a: {  	_ =	shalt  }
0x7b: {  	_ =	shalt  }
0x7c: {  	_ =	shalt  }
0x7d: {  	_ =	shalt  }
0x7e: {  	_ =	shalt  }
0x7f: {  	_ =	shalt  }
0x80: {  	_ =	shalt  }
0x81: {  	_ =	shalt  }
0x82: {  	_ =	shalt  }
0x83: {  	_ =	shalt  }
0x84: {  	_ =	shalt  }
0x85: {  	_ =	shalt  }
0x86: {  	_ =	shalt  }
0x87: {  	_ =	shalt  }
.Lfunc_end0:
.L_simem_size_0:
called_computation_lowered:
.L_overlay_start_0:
0x88: {  	s2 =	sld [smem:$0x3FD9]  }
0x89: {  	s3 =	sld [smem:$0x3FFE];
	_ =	sdelay $0x1  }
0x8a: {  	s1 =	srdreg.scid  }
0x8b: {  	s0 =	sand.u32 $0x1, s1  }
0x8c: {  	s16 =	sshll.u32 s0, $0xA;
	s2 =	sadd.s32 s3, s2  }
0x8d: {  	s2 =	sadd.s32 s2, s16  }
0x8e: {  	[smem:$0x3FBF] =	sst s2  }
0x8f: {  	_ = 	snop  }
0x90: {  	(tm) =	ssettm $0x1  }
0x91: {  	s17 =	sld [smem:$0x3FFB];
	_ =	sdelay $0x3  }
0x92: {  	_ =	strace s17  }
0x93: {  	s2 =	sld [smem:$0x3FFC];
	_ =	sdelay $0x3  }
0x94: {  	_ =	strace s2  }
0x95: {  	s2 =	sld [smem:$0x3FFD];
	_ =	sdelay $0x3  }
0x96: {  	_ =	strace s2  }
0x97: {  	_ =	strace $0x8FFFFFFF  }
0x98: {  	s18 =	sld [smem:$0x3FDB];
	_ =	sdelay $0x1  }
0x99: {  	s19 =	simm.s32 $_scs_section_size  }
0x9a: {  	s4 =	simm.s32 $_size__tile_overlayer_lowered;
	s5 =	simm.s32 $_tile_overlayer_lowered  }
0x9b: {  	s22 =	simm.s32 $0x1BFF;
	s21 =	sshll.u32 s5, $0x1;
	s2 =	sadd.s32 s19, s18  }
0x9c: {  	s6 =	simm.s32 $0x0;
	s20 =	sshll.u32 s4, $0x1;
	s4 =	sadd.s32 s21, s2  }
0x9d: {  	[timem:s6], [sflag:s22] =	dma.local [hbm:s4], s20  }
0x9e: {  	_ =	swait.ge [sflag:s22], s20  }
0x9f: {  	s3 =	ssub.s32 $0x0, s20;
	[sflag:s22] =	ssyncset.done $0x0  }
0xa0: {  	[sflag:s22] =	ssyncadd.s32 s3;
	_ =	sdelay $0x1  }
0xa1: {  	s23 =	simm.s32 $0x1B8B  }
0xa2: {  	_ =	swait.ge [sflag:s23], $0x1  }
0xa3: {  	[sflag:s23] =	ssyncset.done $0x0  }
0xa4: {  	s25 =	simm.s32 $0x1B8E;
	s24 =	sld [smem:$0x3FFE];
	[sflag:s23] =	ssyncadd.s32 $0xFFFFFFFF  }
0xa5: {  	s26 =	simm.s32 $execute0_lowered;
	[smem:$0x3FD2] =	sst s25  }
0xa6: {  	s4 =	sshll.u32 s26, $0x1;
	_ =	strace $0x80000046;
	[dreg:$0x1] =	wrdreg $0xFFFFFFFF  }
0xa7: {  	s28 =	simm.s32 $_size_execute0_lowered;
	s2 =	sadd.s32 s2, s4;
	[dreg:$0x0] =	wrdreg $0x0  }
0xa8: {  	s4 =	sshll.u32 s28, $0x1;
	[dreg:$0x2] =	wrdreg s2  }
0xa9: {  	[dreg:$0x3] =	wrdreg s4  }
0xaa: {  	[dreg:$0x4] =	wrdreg $0xC0  }
0xab: {  	_ =	task [dreg:s6], $0x5FFFF  }
0xac: {  	[dreg:$0x1] =	wrdreg $0xFFFFFFFF  }
0xad: {  	[dreg:$0x0] =	wrdreg $0x60  }
0xae: {  	[dreg:$0x2] =	wrdreg s24  }
0xaf: {  	[dreg:$0x3] =	wrdreg $0x28800  }
0xb0: {  	[dreg:$0x4] =	wrdreg $0x9  }
0xb1: {  	_ =	task.clear_ibuf [dreg:s6], $0x5FFFF;
	_ =	strace $0x90000046  }
0xb2: {  	s29 =	simm.s32 $0x9;
	_ =	strace $0x80000048  }
0xb3: {  	_ =	swait.ge [sflag:s29], $0x1  }
0xb4: {  	[sflag:s29] =	ssyncadd.s32 $0xFFFFFFFF  }
0xb5: {  	_ =	strace $0x90000048  }
0xb6: {  	_ =	sfence  }
0xb7: {  	s30 =	sld [smem:$0x0];
	_ =	sdelay $0x2  }
0xb8: {  	s31 =	sshll.u32 s1, $0xD;
	s1 =	sshrl.u32 s1, $0x2  }
0xb9: {  	s3 =	sand.u32 $0x4000, s31;
	s1 =	sadd.s32 s1, s30  }
0xba: {  	s0 =	sor.u32 s3, s0;
	s1 =	sshll.u32 s1, $0x11  }
0xbb: {  	s0 =	sor.u32 s1, s0  }
0xbc: {  	s0 =	sadd.s32 $0x8F2B, s0  }
0xbd: {  	[sflag:s0] =	ssyncadd.remote.s32 $0x1  }
0xbe: {  	_ =	sfence.sel $0xFFFF  }
0xbf: {  	[dreg:$0x0] =	wrdreg $0xFFFFFFFF;
	(pc) =	sbr.abs _section_cstart, $3  }
0xc0: {  	[dreg:$0x1] =	wrdreg $0xFFFFFFFF  }
0xc1: {  	_ =	task.clear_ibuf [dreg:s6], $0x2FFFF;
	_ =	strace $0x9FFFFFFF  }
0xc2: {  	(tm) =	ssettm $0x7FFFFFFF  }
0xc3: {  	_ =	shalt  }
tec
execute0_lowered:
.L_overlay_start_1:
0x0: {  	(tag) =	ssettag $0x1  }
0x1: {  	s1 =	srdreg.scid  }
0x2: {  	s0 =	stileid.u32;
	s4 =	rddreg [dreg:$0x0]  }
0x3: {  	s2 =	rddreg [dreg:$0x1];
	s3 =	simm.s32 $0x0;
	s12 =	simm.s32 $0x1  }
0x4: {  	s13 =	simm.s32 $0x2;
	s5 =	sand.u32 $0x1, s1;
	s1 =	rddreg [dreg:$0x2]  }
0x5: {  	s30 =	sshll.u32 s0, $0x1;
	[smem:$0x7FF] =	sst s3;
	s7 =	smul.u32 $0x280, s0  }
0x6: {  	s31 =	sshll.u32 s0, $0x6;
	s6 =	sor.u32 s5, s30;
	s8 =	smul.u32 $0x500, s5  }
0x7: {  	_ =	strace $0x80000047;
	s5 =	ssub.s32 $0x2, s5;
	s6 =	smul.u32 $0x500, s6  }
0x8: {  	s14 =	sshrl.u32 s7, $0x3;
	s9 =	sshrl.u32 s5, $0x1;
	s11 =	sadd.s32 s7, s2  }
0x9: {  	s10 =	sadd.s32 s14, s4;
	s8 =	sadd.s32 s8, s4;
	s9 =	ssub.s32 s5, s9  }
0xa: {  	s5 =	sor.u32 $0x1C03, s31;
	s6 =	sadd.s32 s6, s4;
	s4 =	sadd.s32 $0xC800, s10  }
0xb: {  	s15 =	sadd.s32 $0xCE00, s8;
	s7 =	smax.u32 s9, $0x1;
	s8 =	sshrl.u32 s11, $0x3  }
0xc: {  	s9 =	simm.s32 $0x3;
	s10 =	simm.s32 $0x80;
	s11 =	simm.s32 $0x2800  }
0xd: {  	v0 =	vimm.f32 $1.000000000e+00;
	s6 =	sadd.s32 $0x2800, s6;
	s14 =	sadd.s32 s14, s15;
	s15 =	simm.s32 $0x0  }
.LBB2_1:
0xe: {  	[spmem:s8], [sflag:s5] =	dma.local [hbm:s4], $0x50  }
0xf: {  	_ =	swait.ge [sflag:s9], $0x50  }
0x10: {  	[sflag:s9] =	ssyncset.done $0x0  }
0x11: {  	[sflag:s9] =	ssyncadd.s32 $0xFFFFFFB0  }
0x12: {  	[tilespmem:s3], [sflag:$0x3] =	stream.linear.gather [hbm4b:s6+s3], $0x2800, $0x38;
	[tilespmem:$0x2B00] =	vst v63  }
0x13: {  	_ =	swait.ge [sflag:s9], $0x2800  }
0x14: {  	[sflag:s9] =	ssyncset.done $0x0  }
0x15: {  	[sflag:s9] =	ssyncadd.s32 $0xFFFFD800  }
0x16: {  	[tilespmem:$0x2800] =	vst v0  }
0x17: {  	[tilespmem:$0x2810] =	vst v0  }
0x18: {  	[tilespmem:$0x2820] =	vst v0  }
0x19: {  	[tilespmem:$0x2830] =	vst v0  }
0x1a: {  	[tilespmem:$0x2840] =	vst v0  }
0x1b: {  	[tilespmem:$0x2850] =	vst v0  }
0x1c: {  	[tilespmem:$0x2860] =	vst v0  }
0x1d: {  	[tilespmem:$0x2870] =	vst v0  }
0x1e: {  	[bflag:$0x0] =	sbarrier.arrive $0xFFFF  }
0x1f: {  	[spmem:s2] =	stream.indirect.scatter.add.f32 [tilespmem:s11], [sflag:$0x1], $0x1, s3, s10, $0xb8;
	[tilespmem:$0x2B00] =	vst v63  }
0x20: {  	_ = 	snop  }
0x21: {  	[spmem:s2] =	stream.indirect.scatter.add.f32 [tilespmem:s11], [sflag:$0x2], $0x1, s10, s10, $0xb8;
	[tilespmem:$0x2B00] =	vst v63  }
0x22: {  	_ =	swait.ge [sflag:s12], $0x80  }
0x23: {  	[sflag:s12] =	ssyncset.done $0x0  }
0x24: {  	s16 =	simm.s32 $0x100;
	[sflag:s12] =	ssyncadd.s32 $0xFFFFFF80  }
0x25: {  	[spmem:s2] =	stream.indirect.scatter.add.f32 [tilespmem:s11], [sflag:$0x1], $0x1, s16, s10, $0xb8;
	[tilespmem:$0x2B00] =	vst v63  }
0x26: {  	_ =	swait.ge [sflag:s13], $0x80  }
0x27: {  	[sflag:s13] =	ssyncset.done $0x0  }
0x28: {  	s17 =	simm.s32 $0x180;
	s16 =	simm.s32 $0xFFFF6800;
	[sflag:s13] =	ssyncadd.s32 $0xFFFFFF80  }
.LBB2_2:
0x29: {  	[spmem:s2] =	stream.indirect.scatter.add.f32 [tilespmem:s11], [sflag:$0x2], $0x1, s17, s10, $0xb8;
	[tilespmem:$0x2B00] =	vst v63  }
0x2a: {  	s17 =	smov.u32 s16  }
0x2b: {  	p0 =	sne.s32 s16, $0xFFFFFC00;
	s16 =	sadd.s32 $0x400, s16;
	_ =	swait.ge [sflag:s12], $0x80  }
0x2c: {  	s17 =	sshra.s32 s17, $0x2;
	[sflag:s12] =	ssyncset.done $0x0  }
.Ltmp0:
0x2d: {  	s18 =	sadd.s32 $0x2800, s17;
	[sflag:s12] =	ssyncadd.s32 $0xFFFFFF80;
	(pc) =	sbr.rel @p0 .LBB2_2-.Ltmp0, $4  }
0x2e: {  	[spmem:s2] =	stream.indirect.scatter.add.f32 [tilespmem:s11], [sflag:$0x1], $0x1, s18, s10, $0xb8;
	[tilespmem:$0x2B00] =	vst v63  }
0x2f: {  	_ =	swait.ge [sflag:s13], $0x80  }
0x30: {  	[sflag:s13] =	ssyncset.done $0x0  }
0x31: {  	s17 =	sadd.s32 $0x2880, s17;
	[sflag:s13] =	ssyncadd.s32 $0xFFFFFF80  }
0x32: {  	[spmem:s2] =	stream.indirect.scatter.add.f32 [tilespmem:s11], [sflag:$0x2], $0x1, s17, s10, $0xb8;
	[tilespmem:$0x2B00] =	vst v63  }
0x33: {  	_ =	swait.ge [sflag:s12], $0x80  }
0x34: {  	[sflag:s12] =	ssyncset.done $0x0  }
0x35: {  	[sflag:s12] =	ssyncadd.s32 $0xFFFFFF80  }
0x36: {  	_ =	swait.ge [sflag:s13], $0x80  }
0x37: {  	s15 =	sadd.s32 $0x1, s15;
	[sflag:s13] =	ssyncset.done $0x0  }
0x38: {  	p0 =	sne.s32 s15, s7;
	[sflag:s13] =	ssyncadd.s32 $0xFFFFFF80  }
.Ltmp1:
0x39: {  	[bflag:$0x0] =	sbarrier.arrive $0xFFFF;
	(pc) =	sbr.rel @p0 .LBB2_1-.Ltmp1, $4  }
0x3a: {  	[hbm:s14], [sflag:s5] =	dma.local [spmem:s8], $0x50  }
0x3b: {  	_ =	swait.ge [sflag:s9], $0x50  }
0x3c: {  	[sflag:s9] =	ssyncset.done $0x0  }
0x3d: {  	[sflag:s9] =	ssyncadd.s32 $0xFFFFFFB0  }
0x3e: {  	_ =	sfence.sel $0x180000  }
0x3f: {  	[bflag:$0x0] =	sbarrier.arrive $0xFFFF  }
0x40: {  	p0 =	sne.s32 s0, $0x0;
	_ =	strace $0x90000047  }
0x41: {  	s0 =	sadd.s32 @!p0 $0x100000, s1;
	[bflag:$0x2] =	sbarrier.arrive $0xFFFF  }
0x42: {  	[sflag:s0] =	ssyncadd.tile.s32 @!p0 $0x1;
	_ =	shalt  }
.Lfunc_end2:
_tile_overlayer_lowered:
.L_overlay_start_2:
0x43: {  	(tag) =	ssettag $0x2  }
0x44: {  	s0 =	rddreg [dreg:$0x0];
	s2 =	stileid.u32  }
0x45: {  	s1 =	rddreg [dreg:$0x1];
	p0 =	sne.s32 s2, $0x0  }
0x46: {  	s3 =	rddreg [dreg:$0x2];
	[bflag:$0x3] =	sbarrier.arrive $0xFFFF;
	s2 =	simm.s32 @!p0 $0x1C03  }
0x47: {  	[timem:s3], [sflag:s2] =	dma.local @!p0 [hbm:s0], s1  }
0x48: {  	s0 =	simm.s32 @!p0 $0x3  }
0x49: {  	_ =	swait.ge @!p0 [sflag:s0], s1  }
0x4a: {  	s1 =	ssub.s32 @!p0 $0x0, s1;
	[sflag:s0] =	ssyncset.done @!p0 $0x0  }
0x4b: {  	[sflag:s0] =	ssyncadd.s32 @!p0 s1  }
0x4c: {  	[bflag:$0x3] =	sbarrier.arrive $0xFFFF  }
0x4d: {  	_ =	shalt  }

</sc_bundles>
